<compile_context>
chip_gen: v7x
topology: tpu7x:2x2x1
jax: 0.10.2.dev20260603
libtpu: 0.0.44.dev20260713+nightly
codegen_flags: <defaults>
</compile_context>

<pallas_src>
import functools

import jax
import jax.numpy as jnp
from jax import lax
from jax.experimental import pallas as pl
from jax.experimental.pallas import tpu as pltpu
from jax.experimental.pallas import tpu_sc as plsc

N_SUB = 16
N_CW = 256
Q = 1024
K = 4096
LANES = 16
NUM_WORKERS = 32

Q_SC = 128
Q_TC = Q - Q_SC
QBLK = Q_SC // NUM_WORKERS
KTILE = 512
N_FLUSH = 2
K_PART = K // N_FLUSH
CHUNKS = K_PART // LANES



def _sc_body(table_hbm, qidx_hbm, kidxt_hbm, out_hbm,
             kidx_v, qidx_v, g_v, out_v, gsem):
    wid = lax.axis_index("s") * 2 + lax.axis_index("c")
    pltpu.sync_copy(kidxt_hbm, kidx_v)
    pltpu.sync_copy(qidx_hbm.at[pl.ds(wid, 1)], qidx_v)
    pltpu.async_copy(table_hbm.at[qidx_v.at[0]], g_v, gsem).wait()

    for h in range(N_FLUSH):
        def per_chunk(c, _):
            accs = [None] * QBLK
            for i in range(N_SUB):
                kv = kidx_v[i, pl.ds(h * K_PART + c * LANES, LANES)]
                for b in range(QBLK):
                    g = plsc.load_gather(
                        g_v, [jnp.full((LANES,), b * N_SUB + i, jnp.int32),
                              kv])
                    accs[b] = g if i == 0 else accs[b] + g
            for b in range(QBLK):
                out_v[b, pl.ds(c * LANES, LANES)] = accs[b]
            return ()

        lax.fori_loop(0, CHUNKS, per_chunk, ())
        pltpu.sync_copy(out_v,
                        out_hbm.at[pl.ds(wid * QBLK, QBLK),
                                   pl.ds(h * K_PART, K_PART)])


def _sc_part(qc_rows, k_code, table):
    table_flat = table.reshape(N_SUB * N_CW, N_CW)
    qidx = (qc_rows.astype(jnp.int32)
            + jnp.arange(N_SUB, dtype=jnp.int32)[None, :] * N_CW)
    qidx = qidx.reshape(NUM_WORKERS, QBLK * N_SUB)
    kidxt = k_code.T.astype(jnp.int32)

    mesh = plsc.VectorSubcoreMesh(core_axis_name="c", subcore_axis_name="s")
    f = functools.partial(
        pl.kernel,
        mesh=mesh,
        compiler_params=pltpu.CompilerParams(use_tc_tiling_on_sc=False,
                                             needs_layout_passes=False),
        out_type=jax.ShapeDtypeStruct((Q_SC, K), jnp.float32),
        scratch_types=[
            pltpu.VMEM((N_SUB, K), jnp.int32),
            pltpu.VMEM((1, QBLK * N_SUB), jnp.int32),
            pltpu.VMEM((QBLK * N_SUB, N_CW), jnp.float32),
            pltpu.VMEM((QBLK, K_PART), jnp.float32),
            pltpu.SemaphoreType.DMA,
        ],
    )(_sc_body)
    return f(table_flat, qidx, kidxt)



def _tc_body(qc_ref, table_ref, kc_ref, out_ref, g_scr, tb_scr):
    @pl.when(pl.program_id(0) == 0)
    def _build_g():
        qc = qc_ref[...]
        iota_q = lax.broadcasted_iota(jnp.int32, (Q_TC, N_CW), 1)
        for i in range(N_SUB):
            tb_scr[i] = table_ref[i].astype(jnp.bfloat16)
            oh = (qc[:, i:i + 1] == iota_q).astype(jnp.bfloat16)
            g_scr[:, i * N_CW:(i + 1) * N_CW] = lax.dot_general(
                oh, tb_scr[i], (((1,), (0,)), ((), ())),
                preferred_element_type=jnp.float32).astype(jnp.bfloat16)

    acc = jnp.zeros((Q_TC, KTILE), jnp.float32)
    iota_k = lax.broadcasted_iota(jnp.int32, (KTILE, N_CW), 1)
    for i in range(N_SUB):
        oh = (kc_ref[:, i:i + 1] == iota_k).astype(jnp.bfloat16)
        acc = acc + lax.dot_general(
            g_scr[:, i * N_CW:(i + 1) * N_CW], oh, (((1,), (1,)), ((), ())),
            preferred_element_type=jnp.float32)
    out_ref[:Q_TC, :] = acc


def _tc_part(qc_rows, k_code, table):
    return pl.pallas_call(
        _tc_body,
        grid=(K // KTILE,),
        in_specs=[
            pl.BlockSpec((Q_TC, N_SUB), lambda j: (0, 0)),
            pl.BlockSpec((N_SUB, N_CW, N_CW), lambda j: (0, 0, 0)),
            pl.BlockSpec((KTILE, N_SUB), lambda j: (j, 0)),
        ],
        out_specs=pl.BlockSpec((Q, KTILE), lambda j: (0, j)),
        out_shape=jax.ShapeDtypeStruct((Q, K), jnp.float32),
        scratch_shapes=[
            pltpu.VMEM((Q_TC, N_SUB * N_CW), jnp.bfloat16),
            pltpu.VMEM((N_SUB, N_CW, N_CW), jnp.bfloat16),
        ],
    )(qc_rows.astype(jnp.int32), table, k_code.astype(jnp.int32))


def _patch_body(big_ref, sc_ref, out_ref):
    del big_ref
    out_ref[...] = sc_ref[...]


def _patch(big, out_sc):
    return pl.pallas_call(
        _patch_body,
        grid=(K // KTILE,),
        in_specs=[
            pl.BlockSpec((8, 128), lambda j: (0, 0)),
            pl.BlockSpec((Q_SC, KTILE), lambda j: (0, j)),
        ],
        out_specs=pl.BlockSpec((Q_SC, KTILE), lambda j: (Q // Q_SC - 1, j)),
        out_shape=jax.ShapeDtypeStruct((Q, K), jnp.float32),
        input_output_aliases={0: 0},
    )(big, out_sc)


def kernel(q_code, k_code, table):
    out_tc = _tc_part(q_code[:Q_TC], k_code, table)
    out_sc = _sc_part(q_code[Q_TC:], k_code, table)
    return _patch(out_tc, out_sc)

# --- scband reference (transcript-rebuilt; emitter-appended) ---
"""Pipeline reference for scband-pqtable-28690381537807 (READ-ONLY COPY).

The authoritative reference and input builder live on the scoring server;
editing this copy changes nothing except your own understanding.
"""

import jax, jax.numpy as jnp
import numpy as np

N_SUBSPACES = 16
N_CODEWORDS = 256
SUB_DIM = 16
Q = 1024
K = 4096


def setup_inputs(seed: int = 0) -> dict:
    key = jax.random.key(seed)
    k1, k2, k3 = jax.random.split(key, 3)
    # PQ codebook weight: [n_subspaces, n_codewords, sub_dim]
    weight = jax.random.normal(k1, (N_SUBSPACES, N_CODEWORDS, SUB_DIM), dtype=jnp.float32)
    # rebuild_table(): torch.cdist(weight, weight, p=2.0) batched over subspaces
    diff = weight[:, :, None, :] - weight[:, None, :, :]
    table = jnp.sqrt(jnp.sum(diff * diff, axis=-1))  # [S, C, C]
    q_code = jax.random.randint(k2, (Q, N_SUBSPACES), 0, N_CODEWORDS, dtype=jnp.int32)
    k_code = jax.random.randint(k3, (K, N_SUBSPACES), 0, N_CODEWORDS, dtype=jnp.int32)
    return {"q_code": q_code, "k_code": k_code, "table": table}


def reference(q_code, k_code, table):
    # PQTable.forward with dim=0 and 2-D codes [N, n_subspaces]
    n_subspaces = q_code.shape[-1]
    dists = []
    for i in range(n_subspaces):
        q = q_code[:, i]  # chunk i, squeezed: [Q]
        k = k_code[:, i]  # [K]
        # table[i][q, k.transpose(-1, 0)] -> advanced-index broadcast to [Q, K]
        d = table[i][q[:, None], k[None, :]]
        dists.append(d)
    distance = jnp.stack(dists, axis=-1)  # [Q, K, S]
    distance = jnp.sum(distance, axis=-1)  # [Q, K]
    return distance

if __name__ == "__main__":
    import jax
    _d = setup_inputs()
    print(jax.jit(kernel)(*tuple(_d.values())))

</pallas_src>

<mosaic_0001>
#map = affine_map<(d0, d1) -> (0, 0)>
module attributes {stable_mosaic.version = 14 : i64} {
  func.func @_sc_body(%arg0: i32, %arg1: i32, %arg2: memref<4096x256xf32, #tpu.memory_space<hbm>>, %arg3: memref<32x64xi32, #tpu.memory_space<hbm>>, %arg4: memref<16x4096xi32, #tpu.memory_space<hbm>>, %arg5: memref<128x4096xf32, #tpu.memory_space<hbm>>, %arg6: memref<16x4096xi32, #tpu.memory_space<vmem>>, %arg7: memref<1x64xi32, #tpu.memory_space<vmem>>, %arg8: memref<64x256xf32, #tpu.memory_space<vmem>>, %arg9: memref<4x2048xf32, #tpu.memory_space<vmem>>, %arg10: memref<!tpu.dma_semaphore, #tpu.memory_space<semaphore_mem>>) attributes {dimension_semantics = [#tpu.dimension_semantics<core_parallel>, #tpu.dimension_semantics<subcore_parallel>], iteration_bounds = array<i64: 2, 16>, scalar_prefetch = 0 : i64, scratch_operands = 5 : i64, tpu.core_type = #tpu.core_type<sc_vector_subcore>, window_params = [{transform_indices = #map}, {transform_indices = #map}, {transform_indices = #map}, {transform_indices = #map}]} {
    %mul3A = arith.constant 2 : i32
    %mul3A_0 = arith.muli %arg1, %mul3A : i32
    %add3A = arith.addi %mul3A_0, %arg0 : i32
    "tpu.region"() ({
      %run_scoped3A = tpu.sem_alloc : memref<!tpu.dma_semaphore, #tpu.memory_space<semaphore_mem>>
      tpu.enqueue_dma source(%arg4 : memref<16x4096xi32, #tpu.memory_space<hbm>>) target(%arg6 : memref<16x4096xi32, #tpu.memory_space<vmem>>) target_semaphore(%run_scoped3A : memref<!tpu.dma_semaphore, #tpu.memory_space<semaphore_mem>>)
      tpu.wait_dma2 semaphore(%run_scoped3A : memref<!tpu.dma_semaphore, #tpu.memory_space<semaphore_mem>>) src(%arg4 : memref<16x4096xi32, #tpu.memory_space<hbm>>) dst(%arg6 : memref<16x4096xi32, #tpu.memory_space<vmem>>)
      tpu.yield
    }) : () -> ()
    "tpu.region"() ({
      %run_scoped3A = tpu.sem_alloc : memref<!tpu.dma_semaphore, #tpu.memory_space<semaphore_mem>>
      %dma_start3A_26 = arith.constant 0 : i32
      %dma_start3A_27 = tpu.memref_slice %arg3[%add3A, %dma_start3A_26] : memref<32x64xi32, #tpu.memory_space<hbm>> -> memref<1x64xi32, #tpu.memory_space<hbm>>
      %dma_start3A_28 = arith.constant 0 : i32
      %dma_start3A_29 = tpu.memref_slice %arg3[%add3A, %dma_start3A_28] : memref<32x64xi32, #tpu.memory_space<hbm>> -> memref<1x64xi32, #tpu.memory_space<hbm>>
      tpu.enqueue_dma source(%dma_start3A_29 : memref<1x64xi32, #tpu.memory_space<hbm>>) target(%arg7 : memref<1x64xi32, #tpu.memory_space<vmem>>) target_semaphore(%run_scoped3A : memref<!tpu.dma_semaphore, #tpu.memory_space<semaphore_mem>>)
      %dma_wait3A_30 = arith.constant 0 : i32
      %dma_wait3A_31 = tpu.memref_slice %arg3[%add3A, %dma_wait3A_30] : memref<32x64xi32, #tpu.memory_space<hbm>> -> memref<1x64xi32, #tpu.memory_space<hbm>>
      %dma_wait3A_32 = arith.constant 0 : i32
      %dma_wait3A_33 = tpu.memref_slice %arg3[%add3A, %dma_wait3A_32] : memref<32x64xi32, #tpu.memory_space<hbm>> -> memref<1x64xi32, #tpu.memory_space<hbm>>
      tpu.wait_dma2 semaphore(%run_scoped3A : memref<!tpu.dma_semaphore, #tpu.memory_space<semaphore_mem>>) src(%dma_wait3A_33 : memref<1x64xi32, #tpu.memory_space<hbm>>) dst(%arg7 : memref<1x64xi32, #tpu.memory_space<vmem>>)
      tpu.yield
    }) : () -> ()
    %dma_start3A = arith.constant 0 : i32
    %dma_start3A_1 = arith.constant 0 : i32
    %dma_start3A_2 = tpu.memref_slice %arg7[%dma_start3A, %dma_start3A_1] : memref<1x64xi32, #tpu.memory_space<vmem>> -> memref<1x64xi32, #tpu.memory_space<vmem>>
    %dma_start3A_3 = tpu.memref_squeeze %dma_start3A_2 : memref<1x64xi32, #tpu.memory_space<vmem>> -> memref<64xi32, #tpu.memory_space<vmem>>
    %dma_start3A_4 = arith.constant 0 : i32
    %dma_start3A_5 = arith.constant 0 : i32
    %dma_start3A_6 = tpu.memref_slice %arg2[%dma_start3A_4, %dma_start3A_5] : memref<4096x256xf32, #tpu.memory_space<hbm>> -> memref<4096x256xf32, #tpu.memory_space<hbm>>
    tpu.enqueue_indirect_dma source(%dma_start3A_6 : memref<4096x256xf32, #tpu.memory_space<hbm>>) target(%arg8 : memref<64x256xf32, #tpu.memory_space<vmem>>) offsets(%dma_start3A_3 : memref<64xi32, #tpu.memory_space<vmem>>) semaphore(%arg10 : memref<!tpu.dma_semaphore, #tpu.memory_space<semaphore_mem>>)
    %dma_wait3A = arith.constant 0 : i32
    %dma_wait3A_7 = arith.constant 0 : i32
    %dma_wait3A_8 = tpu.memref_slice %arg7[%dma_wait3A, %dma_wait3A_7] : memref<1x64xi32, #tpu.memory_space<vmem>> -> memref<1x64xi32, #tpu.memory_space<vmem>>
    %dma_wait3A_9 = tpu.memref_squeeze %dma_wait3A_8 : memref<1x64xi32, #tpu.memory_space<vmem>> -> memref<64xi32, #tpu.memory_space<vmem>>
    %dma_wait3A_10 = arith.constant 0 : i32
    %dma_wait3A_11 = arith.constant 0 : i32
    %dma_wait3A_12 = tpu.memref_slice %arg2[%dma_wait3A_10, %dma_wait3A_11] : memref<4096x256xf32, #tpu.memory_space<hbm>> -> memref<4096x256xf32, #tpu.memory_space<hbm>>
    tpu.wait_indirect_dma semaphore(%arg10 : memref<!tpu.dma_semaphore, #tpu.memory_space<semaphore_mem>>) src(%dma_wait3A_12 : memref<4096x256xf32, #tpu.memory_space<hbm>>) dst(%arg8 : memref<64x256xf32, #tpu.memory_space<vmem>>)
    %scan3A = arith.constant 0 : i32
    %scan3A_13 = arith.constant 128 : i32
    %scan3A_14 = arith.addi %scan3A, %scan3A_13 : i32
    %scan3A_15 = arith.constant 1 : i32
    scf.for %scan3A_26 = %scan3A to %scan3A_14 step %scan3A_15  : i32 {
      %mul3A_27 = arith.constant 16 : i32
      %mul3A_28 = arith.muli %scan3A_26, %mul3A_27 : i32
      %add3A_29 = arith.constant 0 : i32
      %add3A_30 = arith.addi %add3A_29, %mul3A_28 : i32
      %get3A = arith.constant 0 : i32
      %get3A_31 = arith.index_cast %get3A : i32 to index
      %get3A_32 = arith.index_cast %add3A_30 : i32 to index
      %get3A_33 = tpu.vector_load %arg6[%get3A_31, %get3A_32] {strides = array<i32>} : memref<16x4096xi32, #tpu.memory_space<vmem>>, vector<16xi32>,
      %broadcast_in_dim3A = arith.constant 0 : i32
      %broadcast_in_dim3A_34 = vector.broadcast %broadcast_in_dim3A : i32 to vector<16xi32>
      %gather3A = tpu.vector_load_idx %arg8[%broadcast_in_dim3A_34, %get3A_33] : memref<64x256xf32, #tpu.memory_space<vmem>>[vector<16xi32>, vector<16xi32>], vector<16xf32>,
      %broadcast_in_dim3A_35 = arith.constant 16 : i32
      %broadcast_in_dim3A_36 = vector.broadcast %broadcast_in_dim3A_35 : i32 to vector<16xi32>
      %gather3A_37 = tpu.vector_load_idx %arg8[%broadcast_in_dim3A_36, %get3A_33] : memref<64x256xf32, #tpu.memory_space<vmem>>[vector<16xi32>, vector<16xi32>], vector<16xf32>,
      %broadcast_in_dim3A_38 = arith.constant 32 : i32
      %broadcast_in_dim3A_39 = vector.broadcast %broadcast_in_dim3A_38 : i32 to vector<16xi32>
      %gather3A_40 = tpu.vector_load_idx %arg8[%broadcast_in_dim3A_39, %get3A_33] : memref<64x256xf32, #tpu.memory_space<vmem>>[vector<16xi32>, vector<16xi32>], vector<16xf32>,
      %broadcast_in_dim3A_41 = arith.constant 48 : i32
      %broadcast_in_dim3A_42 = vector.broadcast %broadcast_in_dim3A_41 : i32 to vector<16xi32>
      %gather3A_43 = tpu.vector_load_idx %arg8[%broadcast_in_dim3A_42, %get3A_33] : memref<64x256xf32, #tpu.memory_space<vmem>>[vector<16xi32>, vector<16xi32>], vector<16xf32>,
      %mul3A_44 = arith.constant 16 : i32
      %mul3A_45 = arith.muli %scan3A_26, %mul3A_44 : i32
      %add3A_46 = arith.constant 0 : i32
      %add3A_47 = arith.addi %add3A_46, %mul3A_45 : i32
      %get3A_48 = arith.constant 1 : i32
      %get3A_49 = arith.index_cast %get3A_48 : i32 to index
      %get3A_50 = arith.index_cast %add3A_47 : i32 to index
      %get3A_51 = tpu.vector_load %arg6[%get3A_49, %get3A_50] {strides = array<i32>} : memref<16x4096xi32, #tpu.memory_space<vmem>>, vector<16xi32>,
      %broadcast_in_dim3A_52 = arith.constant 1 : i32
      %broadcast_in_dim3A_53 = vector.broadcast %broadcast_in_dim3A_52 : i32 to vector<16xi32>
      %gather3A_54 = tpu.vector_load_idx %arg8[%broadcast_in_dim3A_53, %get3A_51] : memref<64x256xf32, #tpu.memory_space<vmem>>[vector<16xi32>, vector<16xi32>], vector<16xf32>,
      %add3A_55 = arith.addf %gather3A, %gather3A_54 : vector<16xf32>
      %broadcast_in_dim3A_56 = arith.constant 17 : i32
      %broadcast_in_dim3A_57 = vector.broadcast %broadcast_in_dim3A_56 : i32 to vector<16xi32>
      %gather3A_58 = tpu.vector_load_idx %arg8[%broadcast_in_dim3A_57, %get3A_51] : memref<64x256xf32, #tpu.memory_space<vmem>>[vector<16xi32>, vector<16xi32>], vector<16xf32>,
      %add3A_59 = arith.addf %gather3A_37, %gather3A_58 : vector<16xf32>
      %broadcast_in_dim3A_60 = arith.constant 33 : i32
      %broadcast_in_dim3A_61 = vector.broadcast %broadcast_in_dim3A_60 : i32 to vector<16xi32>
      %gather3A_62 = tpu.vector_load_idx %arg8[%broadcast_in_dim3A_61, %get3A_51] : memref<64x256xf32, #tpu.memory_space<vmem>>[vector<16xi32>, vector<16xi32>], vector<16xf32>,
      %add3A_63 = arith.addf %gather3A_40, %gather3A_62 : vector<16xf32>
      %broadcast_in_dim3A_64 = arith.constant 49 : i32
      %broadcast_in_dim3A_65 = vector.broadcast %broadcast_in_dim3A_64 : i32 to vector<16xi32>
      %gather3A_66 = tpu.vector_load_idx %arg8[%broadcast_in_dim3A_65, %get3A_51] : memref<64x256xf32, #tpu.memory_space<vmem>>[vector<16xi32>, vector<16xi32>], vector<16xf32>,
      %add3A_67 = arith.addf %gather3A_43, %gather3A_66 : vector<16xf32>
      %mul3A_68 = arith.constant 16 : i32
      %mul3A_69 = arith.muli %scan3A_26, %mul3A_68 : i32
      %add3A_70 = arith.constant 0 : i32
      %add3A_71 = arith.addi %add3A_70, %mul3A_69 : i32
      %get3A_72 = arith.constant 2 : i32
      %get3A_73 = arith.index_cast %get3A_72 : i32 to index
      %get3A_74 = arith.index_cast %add3A_71 : i32 to index
      %get3A_75 = tpu.vector_load %arg6[%get3A_73, %get3A_74] {strides = array<i32>} : memref<16x4096xi32, #tpu.memory_space<vmem>>, vector<16xi32>,
      %broadcast_in_dim3A_76 = arith.constant 2 : i32
      %broadcast_in_dim3A_77 = vector.broadcast %broadcast_in_dim3A_76 : i32 to vector<16xi32>
      %gather3A_78 = tpu.vector_load_idx %arg8[%broadcast_in_dim3A_77, %get3A_75] : memref<64x256xf32, #tpu.memory_space<vmem>>[vector<16xi32>, vector<16xi32>], vector<16xf32>,
      %add3A_79 = arith.addf %add3A_55, %gather3A_78 : vector<16xf32>
      %broadcast_in_dim3A_80 = arith.constant 18 : i32
      %broadcast_in_dim3A_81 = vector.broadcast %broadcast_in_dim3A_80 : i32 to vector<16xi32>
      %gather3A_82 = tpu.vector_load_idx %arg8[%broadcast_in_dim3A_81, %get3A_75] : memref<64x256xf32, #tpu.memory_space<vmem>>[vector<16xi32>, vector<16xi32>], vector<16xf32>,
      %add3A_83 = arith.addf %add3A_59, %gather3A_82 : vector<16xf32>
      %broadcast_in_dim3A_84 = arith.constant 34 : i32
      %broadcast_in_dim3A_85 = vector.broadcast %broadcast_in_dim3A_84 : i32 to vector<16xi32>
      %gather3A_86 = tpu.vector_load_idx %arg8[%broadcast_in_dim3A_85, %get3A_75] : memref<64x256xf32, #tpu.memory_space<vmem>>[vector<16xi32>, vector<16xi32>], vector<16xf32>,
      %add3A_87 = arith.addf %add3A_63, %gather3A_86 : vector<16xf32>
      %broadcast_in_dim3A_88 = arith.constant 50 : i32
      %broadcast_in_dim3A_89 = vector.broadcast %broadcast_in_dim3A_88 : i32 to vector<16xi32>
      %gather3A_90 = tpu.vector_load_idx %arg8[%broadcast_in_dim3A_89, %get3A_75] : memref<64x256xf32, #tpu.memory_space<vmem>>[vector<16xi32>, vector<16xi32>], vector<16xf32>,
      %add3A_91 = arith.addf %add3A_67, %gather3A_90 : vector<16xf32>
      %mul3A_92 = arith.constant 16 : i32
      %mul3A_93 = arith.muli %scan3A_26, %mul3A_92 : i32
      %add3A_94 = arith.constant 0 : i32
      %add3A_95 = arith.addi %add3A_94, %mul3A_93 : i32
      %get3A_96 = arith.constant 3 : i32
      %get3A_97 = arith.index_cast %get3A_96 : i32 to index
      %get3A_98 = arith.index_cast %add3A_95 : i32 to index
      %get3A_99 = tpu.vector_load %arg6[%get3A_97, %get3A_98] {strides = array<i32>} : memref<16x4096xi32, #tpu.memory_space<vmem>>, vector<16xi32>,
      %broadcast_in_dim3A_100 = arith.constant 3 : i32
      %broadcast_in_dim3A_101 = vector.broadcast %broadcast_in_dim3A_100 : i32 to vector<16xi32>
      %gather3A_102 = tpu.vector_load_idx %arg8[%broadcast_in_dim3A_101, %get3A_99] : memref<64x256xf32, #tpu.memory_space<vmem>>[vector<16xi32>, vector<16xi32>], vector<16xf32>,
      %add3A_103 = arith.addf %add3A_79, %gather3A_102 : vector<16xf32>
      %broadcast_in_dim3A_104 = arith.constant 19 : i32
      %broadcast_in_dim3A_105 = vector.broadcast %broadcast_in_dim3A_104 : i32 to vector<16xi32>
      %gather3A_106 = tpu.vector_load_idx %arg8[%broadcast_in_dim3A_105, %get3A_99] : memref<64x256xf32, #tpu.memory_space<vmem>>[vector<16xi32>, vector<16xi32>], vector<16xf32>,
      %add3A_107 = arith.addf %add3A_83, %gather3A_106 : vector<16xf32>
      %broadcast_in_dim3A_108 = arith.constant 35 : i32
      %broadcast_in_dim3A_109 = vector.broadcast %broadcast_in_dim3A_108 : i32 to vector<16xi32>
      %gather3A_110 = tpu.vector_load_idx %arg8[%broadcast_in_dim3A_109, %get3A_99] : memref<64x256xf32, #tpu.memory_space<vmem>>[vector<16xi32>, vector<16xi32>], vector<16xf32>,
      %add3A_111 = arith.addf %add3A_87, %gather3A_110 : vector<16xf32>
      %broadcast_in_dim3A_112 = arith.constant 51 : i32
      %broadcast_in_dim3A_113 = vector.broadcast %broadcast_in_dim3A_112 : i32 to vector<16xi32>
      %gather3A_114 = tpu.vector_load_idx %arg8[%broadcast_in_dim3A_113, %get3A_99] : memref<64x256xf32, #tpu.memory_space<vmem>>[vector<16xi32>, vector<16xi32>], vector<16xf32>,
      %add3A_115 = arith.addf %add3A_91, %gather3A_114 : vector<16xf32>
      %mul3A_116 = arith.constant 16 : i32
      %mul3A_117 = arith.muli %scan3A_26, %mul3A_116 : i32
      %add3A_118 = arith.constant 0 : i32
      %add3A_119 = arith.addi %add3A_118, %mul3A_117 : i32
      %get3A_120 = arith.constant 4 : i32
      %get3A_121 = arith.index_cast %get3A_120 : i32 to index
      %get3A_122 = arith.index_cast %add3A_119 : i32 to index
      %get3A_123 = tpu.vector_load %arg6[%get3A_121, %get3A_122] {strides = array<i32>} : memref<16x4096xi32, #tpu.memory_space<vmem>>, vector<16xi32>,
      %broadcast_in_dim3A_124 = arith.constant 4 : i32
      %broadcast_in_dim3A_125 = vector.broadcast %broadcast_in_dim3A_124 : i32 to vector<16xi32>
      %gather3A_126 = tpu.vector_load_idx %arg8[%broadcast_in_dim3A_125, %get3A_123] : memref<64x256xf32, #tpu.memory_space<vmem>>[vector<16xi32>, vector<16xi32>], vector<16xf32>,
      %add3A_127 = arith.addf %add3A_103, %gather3A_126 : vector<16xf32>
      %broadcast_in_dim3A_128 = arith.constant 20 : i32
      %broadcast_in_dim3A_129 = vector.broadcast %broadcast_in_dim3A_128 : i32 to vector<16xi32>
      %gather3A_130 = tpu.vector_load_idx %arg8[%broadcast_in_dim3A_129, %get3A_123] : memref<64x256xf32, #tpu.memory_space<vmem>>[vector<16xi32>, vector<16xi32>], vector<16xf32>,
      %add3A_131 = arith.addf %add3A_107, %gather3A_130 : vector<16xf32>
      %broadcast_in_dim3A_132 = arith.constant 36 : i32
      %broadcast_in_dim3A_133 = vector.broadcast %broadcast_in_dim3A_132 : i32 to vector<16xi32>
      %gather3A_134 = tpu.vector_load_idx %arg8[%broadcast_in_dim3A_133, %get3A_123] : memref<64x256xf32, #tpu.memory_space<vmem>>[vector<16xi32>, vector<16xi32>], vector<16xf32>,
      %add3A_135 = arith.addf %add3A_111, %gather3A_134 : vector<16xf32>
      %broadcast_in_dim3A_136 = arith.constant 52 : i32
      %broadcast_in_dim3A_137 = vector.broadcast %broadcast_in_dim3A_136 : i32 to vector<16xi32>
      %gather3A_138 = tpu.vector_load_idx %arg8[%broadcast_in_dim3A_137, %get3A_123] : memref<64x256xf32, #tpu.memory_space<vmem>>[vector<16xi32>, vector<16xi32>], vector<16xf32>,
      %add3A_139 = arith.addf %add3A_115, %gather3A_138 : vector<16xf32>
      %mul3A_140 = arith.constant 16 : i32
      %mul3A_141 = arith.muli %scan3A_26, %mul3A_140 : i32
      %add3A_142 = arith.constant 0 : i32
      %add3A_143 = arith.addi %add3A_142, %mul3A_141 : i32
      %get3A_144 = arith.constant 5 : i32
      %get3A_145 = arith.index_cast %get3A_144 : i32 to index
      %get3A_146 = arith.index_cast %add3A_143 : i32 to index
      %get3A_147 = tpu.vector_load %arg6[%get3A_145, %get3A_146] {strides = array<i32>} : memref<16x4096xi32, #tpu.memory_space<vmem>>, vector<16xi32>,
      %broadcast_in_dim3A_148 = arith.constant 5 : i32
      %broadcast_in_dim3A_149 = vector.broadcast %broadcast_in_dim3A_148 : i32 to vector<16xi32>
      %gather3A_150 = tpu.vector_load_idx %arg8[%broadcast_in_dim3A_149, %get3A_147] : memref<64x256xf32, #tpu.memory_space<vmem>>[vector<16xi32>, vector<16xi32>], vector<16xf32>,
      %add3A_151 = arith.addf %add3A_127, %gather3A_150 : vector<16xf32>
      %broadcast_in_dim3A_152 = arith.constant 21 : i32
      %broadcast_in_dim3A_153 = vector.broadcast %broadcast_in_dim3A_152 : i32 to vector<16xi32>
      %gather3A_154 = tpu.vector_load_idx %arg8[%broadcast_in_dim3A_153, %get3A_147] : memref<64x256xf32, #tpu.memory_space<vmem>>[vector<16xi32>, vector<16xi32>], vector<16xf32>,
      %add3A_155 = arith.addf %add3A_131, %gather3A_154 : vector<16xf32>
      %broadcast_in_dim3A_156 = arith.constant 37 : i32
      %broadcast_in_dim3A_157 = vector.broadcast %broadcast_in_dim3A_156 : i32 to vector<16xi32>
      %gather3A_158 = tpu.vector_load_idx %arg8[%broadcast_in_dim3A_157, %get3A_147] : memref<64x256xf32, #tpu.memory_space<vmem>>[vector<16xi32>, vector<16xi32>], vector<16xf32>,
      %add3A_159 = arith.addf %add3A_135, %gather3A_158 : vector<16xf32>
      %broadcast_in_dim3A_160 = arith.constant 53 : i32
      %broadcast_in_dim3A_161 = vector.broadcast %broadcast_in_dim3A_160 : i32 to vector<16xi32>
      %gather3A_162 = tpu.vector_load_idx %arg8[%broadcast_in_dim3A_161, %get3A_147] : memref<64x256xf32, #tpu.memory_space<vmem>>[vector<16xi32>, vector<16xi32>], vector<16xf32>,
      %add3A_163 = arith.addf %add3A_139, %gather3A_162 : vector<16xf32>
      %mul3A_164 = arith.constant 16 : i32
      %mul3A_165 = arith.muli %scan3A_26, %mul3A_164 : i32
      %add3A_166 = arith.constant 0 : i32
      %add3A_167 = arith.addi %add3A_166, %mul3A_165 : i32
      %get3A_168 = arith.constant 6 : i32
      %get3A_169 = arith.index_cast %get3A_168 : i32 to index
      %get3A_170 = arith.index_cast %add3A_167 : i32 to index
      %get3A_171 = tpu.vector_load %arg6[%get3A_169, %get3A_170] {strides = array<i32>} : memref<16x4096xi32, #tpu.memory_space<vmem>>, vector<16xi32>,
      %broadcast_in_dim3A_172 = arith.constant 6 : i32
      %broadcast_in_dim3A_173 = vector.broadcast %broadcast_in_dim3A_172 : i32 to vector<16xi32>
      %gather3A_174 = tpu.vector_load_idx %arg8[%broadcast_in_dim3A_173, %get3A_171] : memref<64x256xf32, #tpu.memory_space<vmem>>[vector<16xi32>, vector<16xi32>], vector<16xf32>,
      %add3A_175 = arith.addf %add3A_151, %gather3A_174 : vector<16xf32>
      %broadcast_in_dim3A_176 = arith.constant 22 : i32
      %broadcast_in_dim3A_177 = vector.broadcast %broadcast_in_dim3A_176 : i32 to vector<16xi32>
      %gather3A_178 = tpu.vector_load_idx %arg8[%broadcast_in_dim3A_177, %get3A_171] : memref<64x256xf32, #tpu.memory_space<vmem>>[vector<16xi32>, vector<16xi32>], vector<16xf32>,
      %add3A_179 = arith.addf %add3A_155, %gather3A_178 : vector<16xf32>
      %broadcast_in_dim3A_180 = arith.constant 38 : i32
      %broadcast_in_dim3A_181 = vector.broadcast %broadcast_in_dim3A_180 : i32 to vector<16xi32>
      %gather3A_182 = tpu.vector_load_idx %arg8[%broadcast_in_dim3A_181, %get3A_171] : memref<64x256xf32, #tpu.memory_space<vmem>>[vector<16xi32>, vector<16xi32>], vector<16xf32>,
      %add3A_183 = arith.addf %add3A_159, %gather3A_182 : vector<16xf32>
      %broadcast_in_dim3A_184 = arith.constant 54 : i32
      %broadcast_in_dim3A_185 = vector.broadcast %broadcast_in_dim3A_184 : i32 to vector<16xi32>
      %gather3A_186 = tpu.vector_load_idx %arg8[%broadcast_in_dim3A_185, %get3A_171] : memref<64x256xf32, #tpu.memory_space<vmem>>[vector<16xi32>, vector<16xi32>], vector<16xf32>,
      %add3A_187 = arith.addf %add3A_163, %gather3A_186 : vector<16xf32>
      %mul3A_188 = arith.constant 16 : i32
      %mul3A_189 = arith.muli %scan3A_26, %mul3A_188 : i32
      %add3A_190 = arith.constant 0 : i32
      %add3A_191 = arith.addi %add3A_190, %mul3A_189 : i32
      %get3A_192 = arith.constant 7 : i32
      %get3A_193 = arith.index_cast %get3A_192 : i32 to index
      %get3A_194 = arith.index_cast %add3A_191 : i32 to index
      %get3A_195 = tpu.vector_load %arg6[%get3A_193, %get3A_194] {strides = array<i32>} : memref<16x4096xi32, #tpu.memory_space<vmem>>, vector<16xi32>,
      %broadcast_in_dim3A_196 = arith.constant 7 : i32
      %broadcast_in_dim3A_197 = vector.broadcast %broadcast_in_dim3A_196 : i32 to vector<16xi32>
      %gather3A_198 = tpu.vector_load_idx %arg8[%broadcast_in_dim3A_197, %get3A_195] : memref<64x256xf32, #tpu.memory_space<vmem>>[vector<16xi32>, vector<16xi32>], vector<16xf32>,
      %add3A_199 = arith.addf %add3A_175, %gather3A_198 : vector<16xf32>
      %broadcast_in_dim3A_200 = arith.constant 23 : i32
      %broadcast_in_dim3A_201 = vector.broadcast %broadcast_in_dim3A_200 : i32 to vector<16xi32>
      %gather3A_202 = tpu.vector_load_idx %arg8[%broadcast_in_dim3A_201, %get3A_195] : memref<64x256xf32, #tpu.memory_space<vmem>>[vector<16xi32>, vector<16xi32>], vector<16xf32>,
      %add3A_203 = arith.addf %add3A_179, %gather3A_202 : vector<16xf32>
      %broadcast_in_dim3A_204 = arith.constant 39 : i32
      %broadcast_in_dim3A_205 = vector.broadcast %broadcast_in_dim3A_204 : i32 to vector<16xi32>
      %gather3A_206 = tpu.vector_load_idx %arg8[%broadcast_in_dim3A_205, %get3A_195] : memref<64x256xf32, #tpu.memory_space<vmem>>[vector<16xi32>, vector<16xi32>], vector<16xf32>,
      %add3A_207 = arith.addf %add3A_183, %gather3A_206 : vector<16xf32>
      %broadcast_in_dim3A_208 = arith.constant 55 : i32
      %broadcast_in_dim3A_209 = vector.broadcast %broadcast_in_dim3A_208 : i32 to vector<16xi32>
      %gather3A_210 = tpu.vector_load_idx %arg8[%broadcast_in_dim3A_209, %get3A_195] : memref<64x256xf32, #tpu.memory_space<vmem>>[vector<16xi32>, vector<16xi32>], vector<16xf32>,
      %add3A_211 = arith.addf %add3A_187, %gather3A_210 : vector<16xf32>
      %mul3A_212 = arith.constant 16 : i32
      %mul3A_213 = arith.muli %scan3A_26, %mul3A_212 : i32
      %add3A_214 = arith.constant 0 : i32
      %add3A_215 = arith.addi %add3A_214, %mul3A_213 : i32
      %get3A_216 = arith.constant 8 : i32
      %get3A_217 = arith.index_cast %get3A_216 : i32 to index
      %get3A_218 = arith.index_cast %add3A_215 : i32 to index
      %get3A_219 = tpu.vector_load %arg6[%get3A_217, %get3A_218] {strides = array<i32>} : memref<16x4096xi32, #tpu.memory_space<vmem>>, vector<16xi32>,
      %broadcast_in_dim3A_220 = arith.constant 8 : i32
      %broadcast_in_dim3A_221 = vector.broadcast %broadcast_in_dim3A_220 : i32 to vector<16xi32>
      %gather3A_222 = tpu.vector_load_idx %arg8[%broadcast_in_dim3A_221, %get3A_219] : memref<64x256xf32, #tpu.memory_space<vmem>>[vector<16xi32>, vector<16xi32>], vector<16xf32>,
      %add3A_223 = arith.addf %add3A_199, %gather3A_222 : vector<16xf32>
      %broadcast_in_dim3A_224 = arith.constant 24 : i32
      %broadcast_in_dim3A_225 = vector.broadcast %broadcast_in_dim3A_224 : i32 to vector<16xi32>
      %gather3A_226 = tpu.vector_load_idx %arg8[%broadcast_in_dim3A_225, %get3A_219] : memref<64x256xf32, #tpu.memory_space<vmem>>[vector<16xi32>, vector<16xi32>], vector<16xf32>,
      %add3A_227 = arith.addf %add3A_203, %gather3A_226 : vector<16xf32>
      %broadcast_in_dim3A_228 = arith.constant 40 : i32
      %broadcast_in_dim3A_229 = vector.broadcast %broadcast_in_dim3A_228 : i32 to vector<16xi32>
      %gather3A_230 = tpu.vector_load_idx %arg8[%broadcast_in_dim3A_229, %get3A_219] : memref<64x256xf32, #tpu.memory_space<vmem>>[vector<16xi32>, vector<16xi32>], vector<16xf32>,
      %add3A_231 = arith.addf %add3A_207, %gather3A_230 : vector<16xf32>
      %broadcast_in_dim3A_232 = arith.constant 56 : i32
      %broadcast_in_dim3A_233 = vector.broadcast %broadcast_in_dim3A_232 : i32 to vector<16xi32>
      %gather3A_234 = tpu.vector_load_idx %arg8[%broadcast_in_dim3A_233, %get3A_219] : memref<64x256xf32, #tpu.memory_space<vmem>>[vector<16xi32>, vector<16xi32>], vector<16xf32>,
      %add3A_235 = arith.addf %add3A_211, %gather3A_234 : vector<16xf32>
      %mul3A_236 = arith.constant 16 : i32
      %mul3A_237 = arith.muli %scan3A_26, %mul3A_236 : i32
      %add3A_238 = arith.constant 0 : i32
      %add3A_239 = arith.addi %add3A_238, %mul3A_237 : i32
      %get3A_240 = arith.constant 9 : i32
      %get3A_241 = arith.index_cast %get3A_240 : i32 to index
      %get3A_242 = arith.index_cast %add3A_239 : i32 to index
      %get3A_243 = tpu.vector_load %arg6[%get3A_241, %get3A_242] {strides = array<i32>} : memref<16x4096xi32, #tpu.memory_space<vmem>>, vector<16xi32>,
      %broadcast_in_dim3A_244 = arith.constant 9 : i32
      %broadcast_in_dim3A_245 = vector.broadcast %broadcast_in_dim3A_244 : i32 to vector<16xi32>
      %gather3A_246 = tpu.vector_load_idx %arg8[%broadcast_in_dim3A_245, %get3A_243] : memref<64x256xf32, #tpu.memory_space<vmem>>[vector<16xi32>, vector<16xi32>], vector<16xf32>,
      %add3A_247 = arith.addf %add3A_223, %gather3A_246 : vector<16xf32>
      %broadcast_in_dim3A_248 = arith.constant 25 : i32
      %broadcast_in_dim3A_249 = vector.broadcast %broadcast_in_dim3A_248 : i32 to vector<16xi32>
      %gather3A_250 = tpu.vector_load_idx %arg8[%broadcast_in_dim3A_249, %get3A_243] : memref<64x256xf32, #tpu.memory_space<vmem>>[vector<16xi32>, vector<16xi32>], vector<16xf32>,
      %add3A_251 = arith.addf %add3A_227, %gather3A_250 : vector<16xf32>
      %broadcast_in_dim3A_252 = arith.constant 41 : i32
      %broadcast_in_dim3A_253 = vector.broadcast %broadcast_in_dim3A_252 : i32 to vector<16xi32>
      %gather3A_254 = tpu.vector_load_idx %arg8[%broadcast_in_dim3A_253, %get3A_243] : memref<64x256xf32, #tpu.memory_space<vmem>>[vector<16xi32>, vector<16xi32>], vector<16xf32>,
      %add3A_255 = arith.addf %add3A_231, %gather3A_254 : vector<16xf32>
      %broadcast_in_dim3A_256 = arith.constant 57 : i32
      %broadcast_in_dim3A_257 = vector.broadcast %broadcast_in_dim3A_256 : i32 to vector<16xi32>
      %gather3A_258 = tpu.vector_load_idx %arg8[%broadcast_in_dim3A_257, %get3A_243] : memref<64x256xf32, #tpu.memory_space<vmem>>[vector<16xi32>, vector<16xi32>], vector<16xf32>,
      %add3A_259 = arith.addf %add3A_235, %gather3A_258 : vector<16xf32>
      %mul3A_260 = arith.constant 16 : i32
      %mul3A_261 = arith.muli %scan3A_26, %mul3A_260 : i32
      %add3A_262 = arith.constant 0 : i32
      %add3A_263 = arith.addi %add3A_262, %mul3A_261 : i32
      %get3A_264 = arith.constant 10 : i32
      %get3A_265 = arith.index_cast %get3A_264 : i32 to index
      %get3A_266 = arith.index_cast %add3A_263 : i32 to index
      %get3A_267 = tpu.vector_load %arg6[%get3A_265, %get3A_266] {strides = array<i32>} : memref<16x4096xi32, #tpu.memory_space<vmem>>, vector<16xi32>,
      %broadcast_in_dim3A_268 = arith.constant 10 : i32
      %broadcast_in_dim3A_269 = vector.broadcast %broadcast_in_dim3A_268 : i32 to vector<16xi32>
      %gather3A_270 = tpu.vector_load_idx %arg8[%broadcast_in_dim3A_269, %get3A_267] : memref<64x256xf32, #tpu.memory_space<vmem>>[vector<16xi32>, vector<16xi32>], vector<16xf32>,
      %add3A_271 = arith.addf %add3A_247, %gather3A_270 : vector<16xf32>
      %broadcast_in_dim3A_272 = arith.constant 26 : i32
      %broadcast_in_dim3A_273 = vector.broadcast %broadcast_in_dim3A_272 : i32 to vector<16xi32>
      %gather3A_274 = tpu.vector_load_idx %arg8[%broadcast_in_dim3A_273, %get3A_267] : memref<64x256xf32, #tpu.memory_space<vmem>>[vector<16xi32>, vector<16xi32>], vector<16xf32>,
      %add3A_275 = arith.addf %add3A_251, %gather3A_274 : vector<16xf32>
      %broadcast_in_dim3A_276 = arith.constant 42 : i32
      %broadcast_in_dim3A_277 = vector.broadcast %broadcast_in_dim3A_276 : i32 to vector<16xi32>
      %gather3A_278 = tpu.vector_load_idx %arg8[%broadcast_in_dim3A_277, %get3A_267] : memref<64x256xf32, #tpu.memory_space<vmem>>[vector<16xi32>, vector<16xi32>], vector<16xf32>,
      %add3A_279 = arith.addf %add3A_255, %gather3A_278 : vector<16xf32>
      %broadcast_in_dim3A_280 = arith.constant 58 : i32
      %broadcast_in_dim3A_281 = vector.broadcast %broadcast_in_dim3A_280 : i32 to vector<16xi32>
      %gather3A_282 = tpu.vector_load_idx %arg8[%broadcast_in_dim3A_281, %get3A_267] : memref<64x256xf32, #tpu.memory_space<vmem>>[vector<16xi32>, vector<16xi32>], vector<16xf32>,
      %add3A_283 = arith.addf %add3A_259, %gather3A_282 : vector<16xf32>
      %mul3A_284 = arith.constant 16 : i32
      %mul3A_285 = arith.muli %scan3A_26, %mul3A_284 : i32
      %add3A_286 = arith.constant 0 : i32
      %add3A_287 = arith.addi %add3A_286, %mul3A_285 : i32
      %get3A_288 = arith.constant 11 : i32
      %get3A_289 = arith.index_cast %get3A_288 : i32 to index
      %get3A_290 = arith.index_cast %add3A_287 : i32 to index
      %get3A_291 = tpu.vector_load %arg6[%get3A_289, %get3A_290] {strides = array<i32>} : memref<16x4096xi32, #tpu.memory_space<vmem>>, vector<16xi32>,
      %broadcast_in_dim3A_292 = arith.constant 11 : i32
      %broadcast_in_dim3A_293 = vector.broadcast %broadcast_in_dim3A_292 : i32 to vector<16xi32>
      %gather3A_294 = tpu.vector_load_idx %arg8[%broadcast_in_dim3A_293, %get3A_291] : memref<64x256xf32, #tpu.memory_space<vmem>>[vector<16xi32>, vector<16xi32>], vector<16xf32>,
      %add3A_295 = arith.addf %add3A_271, %gather3A_294 : vector<16xf32>
      %broadcast_in_dim3A_296 = arith.constant 27 : i32
      %broadcast_in_dim3A_297 = vector.broadcast %broadcast_in_dim3A_296 : i32 to vector<16xi32>
      %gather3A_298 = tpu.vector_load_idx %arg8[%broadcast_in_dim3A_297, %get3A_291] : memref<64x256xf32, #tpu.memory_space<vmem>>[vector<16xi32>, vector<16xi32>], vector<16xf32>,
      %add3A_299 = arith.addf %add3A_275, %gather3A_298 : vector<16xf32>
      %broadcast_in_dim3A_300 = arith.constant 43 : i32
      %broadcast_in_dim3A_301 = vector.broadcast %broadcast_in_dim3A_300 : i32 to vector<16xi32>
      %gather3A_302 = tpu.vector_load_idx %arg8[%broadcast_in_dim3A_301, %get3A_291] : memref<64x256xf32, #tpu.memory_space<vmem>>[vector<16xi32>, vector<16xi32>], vector<16xf32>,
      %add3A_303 = arith.addf %add3A_279, %gather3A_302 : vector<16xf32>
      %broadcast_in_dim3A_304 = arith.constant 59 : i32
      %broadcast_in_dim3A_305 = vector.broadcast %broadcast_in_dim3A_304 : i32 to vector<16xi32>
      %gather3A_306 = tpu.vector_load_idx %arg8[%broadcast_in_dim3A_305, %get3A_291] : memref<64x256xf32, #tpu.memory_space<vmem>>[vector<16xi32>, vector<16xi32>], vector<16xf32>,
      %add3A_307 = arith.addf %add3A_283, %gather3A_306 : vector<16xf32>
      %mul3A_308 = arith.constant 16 : i32
      %mul3A_309 = arith.muli %scan3A_26, %mul3A_308 : i32
      %add3A_310 = arith.constant 0 : i32
      %add3A_311 = arith.addi %add3A_310, %mul3A_309 : i32
      %get3A_312 = arith.constant 12 : i32
      %get3A_313 = arith.index_cast %get3A_312 : i32 to index
      %get3A_314 = arith.index_cast %add3A_311 : i32 to index
      %get3A_315 = tpu.vector_load %arg6[%get3A_313, %get3A_314] {strides = array<i32>} : memref<16x4096xi32, #tpu.memory_space<vmem>>, vector<16xi32>,
      %broadcast_in_dim3A_316 = arith.constant 12 : i32
      %broadcast_in_dim3A_317 = vector.broadcast %broadcast_in_dim3A_316 : i32 to vector<16xi32>
      %gather3A_318 = tpu.vector_load_idx %arg8[%broadcast_in_dim3A_317, %get3A_315] : memref<64x256xf32, #tpu.memory_space<vmem>>[vector<16xi32>, vector<16xi32>], vector<16xf32>,
      %add3A_319 = arith.addf %add3A_295, %gather3A_318 : vector<16xf32>
      %broadcast_in_dim3A_320 = arith.constant 28 : i32
      %broadcast_in_dim3A_321 = vector.broadcast %broadcast_in_dim3A_320 : i32 to vector<16xi32>
      %gather3A_322 = tpu.vector_load_idx %arg8[%broadcast_in_dim3A_321, %get3A_315] : memref<64x256xf32, #tpu.memory_space<vmem>>[vector<16xi32>, vector<16xi32>], vector<16xf32>,
      %add3A_323 = arith.addf %add3A_299, %gather3A_322 : vector<16xf32>
      %broadcast_in_dim3A_324 = arith.constant 44 : i32
      %broadcast_in_dim3A_325 = vector.broadcast %broadcast_in_dim3A_324 : i32 to vector<16xi32>
      %gather3A_326 = tpu.vector_load_idx %arg8[%broadcast_in_dim3A_325, %get3A_315] : memref<64x256xf32, #tpu.memory_space<vmem>>[vector<16xi32>, vector<16xi32>], vector<16xf32>,
      %add3A_327 = arith.addf %add3A_303, %gather3A_326 : vector<16xf32>
      %broadcast_in_dim3A_328 = arith.constant 60 : i32
      %broadcast_in_dim3A_329 = vector.broadcast %broadcast_in_dim3A_328 : i32 to vector<16xi32>
      %gather3A_330 = tpu.vector_load_idx %arg8[%broadcast_in_dim3A_329, %get3A_315] : memref<64x256xf32, #tpu.memory_space<vmem>>[vector<16xi32>, vector<16xi32>], vector<16xf32>,
      %add3A_331 = arith.addf %add3A_307, %gather3A_330 : vector<16xf32>
      %mul3A_332 = arith.constant 16 : i32
      %mul3A_333 = arith.muli %scan3A_26, %mul3A_332 : i32
      %add3A_334 = arith.constant 0 : i32
      %add3A_335 = arith.addi %add3A_334, %mul3A_333 : i32
      %get3A_336 = arith.constant 13 : i32
      %get3A_337 = arith.index_cast %get3A_336 : i32 to index
      %get3A_338 = arith.index_cast %add3A_335 : i32 to index
      %get3A_339 = tpu.vector_load %arg6[%get3A_337, %get3A_338] {strides = array<i32>} : memref<16x4096xi32, #tpu.memory_space<vmem>>, vector<16xi32>,
      %broadcast_in_dim3A_340 = arith.constant 13 : i32
      %broadcast_in_dim3A_341 = vector.broadcast %broadcast_in_dim3A_340 : i32 to vector<16xi32>
      %gather3A_342 = tpu.vector_load_idx %arg8[%broadcast_in_dim3A_341, %get3A_339] : memref<64x256xf32, #tpu.memory_space<vmem>>[vector<16xi32>, vector<16xi32>], vector<16xf32>,
      %add3A_343 = arith.addf %add3A_319, %gather3A_342 : vector<16xf32>
      %broadcast_in_dim3A_344 = arith.constant 29 : i32
      %broadcast_in_dim3A_345 = vector.broadcast %broadcast_in_dim3A_344 : i32 to vector<16xi32>
      %gather3A_346 = tpu.vector_load_idx %arg8[%broadcast_in_dim3A_345, %get3A_339] : memref<64x256xf32, #tpu.memory_space<vmem>>[vector<16xi32>, vector<16xi32>], vector<16xf32>,
      %add3A_347 = arith.addf %add3A_323, %gather3A_346 : vector<16xf32>
      %broadcast_in_dim3A_348 = arith.constant 45 : i32
      %broadcast_in_dim3A_349 = vector.broadcast %broadcast_in_dim3A_348 : i32 to vector<16xi32>
      %gather3A_350 = tpu.vector_load_idx %arg8[%broadcast_in_dim3A_349, %get3A_339] : memref<64x256xf32, #tpu.memory_space<vmem>>[vector<16xi32>, vector<16xi32>], vector<16xf32>,
      %add3A_351 = arith.addf %add3A_327, %gather3A_350 : vector<16xf32>
      %broadcast_in_dim3A_352 = arith.constant 61 : i32
      %broadcast_in_dim3A_353 = vector.broadcast %broadcast_in_dim3A_352 : i32 to vector<16xi32>
      %gather3A_354 = tpu.vector_load_idx %arg8[%broadcast_in_dim3A_353, %get3A_339] : memref<64x256xf32, #tpu.memory_space<vmem>>[vector<16xi32>, vector<16xi32>], vector<16xf32>,
      %add3A_355 = arith.addf %add3A_331, %gather3A_354 : vector<16xf32>
      %mul3A_356 = arith.constant 16 : i32
      %mul3A_357 = arith.muli %scan3A_26, %mul3A_356 : i32
      %add3A_358 = arith.constant 0 : i32
      %add3A_359 = arith.addi %add3A_358, %mul3A_357 : i32
      %get3A_360 = arith.constant 14 : i32
      %get3A_361 = arith.index_cast %get3A_360 : i32 to index
      %get3A_362 = arith.index_cast %add3A_359 : i32 to index
      %get3A_363 = tpu.vector_load %arg6[%get3A_361, %get3A_362] {strides = array<i32>} : memref<16x4096xi32, #tpu.memory_space<vmem>>, vector<16xi32>,
      %broadcast_in_dim3A_364 = arith.constant 14 : i32
      %broadcast_in_dim3A_365 = vector.broadcast %broadcast_in_dim3A_364 : i32 to vector<16xi32>
      %gather3A_366 = tpu.vector_load_idx %arg8[%broadcast_in_dim3A_365, %get3A_363] : memref<64x256xf32, #tpu.memory_space<vmem>>[vector<16xi32>, vector<16xi32>], vector<16xf32>,
      %add3A_367 = arith.addf %add3A_343, %gather3A_366 : vector<16xf32>
      %broadcast_in_dim3A_368 = arith.constant 30 : i32
      %broadcast_in_dim3A_369 = vector.broadcast %broadcast_in_dim3A_368 : i32 to vector<16xi32>
      %gather3A_370 = tpu.vector_load_idx %arg8[%broadcast_in_dim3A_369, %get3A_363] : memref<64x256xf32, #tpu.memory_space<vmem>>[vector<16xi32>, vector<16xi32>], vector<16xf32>,
      %add3A_371 = arith.addf %add3A_347, %gather3A_370 : vector<16xf32>
      %broadcast_in_dim3A_372 = arith.constant 46 : i32
      %broadcast_in_dim3A_373 = vector.broadcast %broadcast_in_dim3A_372 : i32 to vector<16xi32>
      %gather3A_374 = tpu.vector_load_idx %arg8[%broadcast_in_dim3A_373, %get3A_363] : memref<64x256xf32, #tpu.memory_space<vmem>>[vector<16xi32>, vector<16xi32>], vector<16xf32>,
      %add3A_375 = arith.addf %add3A_351, %gather3A_374 : vector<16xf32>
      %broadcast_in_dim3A_376 = arith.constant 62 : i32
      %broadcast_in_dim3A_377 = vector.broadcast %broadcast_in_dim3A_376 : i32 to vector<16xi32>
      %gather3A_378 = tpu.vector_load_idx %arg8[%broadcast_in_dim3A_377, %get3A_363] : memref<64x256xf32, #tpu.memory_space<vmem>>[vector<16xi32>, vector<16xi32>], vector<16xf32>,
      %add3A_379 = arith.addf %add3A_355, %gather3A_378 : vector<16xf32>
      %mul3A_380 = arith.constant 16 : i32
      %mul3A_381 = arith.muli %scan3A_26, %mul3A_380 : i32
      %add3A_382 = arith.constant 0 : i32
      %add3A_383 = arith.addi %add3A_382, %mul3A_381 : i32
      %get3A_384 = arith.constant 15 : i32
      %get3A_385 = arith.index_cast %get3A_384 : i32 to index
      %get3A_386 = arith.index_cast %add3A_383 : i32 to index
      %get3A_387 = tpu.vector_load %arg6[%get3A_385, %get3A_386] {strides = array<i32>} : memref<16x4096xi32, #tpu.memory_space<vmem>>, vector<16xi32>,
      %broadcast_in_dim3A_388 = arith.constant 15 : i32
      %broadcast_in_dim3A_389 = vector.broadcast %broadcast_in_dim3A_388 : i32 to vector<16xi32>
      %gather3A_390 = tpu.vector_load_idx %arg8[%broadcast_in_dim3A_389, %get3A_387] : memref<64x256xf32, #tpu.memory_space<vmem>>[vector<16xi32>, vector<16xi32>], vector<16xf32>,
      %add3A_391 = arith.addf %add3A_367, %gather3A_390 : vector<16xf32>
      %broadcast_in_dim3A_392 = arith.constant 31 : i32
      %broadcast_in_dim3A_393 = vector.broadcast %broadcast_in_dim3A_392 : i32 to vector<16xi32>
      %gather3A_394 = tpu.vector_load_idx %arg8[%broadcast_in_dim3A_393, %get3A_387] : memref<64x256xf32, #tpu.memory_space<vmem>>[vector<16xi32>, vector<16xi32>], vector<16xf32>,
      %add3A_395 = arith.addf %add3A_371, %gather3A_394 : vector<16xf32>
      %broadcast_in_dim3A_396 = arith.constant 47 : i32
      %broadcast_in_dim3A_397 = vector.broadcast %broadcast_in_dim3A_396 : i32 to vector<16xi32>
      %gather3A_398 = tpu.vector_load_idx %arg8[%broadcast_in_dim3A_397, %get3A_387] : memref<64x256xf32, #tpu.memory_space<vmem>>[vector<16xi32>, vector<16xi32>], vector<16xf32>,
      %add3A_399 = arith.addf %add3A_375, %gather3A_398 : vector<16xf32>
      %broadcast_in_dim3A_400 = arith.constant 63 : i32
      %broadcast_in_dim3A_401 = vector.broadcast %broadcast_in_dim3A_400 : i32 to vector<16xi32>
      %gather3A_402 = tpu.vector_load_idx %arg8[%broadcast_in_dim3A_401, %get3A_387] : memref<64x256xf32, #tpu.memory_space<vmem>>[vector<16xi32>, vector<16xi32>], vector<16xf32>,
      %add3A_403 = arith.addf %add3A_379, %gather3A_402 : vector<16xf32>
      %mul3A_404 = arith.constant 16 : i32
      %mul3A_405 = arith.muli %scan3A_26, %mul3A_404 : i32
      %swap3A = arith.constant 0 : i32
      %swap3A_406 = arith.index_cast %swap3A : i32 to index
      %swap3A_407 = arith.index_cast %mul3A_405 : i32 to index
      %swap3A_408 = tpu.vector_load %arg9[%swap3A_406, %swap3A_407] {strides = array<i32>} : memref<4x2048xf32, #tpu.memory_space<vmem>>, vector<16xf32>,
      tpu.vector_store %arg9[%swap3A_406, %swap3A_407], %add3A_391 {strides = array<i32>} : memref<4x2048xf32, #tpu.memory_space<vmem>>, vector<16xf32>,
      %mul3A_409 = arith.constant 16 : i32
      %mul3A_410 = arith.muli %scan3A_26, %mul3A_409 : i32
      %swap3A_411 = arith.constant 1 : i32
      %swap3A_412 = arith.index_cast %swap3A_411 : i32 to index
      %swap3A_413 = arith.index_cast %mul3A_410 : i32 to index
      %swap3A_414 = tpu.vector_load %arg9[%swap3A_412, %swap3A_413] {strides = array<i32>} : memref<4x2048xf32, #tpu.memory_space<vmem>>, vector<16xf32>,
      tpu.vector_store %arg9[%swap3A_412, %swap3A_413], %add3A_395 {strides = array<i32>} : memref<4x2048xf32, #tpu.memory_space<vmem>>, vector<16xf32>,
      %mul3A_415 = arith.constant 16 : i32
      %mul3A_416 = arith.muli %scan3A_26, %mul3A_415 : i32
      %swap3A_417 = arith.constant 2 : i32
      %swap3A_418 = arith.index_cast %swap3A_417 : i32 to index
      %swap3A_419 = arith.index_cast %mul3A_416 : i32 to index
      %swap3A_420 = tpu.vector_load %arg9[%swap3A_418, %swap3A_419] {strides = array<i32>} : memref<4x2048xf32, #tpu.memory_space<vmem>>, vector<16xf32>,
      tpu.vector_store %arg9[%swap3A_418, %swap3A_419], %add3A_399 {strides = array<i32>} : memref<4x2048xf32, #tpu.memory_space<vmem>>, vector<16xf32>,
      %mul3A_421 = arith.constant 16 : i32
      %mul3A_422 = arith.muli %scan3A_26, %mul3A_421 : i32
      %swap3A_423 = arith.constant 3 : i32
      %swap3A_424 = arith.index_cast %swap3A_423 : i32 to index
      %swap3A_425 = arith.index_cast %mul3A_422 : i32 to index
      %swap3A_426 = tpu.vector_load %arg9[%swap3A_424, %swap3A_425] {strides = array<i32>} : memref<4x2048xf32, #tpu.memory_space<vmem>>, vector<16xf32>,
      tpu.vector_store %arg9[%swap3A_424, %swap3A_425], %add3A_403 {strides = array<i32>} : memref<4x2048xf32, #tpu.memory_space<vmem>>, vector<16xf32>,
    }
    %scan3A_16 = arith.constant 128 : i32
    %mul3A_17 = arith.constant 4 : i32
    %mul3A_18 = arith.muli %add3A, %mul3A_17 : i32
    "tpu.region"() ({
      %run_scoped3A = tpu.sem_alloc : memref<!tpu.dma_semaphore, #tpu.memory_space<semaphore_mem>>
      %dma_start3A_26 = arith.constant 0 : i32
      %dma_start3A_27 = tpu.memref_slice %arg5[%mul3A_18, %dma_start3A_26] : memref<128x4096xf32, #tpu.memory_space<hbm>> -> memref<4x2048xf32, #tpu.memory_space<hbm>>
      %dma_start3A_28 = arith.constant 0 : i32
      %dma_start3A_29 = tpu.memref_slice %arg5[%mul3A_18, %dma_start3A_28] : memref<128x4096xf32, #tpu.memory_space<hbm>> -> memref<4x2048xf32, #tpu.memory_space<hbm>>
      tpu.enqueue_dma source(%arg9 : memref<4x2048xf32, #tpu.memory_space<vmem>>) target(%dma_start3A_29 : memref<4x2048xf32, #tpu.memory_space<hbm>>) target_semaphore(%run_scoped3A : memref<!tpu.dma_semaphore, #tpu.memory_space<semaphore_mem>>)
      %dma_wait3A_30 = arith.constant 0 : i32
      %dma_wait3A_31 = tpu.memref_slice %arg5[%mul3A_18, %dma_wait3A_30] : memref<128x4096xf32, #tpu.memory_space<hbm>> -> memref<4x2048xf32, #tpu.memory_space<hbm>>
      %dma_wait3A_32 = arith.constant 0 : i32
      %dma_wait3A_33 = tpu.memref_slice %arg5[%mul3A_18, %dma_wait3A_32] : memref<128x4096xf32, #tpu.memory_space<hbm>> -> memref<4x2048xf32, #tpu.memory_space<hbm>>
      tpu.wait_dma2 semaphore(%run_scoped3A : memref<!tpu.dma_semaphore, #tpu.memory_space<semaphore_mem>>) src(%arg9 : memref<4x2048xf32, #tpu.memory_space<vmem>>) dst(%dma_wait3A_33 : memref<4x2048xf32, #tpu.memory_space<hbm>>)
      tpu.yield
    }) : () -> ()
    %scan3A_19 = arith.constant 0 : i32
    %scan3A_20 = arith.constant 128 : i32
    %scan3A_21 = arith.addi %scan3A_19, %scan3A_20 : i32
    %scan3A_22 = arith.constant 1 : i32
    scf.for %scan3A_26 = %scan3A_19 to %scan3A_21 step %scan3A_22  : i32 {
      %mul3A_27 = arith.constant 16 : i32
      %mul3A_28 = arith.muli %scan3A_26, %mul3A_27 : i32
      %add3A_29 = arith.constant 2048 : i32
      %add3A_30 = arith.addi %add3A_29, %mul3A_28 : i32
      %get3A = arith.constant 0 : i32
      %get3A_31 = arith.index_cast %get3A : i32 to index
      %get3A_32 = arith.index_cast %add3A_30 : i32 to index
      %get3A_33 = tpu.vector_load %arg6[%get3A_31, %get3A_32] {strides = array<i32>} : memref<16x4096xi32, #tpu.memory_space<vmem>>, vector<16xi32>,
      %broadcast_in_dim3A = arith.constant 0 : i32
      %broadcast_in_dim3A_34 = vector.broadcast %broadcast_in_dim3A : i32 to vector<16xi32>
      %gather3A = tpu.vector_load_idx %arg8[%broadcast_in_dim3A_34, %get3A_33] : memref<64x256xf32, #tpu.memory_space<vmem>>[vector<16xi32>, vector<16xi32>], vector<16xf32>,
      %broadcast_in_dim3A_35 = arith.constant 16 : i32
      %broadcast_in_dim3A_36 = vector.broadcast %broadcast_in_dim3A_35 : i32 to vector<16xi32>
      %gather3A_37 = tpu.vector_load_idx %arg8[%broadcast_in_dim3A_36, %get3A_33] : memref<64x256xf32, #tpu.memory_space<vmem>>[vector<16xi32>, vector<16xi32>], vector<16xf32>,
      %broadcast_in_dim3A_38 = arith.constant 32 : i32
      %broadcast_in_dim3A_39 = vector.broadcast %broadcast_in_dim3A_38 : i32 to vector<16xi32>
      %gather3A_40 = tpu.vector_load_idx %arg8[%broadcast_in_dim3A_39, %get3A_33] : memref<64x256xf32, #tpu.memory_space<vmem>>[vector<16xi32>, vector<16xi32>], vector<16xf32>,
      %broadcast_in_dim3A_41 = arith.constant 48 : i32
      %broadcast_in_dim3A_42 = vector.broadcast %broadcast_in_dim3A_41 : i32 to vector<16xi32>
      %gather3A_43 = tpu.vector_load_idx %arg8[%broadcast_in_dim3A_42, %get3A_33] : memref<64x256xf32, #tpu.memory_space<vmem>>[vector<16xi32>, vector<16xi32>], vector<16xf32>,
      %mul3A_44 = arith.constant 16 : i32
      %mul3A_45 = arith.muli %scan3A_26, %mul3A_44 : i32
      %add3A_46 = arith.constant 2048 : i32
      %add3A_47 = arith.addi %add3A_46, %mul3A_45 : i32
      %get3A_48 = arith.constant 1 : i32
      %get3A_49 = arith.index_cast %get3A_48 : i32 to index
      %get3A_50 = arith.index_cast %add3A_47 : i32 to index
      %get3A_51 = tpu.vector_load %arg6[%get3A_49, %get3A_50] {strides = array<i32>} : memref<16x4096xi32, #tpu.memory_space<vmem>>, vector<16xi32>,
      %broadcast_in_dim3A_52 = arith.constant 1 : i32
      %broadcast_in_dim3A_53 = vector.broadcast %broadcast_in_dim3A_52 : i32 to vector<16xi32>
      %gather3A_54 = tpu.vector_load_idx %arg8[%broadcast_in_dim3A_53, %get3A_51] : memref<64x256xf32, #tpu.memory_space<vmem>>[vector<16xi32>, vector<16xi32>], vector<16xf32>,
      %add3A_55 = arith.addf %gather3A, %gather3A_54 : vector<16xf32>
      %broadcast_in_dim3A_56 = arith.constant 17 : i32
      %broadcast_in_dim3A_57 = vector.broadcast %broadcast_in_dim3A_56 : i32 to vector<16xi32>
      %gather3A_58 = tpu.vector_load_idx %arg8[%broadcast_in_dim3A_57, %get3A_51] : memref<64x256xf32, #tpu.memory_space<vmem>>[vector<16xi32>, vector<16xi32>], vector<16xf32>,
      %add3A_59 = arith.addf %gather3A_37, %gather3A_58 : vector<16xf32>
      %broadcast_in_dim3A_60 = arith.constant 33 : i32
      %broadcast_in_dim3A_61 = vector.broadcast %broadcast_in_dim3A_60 : i32 to vector<16xi32>
      %gather3A_62 = tpu.vector_load_idx %arg8[%broadcast_in_dim3A_61, %get3A_51] : memref<64x256xf32, #tpu.memory_space<vmem>>[vector<16xi32>, vector<16xi32>], vector<16xf32>,
      %add3A_63 = arith.addf %gather3A_40, %gather3A_62 : vector<16xf32>
      %broadcast_in_dim3A_64 = arith.constant 49 : i32
      %broadcast_in_dim3A_65 = vector.broadcast %broadcast_in_dim3A_64 : i32 to vector<16xi32>
      %gather3A_66 = tpu.vector_load_idx %arg8[%broadcast_in_dim3A_65, %get3A_51] : memref<64x256xf32, #tpu.memory_space<vmem>>[vector<16xi32>, vector<16xi32>], vector<16xf32>,
      %add3A_67 = arith.addf %gather3A_43, %gather3A_66 : vector<16xf32>
      %mul3A_68 = arith.constant 16 : i32
      %mul3A_69 = arith.muli %scan3A_26, %mul3A_68 : i32
      %add3A_70 = arith.constant 2048 : i32
      %add3A_71 = arith.addi %add3A_70, %mul3A_69 : i32
      %get3A_72 = arith.constant 2 : i32
      %get3A_73 = arith.index_cast %get3A_72 : i32 to index
      %get3A_74 = arith.index_cast %add3A_71 : i32 to index
      %get3A_75 = tpu.vector_load %arg6[%get3A_73, %get3A_74] {strides = array<i32>} : memref<16x4096xi32, #tpu.memory_space<vmem>>, vector<16xi32>,
      %broadcast_in_dim3A_76 = arith.constant 2 : i32
      %broadcast_in_dim3A_77 = vector.broadcast %broadcast_in_dim3A_76 : i32 to vector<16xi32>
      %gather3A_78 = tpu.vector_load_idx %arg8[%broadcast_in_dim3A_77, %get3A_75] : memref<64x256xf32, #tpu.memory_space<vmem>>[vector<16xi32>, vector<16xi32>], vector<16xf32>,
      %add3A_79 = arith.addf %add3A_55, %gather3A_78 : vector<16xf32>
      %broadcast_in_dim3A_80 = arith.constant 18 : i32
      %broadcast_in_dim3A_81 = vector.broadcast %broadcast_in_dim3A_80 : i32 to vector<16xi32>
      %gather3A_82 = tpu.vector_load_idx %arg8[%broadcast_in_dim3A_81, %get3A_75] : memref<64x256xf32, #tpu.memory_space<vmem>>[vector<16xi32>, vector<16xi32>], vector<16xf32>,
      %add3A_83 = arith.addf %add3A_59, %gather3A_82 : vector<16xf32>
      %broadcast_in_dim3A_84 = arith.constant 34 : i32
      %broadcast_in_dim3A_85 = vector.broadcast %broadcast_in_dim3A_84 : i32 to vector<16xi32>
      %gather3A_86 = tpu.vector_load_idx %arg8[%broadcast_in_dim3A_85, %get3A_75] : memref<64x256xf32, #tpu.memory_space<vmem>>[vector<16xi32>, vector<16xi32>], vector<16xf32>,
      %add3A_87 = arith.addf %add3A_63, %gather3A_86 : vector<16xf32>
      %broadcast_in_dim3A_88 = arith.constant 50 : i32
      %broadcast_in_dim3A_89 = vector.broadcast %broadcast_in_dim3A_88 : i32 to vector<16xi32>
      %gather3A_90 = tpu.vector_load_idx %arg8[%broadcast_in_dim3A_89, %get3A_75] : memref<64x256xf32, #tpu.memory_space<vmem>>[vector<16xi32>, vector<16xi32>], vector<16xf32>,
      %add3A_91 = arith.addf %add3A_67, %gather3A_90 : vector<16xf32>
      %mul3A_92 = arith.constant 16 : i32
      %mul3A_93 = arith.muli %scan3A_26, %mul3A_92 : i32
      %add3A_94 = arith.constant 2048 : i32
      %add3A_95 = arith.addi %add3A_94, %mul3A_93 : i32
      %get3A_96 = arith.constant 3 : i32
      %get3A_97 = arith.index_cast %get3A_96 : i32 to index
      %get3A_98 = arith.index_cast %add3A_95 : i32 to index
      %get3A_99 = tpu.vector_load %arg6[%get3A_97, %get3A_98] {strides = array<i32>} : memref<16x4096xi32, #tpu.memory_space<vmem>>, vector<16xi32>,
      %broadcast_in_dim3A_100 = arith.constant 3 : i32
      %broadcast_in_dim3A_101 = vector.broadcast %broadcast_in_dim3A_100 : i32 to vector<16xi32>
      %gather3A_102 = tpu.vector_load_idx %arg8[%broadcast_in_dim3A_101, %get3A_99] : memref<64x256xf32, #tpu.memory_space<vmem>>[vector<16xi32>, vector<16xi32>], vector<16xf32>,
      %add3A_103 = arith.addf %add3A_79, %gather3A_102 : vector<16xf32>
      %broadcast_in_dim3A_104 = arith.constant 19 : i32
      %broadcast_in_dim3A_105 = vector.broadcast %broadcast_in_dim3A_104 : i32 to vector<16xi32>
      %gather3A_106 = tpu.vector_load_idx %arg8[%broadcast_in_dim3A_105, %get3A_99] : memref<64x256xf32, #tpu.memory_space<vmem>>[vector<16xi32>, vector<16xi32>], vector<16xf32>,
      %add3A_107 = arith.addf %add3A_83, %gather3A_106 : vector<16xf32>
      %broadcast_in_dim3A_108 = arith.constant 35 : i32
      %broadcast_in_dim3A_109 = vector.broadcast %broadcast_in_dim3A_108 : i32 to vector<16xi32>
      %gather3A_110 = tpu.vector_load_idx %arg8[%broadcast_in_dim3A_109, %get3A_99] : memref<64x256xf32, #tpu.memory_space<vmem>>[vector<16xi32>, vector<16xi32>], vector<16xf32>,
      %add3A_111 = arith.addf %add3A_87, %gather3A_110 : vector<16xf32>
      %broadcast_in_dim3A_112 = arith.constant 51 : i32
      %broadcast_in_dim3A_113 = vector.broadcast %broadcast_in_dim3A_112 : i32 to vector<16xi32>
      %gather3A_114 = tpu.vector_load_idx %arg8[%broadcast_in_dim3A_113, %get3A_99] : memref<64x256xf32, #tpu.memory_space<vmem>>[vector<16xi32>, vector<16xi32>], vector<16xf32>,
      %add3A_115 = arith.addf %add3A_91, %gather3A_114 : vector<16xf32>
      %mul3A_116 = arith.constant 16 : i32
      %mul3A_117 = arith.muli %scan3A_26, %mul3A_116 : i32
      %add3A_118 = arith.constant 2048 : i32
      %add3A_119 = arith.addi %add3A_118, %mul3A_117 : i32
      %get3A_120 = arith.constant 4 : i32
      %get3A_121 = arith.index_cast %get3A_120 : i32 to index
      %get3A_122 = arith.index_cast %add3A_119 : i32 to index
      %get3A_123 = tpu.vector_load %arg6[%get3A_121, %get3A_122] {strides = array<i32>} : memref<16x4096xi32, #tpu.memory_space<vmem>>, vector<16xi32>,
      %broadcast_in_dim3A_124 = arith.constant 4 : i32
      %broadcast_in_dim3A_125 = vector.broadcast %broadcast_in_dim3A_124 : i32 to vector<16xi32>
      %gather3A_126 = tpu.vector_load_idx %arg8[%broadcast_in_dim3A_125, %get3A_123] : memref<64x256xf32, #tpu.memory_space<vmem>>[vector<16xi32>, vector<16xi32>], vector<16xf32>,
      %add3A_127 = arith.addf %add3A_103, %gather3A_126 : vector<16xf32>
      %broadcast_in_dim3A_128 = arith.constant 20 : i32
      %broadcast_in_dim3A_129 = vector.broadcast %broadcast_in_dim3A_128 : i32 to vector<16xi32>
      %gather3A_130 = tpu.vector_load_idx %arg8[%broadcast_in_dim3A_129, %get3A_123] : memref<64x256xf32, #tpu.memory_space<vmem>>[vector<16xi32>, vector<16xi32>], vector<16xf32>,
      %add3A_131 = arith.addf %add3A_107, %gather3A_130 : vector<16xf32>
      %broadcast_in_dim3A_132 = arith.constant 36 : i32
      %broadcast_in_dim3A_133 = vector.broadcast %broadcast_in_dim3A_132 : i32 to vector<16xi32>
      %gather3A_134 = tpu.vector_load_idx %arg8[%broadcast_in_dim3A_133, %get3A_123] : memref<64x256xf32, #tpu.memory_space<vmem>>[vector<16xi32>, vector<16xi32>], vector<16xf32>,
      %add3A_135 = arith.addf %add3A_111, %gather3A_134 : vector<16xf32>
      %broadcast_in_dim3A_136 = arith.constant 52 : i32
      %broadcast_in_dim3A_137 = vector.broadcast %broadcast_in_dim3A_136 : i32 to vector<16xi32>
      %gather3A_138 = tpu.vector_load_idx %arg8[%broadcast_in_dim3A_137, %get3A_123] : memref<64x256xf32, #tpu.memory_space<vmem>>[vector<16xi32>, vector<16xi32>], vector<16xf32>,
      %add3A_139 = arith.addf %add3A_115, %gather3A_138 : vector<16xf32>
      %mul3A_140 = arith.constant 16 : i32
      %mul3A_141 = arith.muli %scan3A_26, %mul3A_140 : i32
      %add3A_142 = arith.constant 2048 : i32
      %add3A_143 = arith.addi %add3A_142, %mul3A_141 : i32
      %get3A_144 = arith.constant 5 : i32
      %get3A_145 = arith.index_cast %get3A_144 : i32 to index
      %get3A_146 = arith.index_cast %add3A_143 : i32 to index
      %get3A_147 = tpu.vector_load %arg6[%get3A_145, %get3A_146] {strides = array<i32>} : memref<16x4096xi32, #tpu.memory_space<vmem>>, vector<16xi32>,
      %broadcast_in_dim3A_148 = arith.constant 5 : i32
      %broadcast_in_dim3A_149 = vector.broadcast %broadcast_in_dim3A_148 : i32 to vector<16xi32>
      %gather3A_150 = tpu.vector_load_idx %arg8[%broadcast_in_dim3A_149, %get3A_147] : memref<64x256xf32, #tpu.memory_space<vmem>>[vector<16xi32>, vector<16xi32>], vector<16xf32>,
      %add3A_151 = arith.addf %add3A_127, %gather3A_150 : vector<16xf32>
      %broadcast_in_dim3A_152 = arith.constant 21 : i32
      %broadcast_in_dim3A_153 = vector.broadcast %broadcast_in_dim3A_152 : i32 to vector<16xi32>
      %gather3A_154 = tpu.vector_load_idx %arg8[%broadcast_in_dim3A_153, %get3A_147] : memref<64x256xf32, #tpu.memory_space<vmem>>[vector<16xi32>, vector<16xi32>], vector<16xf32>,
      %add3A_155 = arith.addf %add3A_131, %gather3A_154 : vector<16xf32>
      %broadcast_in_dim3A_156 = arith.constant 37 : i32
      %broadcast_in_dim3A_157 = vector.broadcast %broadcast_in_dim3A_156 : i32 to vector<16xi32>
      %gather3A_158 = tpu.vector_load_idx %arg8[%broadcast_in_dim3A_157, %get3A_147] : memref<64x256xf32, #tpu.memory_space<vmem>>[vector<16xi32>, vector<16xi32>], vector<16xf32>,
      %add3A_159 = arith.addf %add3A_135, %gather3A_158 : vector<16xf32>
      %broadcast_in_dim3A_160 = arith.constant 53 : i32
      %broadcast_in_dim3A_161 = vector.broadcast %broadcast_in_dim3A_160 : i32 to vector<16xi32>
      %gather3A_162 = tpu.vector_load_idx %arg8[%broadcast_in_dim3A_161, %get3A_147] : memref<64x256xf32, #tpu.memory_space<vmem>>[vector<16xi32>, vector<16xi32>], vector<16xf32>,
      %add3A_163 = arith.addf %add3A_139, %gather3A_162 : vector<16xf32>
      %mul3A_164 = arith.constant 16 : i32
      %mul3A_165 = arith.muli %scan3A_26, %mul3A_164 : i32
      %add3A_166 = arith.constant 2048 : i32
      %add3A_167 = arith.addi %add3A_166, %mul3A_165 : i32
      %get3A_168 = arith.constant 6 : i32
      %get3A_169 = arith.index_cast %get3A_168 : i32 to index
      %get3A_170 = arith.index_cast %add3A_167 : i32 to index
      %get3A_171 = tpu.vector_load %arg6[%get3A_169, %get3A_170] {strides = array<i32>} : memref<16x4096xi32, #tpu.memory_space<vmem>>, vector<16xi32>,
      %broadcast_in_dim3A_172 = arith.constant 6 : i32
      %broadcast_in_dim3A_173 = vector.broadcast %broadcast_in_dim3A_172 : i32 to vector<16xi32>
      %gather3A_174 = tpu.vector_load_idx %arg8[%broadcast_in_dim3A_173, %get3A_171] : memref<64x256xf32, #tpu.memory_space<vmem>>[vector<16xi32>, vector<16xi32>], vector<16xf32>,
      %add3A_175 = arith.addf %add3A_151, %gather3A_174 : vector<16xf32>
      %broadcast_in_dim3A_176 = arith.constant 22 : i32
      %broadcast_in_dim3A_177 = vector.broadcast %broadcast_in_dim3A_176 : i32 to vector<16xi32>
      %gather3A_178 = tpu.vector_load_idx %arg8[%broadcast_in_dim3A_177, %get3A_171] : memref<64x256xf32, #tpu.memory_space<vmem>>[vector<16xi32>, vector<16xi32>], vector<16xf32>,
      %add3A_179 = arith.addf %add3A_155, %gather3A_178 : vector<16xf32>
      %broadcast_in_dim3A_180 = arith.constant 38 : i32
      %broadcast_in_dim3A_181 = vector.broadcast %broadcast_in_dim3A_180 : i32 to vector<16xi32>
      %gather3A_182 = tpu.vector_load_idx %arg8[%broadcast_in_dim3A_181, %get3A_171] : memref<64x256xf32, #tpu.memory_space<vmem>>[vector<16xi32>, vector<16xi32>], vector<16xf32>,
      %add3A_183 = arith.addf %add3A_159, %gather3A_182 : vector<16xf32>
      %broadcast_in_dim3A_184 = arith.constant 54 : i32
      %broadcast_in_dim3A_185 = vector.broadcast %broadcast_in_dim3A_184 : i32 to vector<16xi32>
      %gather3A_186 = tpu.vector_load_idx %arg8[%broadcast_in_dim3A_185, %get3A_171] : memref<64x256xf32, #tpu.memory_space<vmem>>[vector<16xi32>, vector<16xi32>], vector<16xf32>,
      %add3A_187 = arith.addf %add3A_163, %gather3A_186 : vector<16xf32>
      %mul3A_188 = arith.constant 16 : i32
      %mul3A_189 = arith.muli %scan3A_26, %mul3A_188 : i32
      %add3A_190 = arith.constant 2048 : i32
      %add3A_191 = arith.addi %add3A_190, %mul3A_189 : i32
      %get3A_192 = arith.constant 7 : i32
      %get3A_193 = arith.index_cast %get3A_192 : i32 to index
      %get3A_194 = arith.index_cast %add3A_191 : i32 to index
      %get3A_195 = tpu.vector_load %arg6[%get3A_193, %get3A_194] {strides = array<i32>} : memref<16x4096xi32, #tpu.memory_space<vmem>>, vector<16xi32>,
      %broadcast_in_dim3A_196 = arith.constant 7 : i32
      %broadcast_in_dim3A_197 = vector.broadcast %broadcast_in_dim3A_196 : i32 to vector<16xi32>
      %gather3A_198 = tpu.vector_load_idx %arg8[%broadcast_in_dim3A_197, %get3A_195] : memref<64x256xf32, #tpu.memory_space<vmem>>[vector<16xi32>, vector<16xi32>], vector<16xf32>,
      %add3A_199 = arith.addf %add3A_175, %gather3A_198 : vector<16xf32>
      %broadcast_in_dim3A_200 = arith.constant 23 : i32
      %broadcast_in_dim3A_201 = vector.broadcast %broadcast_in_dim3A_200 : i32 to vector<16xi32>
      %gather3A_202 = tpu.vector_load_idx %arg8[%broadcast_in_dim3A_201, %get3A_195] : memref<64x256xf32, #tpu.memory_space<vmem>>[vector<16xi32>, vector<16xi32>], vector<16xf32>,
      %add3A_203 = arith.addf %add3A_179, %gather3A_202 : vector<16xf32>
      %broadcast_in_dim3A_204 = arith.constant 39 : i32
      %broadcast_in_dim3A_205 = vector.broadcast %broadcast_in_dim3A_204 : i32 to vector<16xi32>
      %gather3A_206 = tpu.vector_load_idx %arg8[%broadcast_in_dim3A_205, %get3A_195] : memref<64x256xf32, #tpu.memory_space<vmem>>[vector<16xi32>, vector<16xi32>], vector<16xf32>,
      %add3A_207 = arith.addf %add3A_183, %gather3A_206 : vector<16xf32>
      %broadcast_in_dim3A_208 = arith.constant 55 : i32
      %broadcast_in_dim3A_209 = vector.broadcast %broadcast_in_dim3A_208 : i32 to vector<16xi32>
      %gather3A_210 = tpu.vector_load_idx %arg8[%broadcast_in_dim3A_209, %get3A_195] : memref<64x256xf32, #tpu.memory_space<vmem>>[vector<16xi32>, vector<16xi32>], vector<16xf32>,
      %add3A_211 = arith.addf %add3A_187, %gather3A_210 : vector<16xf32>
      %mul3A_212 = arith.constant 16 : i32
      %mul3A_213 = arith.muli %scan3A_26, %mul3A_212 : i32
      %add3A_214 = arith.constant 2048 : i32
      %add3A_215 = arith.addi %add3A_214, %mul3A_213 : i32
      %get3A_216 = arith.constant 8 : i32
      %get3A_217 = arith.index_cast %get3A_216 : i32 to index
      %get3A_218 = arith.index_cast %add3A_215 : i32 to index
      %get3A_219 = tpu.vector_load %arg6[%get3A_217, %get3A_218] {strides = array<i32>} : memref<16x4096xi32, #tpu.memory_space<vmem>>, vector<16xi32>,
      %broadcast_in_dim3A_220 = arith.constant 8 : i32
      %broadcast_in_dim3A_221 = vector.broadcast %broadcast_in_dim3A_220 : i32 to vector<16xi32>
      %gather3A_222 = tpu.vector_load_idx %arg8[%broadcast_in_dim3A_221, %get3A_219] : memref<64x256xf32, #tpu.memory_space<vmem>>[vector<16xi32>, vector<16xi32>], vector<16xf32>,
      %add3A_223 = arith.addf %add3A_199, %gather3A_222 : vector<16xf32>
      %broadcast_in_dim3A_224 = arith.constant 24 : i32
      %broadcast_in_dim3A_225 = vector.broadcast %broadcast_in_dim3A_224 : i32 to vector<16xi32>
      %gather3A_226 = tpu.vector_load_idx %arg8[%broadcast_in_dim3A_225, %get3A_219] : memref<64x256xf32, #tpu.memory_space<vmem>>[vector<16xi32>, vector<16xi32>], vector<16xf32>,
      %add3A_227 = arith.addf %add3A_203, %gather3A_226 : vector<16xf32>
      %broadcast_in_dim3A_228 = arith.constant 40 : i32
      %broadcast_in_dim3A_229 = vector.broadcast %broadcast_in_dim3A_228 : i32 to vector<16xi32>
      %gather3A_230 = tpu.vector_load_idx %arg8[%broadcast_in_dim3A_229, %get3A_219] : memref<64x256xf32, #tpu.memory_space<vmem>>[vector<16xi32>, vector<16xi32>], vector<16xf32>,
      %add3A_231 = arith.addf %add3A_207, %gather3A_230 : vector<16xf32>
      %broadcast_in_dim3A_232 = arith.constant 56 : i32
      %broadcast_in_dim3A_233 = vector.broadcast %broadcast_in_dim3A_232 : i32 to vector<16xi32>
      %gather3A_234 = tpu.vector_load_idx %arg8[%broadcast_in_dim3A_233, %get3A_219] : memref<64x256xf32, #tpu.memory_space<vmem>>[vector<16xi32>, vector<16xi32>], vector<16xf32>,
      %add3A_235 = arith.addf %add3A_211, %gather3A_234 : vector<16xf32>
      %mul3A_236 = arith.constant 16 : i32
      %mul3A_237 = arith.muli %scan3A_26, %mul3A_236 : i32
      %add3A_238 = arith.constant 2048 : i32
      %add3A_239 = arith.addi %add3A_238, %mul3A_237 : i32
      %get3A_240 = arith.constant 9 : i32
      %get3A_241 = arith.index_cast %get3A_240 : i32 to index
      %get3A_242 = arith.index_cast %add3A_239 : i32 to index
      %get3A_243 = tpu.vector_load %arg6[%get3A_241, %get3A_242] {strides = array<i32>} : memref<16x4096xi32, #tpu.memory_space<vmem>>, vector<16xi32>,
      %broadcast_in_dim3A_244 = arith.constant 9 : i32
      %broadcast_in_dim3A_245 = vector.broadcast %broadcast_in_dim3A_244 : i32 to vector<16xi32>
      %gather3A_246 = tpu.vector_load_idx %arg8[%broadcast_in_dim3A_245, %get3A_243] : memref<64x256xf32, #tpu.memory_space<vmem>>[vector<16xi32>, vector<16xi32>], vector<16xf32>,
      %add3A_247 = arith.addf %add3A_223, %gather3A_246 : vector<16xf32>
      %broadcast_in_dim3A_248 = arith.constant 25 : i32
      %broadcast_in_dim3A_249 = vector.broadcast %broadcast_in_dim3A_248 : i32 to vector<16xi32>
      %gather3A_250 = tpu.vector_load_idx %arg8[%broadcast_in_dim3A_249, %get3A_243] : memref<64x256xf32, #tpu.memory_space<vmem>>[vector<16xi32>, vector<16xi32>], vector<16xf32>,
      %add3A_251 = arith.addf %add3A_227, %gather3A_250 : vector<16xf32>
      %broadcast_in_dim3A_252 = arith.constant 41 : i32
      %broadcast_in_dim3A_253 = vector.broadcast %broadcast_in_dim3A_252 : i32 to vector<16xi32>
      %gather3A_254 = tpu.vector_load_idx %arg8[%broadcast_in_dim3A_253, %get3A_243] : memref<64x256xf32, #tpu.memory_space<vmem>>[vector<16xi32>, vector<16xi32>], vector<16xf32>,
      %add3A_255 = arith.addf %add3A_231, %gather3A_254 : vector<16xf32>
      %broadcast_in_dim3A_256 = arith.constant 57 : i32
      %broadcast_in_dim3A_257 = vector.broadcast %broadcast_in_dim3A_256 : i32 to vector<16xi32>
      %gather3A_258 = tpu.vector_load_idx %arg8[%broadcast_in_dim3A_257, %get3A_243] : memref<64x256xf32, #tpu.memory_space<vmem>>[vector<16xi32>, vector<16xi32>], vector<16xf32>,
      %add3A_259 = arith.addf %add3A_235, %gather3A_258 : vector<16xf32>
      %mul3A_260 = arith.constant 16 : i32
      %mul3A_261 = arith.muli %scan3A_26, %mul3A_260 : i32
      %add3A_262 = arith.constant 2048 : i32
      %add3A_263 = arith.addi %add3A_262, %mul3A_261 : i32
      %get3A_264 = arith.constant 10 : i32
      %get3A_265 = arith.index_cast %get3A_264 : i32 to index
      %get3A_266 = arith.index_cast %add3A_263 : i32 to index
      %get3A_267 = tpu.vector_load %arg6[%get3A_265, %get3A_266] {strides = array<i32>} : memref<16x4096xi32, #tpu.memory_space<vmem>>, vector<16xi32>,
      %broadcast_in_dim3A_268 = arith.constant 10 : i32
      %broadcast_in_dim3A_269 = vector.broadcast %broadcast_in_dim3A_268 : i32 to vector<16xi32>
      %gather3A_270 = tpu.vector_load_idx %arg8[%broadcast_in_dim3A_269, %get3A_267] : memref<64x256xf32, #tpu.memory_space<vmem>>[vector<16xi32>, vector<16xi32>], vector<16xf32>,
      %add3A_271 = arith.addf %add3A_247, %gather3A_270 : vector<16xf32>
      %broadcast_in_dim3A_272 = arith.constant 26 : i32
      %broadcast_in_dim3A_273 = vector.broadcast %broadcast_in_dim3A_272 : i32 to vector<16xi32>
      %gather3A_274 = tpu.vector_load_idx %arg8[%broadcast_in_dim3A_273, %get3A_267] : memref<64x256xf32, #tpu.memory_space<vmem>>[vector<16xi32>, vector<16xi32>], vector<16xf32>,
      %add3A_275 = arith.addf %add3A_251, %gather3A_274 : vector<16xf32>
      %broadcast_in_dim3A_276 = arith.constant 42 : i32
      %broadcast_in_dim3A_277 = vector.broadcast %broadcast_in_dim3A_276 : i32 to vector<16xi32>
      %gather3A_278 = tpu.vector_load_idx %arg8[%broadcast_in_dim3A_277, %get3A_267] : memref<64x256xf32, #tpu.memory_space<vmem>>[vector<16xi32>, vector<16xi32>], vector<16xf32>,
      %add3A_279 = arith.addf %add3A_255, %gather3A_278 : vector<16xf32>
      %broadcast_in_dim3A_280 = arith.constant 58 : i32
      %broadcast_in_dim3A_281 = vector.broadcast %broadcast_in_dim3A_280 : i32 to vector<16xi32>
      %gather3A_282 = tpu.vector_load_idx %arg8[%broadcast_in_dim3A_281, %get3A_267] : memref<64x256xf32, #tpu.memory_space<vmem>>[vector<16xi32>, vector<16xi32>], vector<16xf32>,
      %add3A_283 = arith.addf %add3A_259, %gather3A_282 : vector<16xf32>
      %mul3A_284 = arith.constant 16 : i32
      %mul3A_285 = arith.muli %scan3A_26, %mul3A_284 : i32
      %add3A_286 = arith.constant 2048 : i32
      %add3A_287 = arith.addi %add3A_286, %mul3A_285 : i32
      %get3A_288 = arith.constant 11 : i32
      %get3A_289 = arith.index_cast %get3A_288 : i32 to index
      %get3A_290 = arith.index_cast %add3A_287 : i32 to index
      %get3A_291 = tpu.vector_load %arg6[%get3A_289, %get3A_290] {strides = array<i32>} : memref<16x4096xi32, #tpu.memory_space<vmem>>, vector<16xi32>,
      %broadcast_in_dim3A_292 = arith.constant 11 : i32
      %broadcast_in_dim3A_293 = vector.broadcast %broadcast_in_dim3A_292 : i32 to vector<16xi32>
      %gather3A_294 = tpu.vector_load_idx %arg8[%broadcast_in_dim3A_293, %get3A_291] : memref<64x256xf32, #tpu.memory_space<vmem>>[vector<16xi32>, vector<16xi32>], vector<16xf32>,
      %add3A_295 = arith.addf %add3A_271, %gather3A_294 : vector<16xf32>
      %broadcast_in_dim3A_296 = arith.constant 27 : i32
      %broadcast_in_dim3A_297 = vector.broadcast %broadcast_in_dim3A_296 : i32 to vector<16xi32>
      %gather3A_298 = tpu.vector_load_idx %arg8[%broadcast_in_dim3A_297, %get3A_291] : memref<64x256xf32, #tpu.memory_space<vmem>>[vector<16xi32>, vector<16xi32>], vector<16xf32>,
      %add3A_299 = arith.addf %add3A_275, %gather3A_298 : vector<16xf32>
      %broadcast_in_dim3A_300 = arith.constant 43 : i32
      %broadcast_in_dim3A_301 = vector.broadcast %broadcast_in_dim3A_300 : i32 to vector<16xi32>
      %gather3A_302 = tpu.vector_load_idx %arg8[%broadcast_in_dim3A_301, %get3A_291] : memref<64x256xf32, #tpu.memory_space<vmem>>[vector<16xi32>, vector<16xi32>], vector<16xf32>,
      %add3A_303 = arith.addf %add3A_279, %gather3A_302 : vector<16xf32>
      %broadcast_in_dim3A_304 = arith.constant 59 : i32
      %broadcast_in_dim3A_305 = vector.broadcast %broadcast_in_dim3A_304 : i32 to vector<16xi32>
      %gather3A_306 = tpu.vector_load_idx %arg8[%broadcast_in_dim3A_305, %get3A_291] : memref<64x256xf32, #tpu.memory_space<vmem>>[vector<16xi32>, vector<16xi32>], vector<16xf32>,
      %add3A_307 = arith.addf %add3A_283, %gather3A_306 : vector<16xf32>
      %mul3A_308 = arith.constant 16 : i32
      %mul3A_309 = arith.muli %scan3A_26, %mul3A_308 : i32
      %add3A_310 = arith.constant 2048 : i32
      %add3A_311 = arith.addi %add3A_310, %mul3A_309 : i32
      %get3A_312 = arith.constant 12 : i32
      %get3A_313 = arith.index_cast %get3A_312 : i32 to index
      %get3A_314 = arith.index_cast %add3A_311 : i32 to index
      %get3A_315 = tpu.vector_load %arg6[%get3A_313, %get3A_314] {strides = array<i32>} : memref<16x4096xi32, #tpu.memory_space<vmem>>, vector<16xi32>,
      %broadcast_in_dim3A_316 = arith.constant 12 : i32
      %broadcast_in_dim3A_317 = vector.broadcast %broadcast_in_dim3A_316 : i32 to vector<16xi32>
      %gather3A_318 = tpu.vector_load_idx %arg8[%broadcast_in_dim3A_317, %get3A_315] : memref<64x256xf32, #tpu.memory_space<vmem>>[vector<16xi32>, vector<16xi32>], vector<16xf32>,
      %add3A_319 = arith.addf %add3A_295, %gather3A_318 : vector<16xf32>
      %broadcast_in_dim3A_320 = arith.constant 28 : i32
      %broadcast_in_dim3A_321 = vector.broadcast %broadcast_in_dim3A_320 : i32 to vector<16xi32>
      %gather3A_322 = tpu.vector_load_idx %arg8[%broadcast_in_dim3A_321, %get3A_315] : memref<64x256xf32, #tpu.memory_space<vmem>>[vector<16xi32>, vector<16xi32>], vector<16xf32>,
      %add3A_323 = arith.addf %add3A_299, %gather3A_322 : vector<16xf32>
      %broadcast_in_dim3A_324 = arith.constant 44 : i32
      %broadcast_in_dim3A_325 = vector.broadcast %broadcast_in_dim3A_324 : i32 to vector<16xi32>
      %gather3A_326 = tpu.vector_load_idx %arg8[%broadcast_in_dim3A_325, %get3A_315] : memref<64x256xf32, #tpu.memory_space<vmem>>[vector<16xi32>, vector<16xi32>], vector<16xf32>,
      %add3A_327 = arith.addf %add3A_303, %gather3A_326 : vector<16xf32>
      %broadcast_in_dim3A_328 = arith.constant 60 : i32
      %broadcast_in_dim3A_329 = vector.broadcast %broadcast_in_dim3A_328 : i32 to vector<16xi32>
      %gather3A_330 = tpu.vector_load_idx %arg8[%broadcast_in_dim3A_329, %get3A_315] : memref<64x256xf32, #tpu.memory_space<vmem>>[vector<16xi32>, vector<16xi32>], vector<16xf32>,
      %add3A_331 = arith.addf %add3A_307, %gather3A_330 : vector<16xf32>
      %mul3A_332 = arith.constant 16 : i32
      %mul3A_333 = arith.muli %scan3A_26, %mul3A_332 : i32
      %add3A_334 = arith.constant 2048 : i32
      %add3A_335 = arith.addi %add3A_334, %mul3A_333 : i32
      %get3A_336 = arith.constant 13 : i32
      %get3A_337 = arith.index_cast %get3A_336 : i32 to index
      %get3A_338 = arith.index_cast %add3A_335 : i32 to index
      %get3A_339 = tpu.vector_load %arg6[%get3A_337, %get3A_338] {strides = array<i32>} : memref<16x4096xi32, #tpu.memory_space<vmem>>, vector<16xi32>,
      %broadcast_in_dim3A_340 = arith.constant 13 : i32
      %broadcast_in_dim3A_341 = vector.broadcast %broadcast_in_dim3A_340 : i32 to vector<16xi32>
      %gather3A_342 = tpu.vector_load_idx %arg8[%broadcast_in_dim3A_341, %get3A_339] : memref<64x256xf32, #tpu.memory_space<vmem>>[vector<16xi32>, vector<16xi32>], vector<16xf32>,
      %add3A_343 = arith.addf %add3A_319, %gather3A_342 : vector<16xf32>
      %broadcast_in_dim3A_344 = arith.constant 29 : i32
      %broadcast_in_dim3A_345 = vector.broadcast %broadcast_in_dim3A_344 : i32 to vector<16xi32>
      %gather3A_346 = tpu.vector_load_idx %arg8[%broadcast_in_dim3A_345, %get3A_339] : memref<64x256xf32, #tpu.memory_space<vmem>>[vector<16xi32>, vector<16xi32>], vector<16xf32>,
      %add3A_347 = arith.addf %add3A_323, %gather3A_346 : vector<16xf32>
      %broadcast_in_dim3A_348 = arith.constant 45 : i32
      %broadcast_in_dim3A_349 = vector.broadcast %broadcast_in_dim3A_348 : i32 to vector<16xi32>
      %gather3A_350 = tpu.vector_load_idx %arg8[%broadcast_in_dim3A_349, %get3A_339] : memref<64x256xf32, #tpu.memory_space<vmem>>[vector<16xi32>, vector<16xi32>], vector<16xf32>,
      %add3A_351 = arith.addf %add3A_327, %gather3A_350 : vector<16xf32>
      %broadcast_in_dim3A_352 = arith.constant 61 : i32
      %broadcast_in_dim3A_353 = vector.broadcast %broadcast_in_dim3A_352 : i32 to vector<16xi32>
      %gather3A_354 = tpu.vector_load_idx %arg8[%broadcast_in_dim3A_353, %get3A_339] : memref<64x256xf32, #tpu.memory_space<vmem>>[vector<16xi32>, vector<16xi32>], vector<16xf32>,
      %add3A_355 = arith.addf %add3A_331, %gather3A_354 : vector<16xf32>
      %mul3A_356 = arith.constant 16 : i32
      %mul3A_357 = arith.muli %scan3A_26, %mul3A_356 : i32
      %add3A_358 = arith.constant 2048 : i32
      %add3A_359 = arith.addi %add3A_358, %mul3A_357 : i32
      %get3A_360 = arith.constant 14 : i32
      %get3A_361 = arith.index_cast %get3A_360 : i32 to index
      %get3A_362 = arith.index_cast %add3A_359 : i32 to index
      %get3A_363 = tpu.vector_load %arg6[%get3A_361, %get3A_362] {strides = array<i32>} : memref<16x4096xi32, #tpu.memory_space<vmem>>, vector<16xi32>,
      %broadcast_in_dim3A_364 = arith.constant 14 : i32
      %broadcast_in_dim3A_365 = vector.broadcast %broadcast_in_dim3A_364 : i32 to vector<16xi32>
      %gather3A_366 = tpu.vector_load_idx %arg8[%broadcast_in_dim3A_365, %get3A_363] : memref<64x256xf32, #tpu.memory_space<vmem>>[vector<16xi32>, vector<16xi32>], vector<16xf32>,
      %add3A_367 = arith.addf %add3A_343, %gather3A_366 : vector<16xf32>
      %broadcast_in_dim3A_368 = arith.constant 30 : i32
      %broadcast_in_dim3A_369 = vector.broadcast %broadcast_in_dim3A_368 : i32 to vector<16xi32>
      %gather3A_370 = tpu.vector_load_idx %arg8[%broadcast_in_dim3A_369, %get3A_363] : memref<64x256xf32, #tpu.memory_space<vmem>>[vector<16xi32>, vector<16xi32>], vector<16xf32>,
      %add3A_371 = arith.addf %add3A_347, %gather3A_370 : vector<16xf32>
      %broadcast_in_dim3A_372 = arith.constant 46 : i32
      %broadcast_in_dim3A_373 = vector.broadcast %broadcast_in_dim3A_372 : i32 to vector<16xi32>
      %gather3A_374 = tpu.vector_load_idx %arg8[%broadcast_in_dim3A_373, %get3A_363] : memref<64x256xf32, #tpu.memory_space<vmem>>[vector<16xi32>, vector<16xi32>], vector<16xf32>,
      %add3A_375 = arith.addf %add3A_351, %gather3A_374 : vector<16xf32>
      %broadcast_in_dim3A_376 = arith.constant 62 : i32
      %broadcast_in_dim3A_377 = vector.broadcast %broadcast_in_dim3A_376 : i32 to vector<16xi32>
      %gather3A_378 = tpu.vector_load_idx %arg8[%broadcast_in_dim3A_377, %get3A_363] : memref<64x256xf32, #tpu.memory_space<vmem>>[vector<16xi32>, vector<16xi32>], vector<16xf32>,
      %add3A_379 = arith.addf %add3A_355, %gather3A_378 : vector<16xf32>
      %mul3A_380 = arith.constant 16 : i32
      %mul3A_381 = arith.muli %scan3A_26, %mul3A_380 : i32
      %add3A_382 = arith.constant 2048 : i32
      %add3A_383 = arith.addi %add3A_382, %mul3A_381 : i32
      %get3A_384 = arith.constant 15 : i32
      %get3A_385 = arith.index_cast %get3A_384 : i32 to index
      %get3A_386 = arith.index_cast %add3A_383 : i32 to index
      %get3A_387 = tpu.vector_load %arg6[%get3A_385, %get3A_386] {strides = array<i32>} : memref<16x4096xi32, #tpu.memory_space<vmem>>, vector<16xi32>,
      %broadcast_in_dim3A_388 = arith.constant 15 : i32
      %broadcast_in_dim3A_389 = vector.broadcast %broadcast_in_dim3A_388 : i32 to vector<16xi32>
      %gather3A_390 = tpu.vector_load_idx %arg8[%broadcast_in_dim3A_389, %get3A_387] : memref<64x256xf32, #tpu.memory_space<vmem>>[vector<16xi32>, vector<16xi32>], vector<16xf32>,
      %add3A_391 = arith.addf %add3A_367, %gather3A_390 : vector<16xf32>
      %broadcast_in_dim3A_392 = arith.constant 31 : i32
      %broadcast_in_dim3A_393 = vector.broadcast %broadcast_in_dim3A_392 : i32 to vector<16xi32>
      %gather3A_394 = tpu.vector_load_idx %arg8[%broadcast_in_dim3A_393, %get3A_387] : memref<64x256xf32, #tpu.memory_space<vmem>>[vector<16xi32>, vector<16xi32>], vector<16xf32>,
      %add3A_395 = arith.addf %add3A_371, %gather3A_394 : vector<16xf32>
      %broadcast_in_dim3A_396 = arith.constant 47 : i32
      %broadcast_in_dim3A_397 = vector.broadcast %broadcast_in_dim3A_396 : i32 to vector<16xi32>
      %gather3A_398 = tpu.vector_load_idx %arg8[%broadcast_in_dim3A_397, %get3A_387] : memref<64x256xf32, #tpu.memory_space<vmem>>[vector<16xi32>, vector<16xi32>], vector<16xf32>,
      %add3A_399 = arith.addf %add3A_375, %gather3A_398 : vector<16xf32>
      %broadcast_in_dim3A_400 = arith.constant 63 : i32
      %broadcast_in_dim3A_401 = vector.broadcast %broadcast_in_dim3A_400 : i32 to vector<16xi32>
      %gather3A_402 = tpu.vector_load_idx %arg8[%broadcast_in_dim3A_401, %get3A_387] : memref<64x256xf32, #tpu.memory_space<vmem>>[vector<16xi32>, vector<16xi32>], vector<16xf32>,
      %add3A_403 = arith.addf %add3A_379, %gather3A_402 : vector<16xf32>
      %mul3A_404 = arith.constant 16 : i32
      %mul3A_405 = arith.muli %scan3A_26, %mul3A_404 : i32
      %swap3A = arith.constant 0 : i32
      %swap3A_406 = arith.index_cast %swap3A : i32 to index
      %swap3A_407 = arith.index_cast %mul3A_405 : i32 to index
      %swap3A_408 = tpu.vector_load %arg9[%swap3A_406, %swap3A_407] {strides = array<i32>} : memref<4x2048xf32, #tpu.memory_space<vmem>>, vector<16xf32>,
      tpu.vector_store %arg9[%swap3A_406, %swap3A_407], %add3A_391 {strides = array<i32>} : memref<4x2048xf32, #tpu.memory_space<vmem>>, vector<16xf32>,
      %mul3A_409 = arith.constant 16 : i32
      %mul3A_410 = arith.muli %scan3A_26, %mul3A_409 : i32
      %swap3A_411 = arith.constant 1 : i32
      %swap3A_412 = arith.index_cast %swap3A_411 : i32 to index
      %swap3A_413 = arith.index_cast %mul3A_410 : i32 to index
      %swap3A_414 = tpu.vector_load %arg9[%swap3A_412, %swap3A_413] {strides = array<i32>} : memref<4x2048xf32, #tpu.memory_space<vmem>>, vector<16xf32>,
      tpu.vector_store %arg9[%swap3A_412, %swap3A_413], %add3A_395 {strides = array<i32>} : memref<4x2048xf32, #tpu.memory_space<vmem>>, vector<16xf32>,
      %mul3A_415 = arith.constant 16 : i32
      %mul3A_416 = arith.muli %scan3A_26, %mul3A_415 : i32
      %swap3A_417 = arith.constant 2 : i32
      %swap3A_418 = arith.index_cast %swap3A_417 : i32 to index
      %swap3A_419 = arith.index_cast %mul3A_416 : i32 to index
      %swap3A_420 = tpu.vector_load %arg9[%swap3A_418, %swap3A_419] {strides = array<i32>} : memref<4x2048xf32, #tpu.memory_space<vmem>>, vector<16xf32>,
      tpu.vector_store %arg9[%swap3A_418, %swap3A_419], %add3A_399 {strides = array<i32>} : memref<4x2048xf32, #tpu.memory_space<vmem>>, vector<16xf32>,
      %mul3A_421 = arith.constant 16 : i32
      %mul3A_422 = arith.muli %scan3A_26, %mul3A_421 : i32
      %swap3A_423 = arith.constant 3 : i32
      %swap3A_424 = arith.index_cast %swap3A_423 : i32 to index
      %swap3A_425 = arith.index_cast %mul3A_422 : i32 to index
      %swap3A_426 = tpu.vector_load %arg9[%swap3A_424, %swap3A_425] {strides = array<i32>} : memref<4x2048xf32, #tpu.memory_space<vmem>>, vector<16xf32>,
      tpu.vector_store %arg9[%swap3A_424, %swap3A_425], %add3A_403 {strides = array<i32>} : memref<4x2048xf32, #tpu.memory_space<vmem>>, vector<16xf32>,
    }
    %scan3A_23 = arith.constant 128 : i32
    %mul3A_24 = arith.constant 4 : i32
    %mul3A_25 = arith.muli %add3A, %mul3A_24 : i32
    "tpu.region"() ({
      %run_scoped3A = tpu.sem_alloc : memref<!tpu.dma_semaphore, #tpu.memory_space<semaphore_mem>>
      %dma_start3A_26 = arith.constant 2048 : i32
      %dma_start3A_27 = tpu.memref_slice %arg5[%mul3A_25, %dma_start3A_26] : memref<128x4096xf32, #tpu.memory_space<hbm>> -> memref<4x2048xf32, #tpu.memory_space<hbm>>
      %dma_start3A_28 = arith.constant 2048 : i32
      %dma_start3A_29 = tpu.memref_slice %arg5[%mul3A_25, %dma_start3A_28] : memref<128x4096xf32, #tpu.memory_space<hbm>> -> memref<4x2048xf32, #tpu.memory_space<hbm>>
      tpu.enqueue_dma source(%arg9 : memref<4x2048xf32, #tpu.memory_space<vmem>>) target(%dma_start3A_29 : memref<4x2048xf32, #tpu.memory_space<hbm>>) target_semaphore(%run_scoped3A : memref<!tpu.dma_semaphore, #tpu.memory_space<semaphore_mem>>)
      %dma_wait3A_30 = arith.constant 2048 : i32
      %dma_wait3A_31 = tpu.memref_slice %arg5[%mul3A_25, %dma_wait3A_30] : memref<128x4096xf32, #tpu.memory_space<hbm>> -> memref<4x2048xf32, #tpu.memory_space<hbm>>
      %dma_wait3A_32 = arith.constant 2048 : i32
      %dma_wait3A_33 = tpu.memref_slice %arg5[%mul3A_25, %dma_wait3A_32] : memref<128x4096xf32, #tpu.memory_space<hbm>> -> memref<4x2048xf32, #tpu.memory_space<hbm>>
      tpu.wait_dma2 semaphore(%run_scoped3A : memref<!tpu.dma_semaphore, #tpu.memory_space<semaphore_mem>>) src(%arg9 : memref<4x2048xf32, #tpu.memory_space<vmem>>) dst(%dma_wait3A_33 : memref<4x2048xf32, #tpu.memory_space<hbm>>)
      tpu.yield
    }) : () -> ()
    return
  }
}

module attributes {stable_mosaic.version = 14 : i64} {
  func.func @_tc_body(%arg0: i32, %arg1: memref<896x16xi32, #tpu.memory_space<vmem>>, %arg2: memref<16x256x256xf32, #tpu.memory_space<vmem>>, %arg3: memref<512x16xi32, #tpu.memory_space<vmem>>, %arg4: memref<1024x512xf32, #tpu.memory_space<vmem>>, %arg5: memref<896x4096xbf16, #tpu.memory_space<vmem>>, %arg6: memref<16x256x256xbf16, #tpu.memory_space<vmem>>) attributes {dimension_semantics = [#tpu.dimension_semantics<arbitrary>], iteration_bounds = array<i64: 8>, scalar_prefetch = 0 : i64, scratch_operands = 2 : i64, tpu.core_type = #tpu.core_type<tc>, window_params = [{pipeline_mode = #tpu.pipeline_mode<synchronous>, transform_indices = @transform_0, window_bounds = array<i64: 896, 16>}, {pipeline_mode = #tpu.pipeline_mode<synchronous>, transform_indices = @transform_1, window_bounds = array<i64: 16, 256, 256>}, {transform_indices = @transform_2, window_bounds = array<i64: 512, 16>}, {transform_indices = @transform_3, window_bounds = array<i64: 1024, 512>}]} {
    %eq3A = arith.constant 0 : i32
    %eq3A_0 = arith.cmpi eq, %arg0, %eq3A : i32
    %convert_element_type3A = arith.extui %eq3A_0 : i1 to i32
    %cond3A = arith.constant 0 : i32
    %cond3A_1 = arith.cmpi ne, %convert_element_type3A, %cond3A : i32
    scf.if %cond3A_1 {
      %get3A_226 = arith.constant 0 : index
      %get3A_227 = arith.constant 0 : index
      %get3A_228 = vector.load %arg1[%get3A_226, %get3A_227] : memref<896x16xi32, #tpu.memory_space<vmem>>, vector<896x16xi32>
      %iota3A_229 = tpu.iota {dimensions = array<i32: 1>} : vector<896x256xi32>
      %get3A_230 = arith.constant 0 : index
      %get3A_231 = arith.constant 0 : index
      %get3A_232 = arith.constant 0 : index
      %get3A_233 = vector.load %arg2[%get3A_230, %get3A_231, %get3A_232] : memref<16x256x256xf32, #tpu.memory_space<vmem>>, vector<1x256x256xf32>
      %get3A_234 = vector.shape_cast %get3A_233 : vector<1x256x256xf32> to vector<256x256xf32>
      %convert_element_type3A_235 = arith.truncf %get3A_234 : vector<256x256xf32> to vector<256x256xbf16>
      %swap3A_236 = arith.constant 0 : index
      %swap3A_237 = arith.constant 0 : index
      %swap3A_238 = arith.constant 0 : index
      %swap3A_239 = vector.load %arg6[%swap3A_236, %swap3A_237, %swap3A_238] : memref<16x256x256xbf16, #tpu.memory_space<vmem>>, vector<1x256x256xbf16>
      %swap3A_240 = vector.shape_cast %swap3A_239 : vector<1x256x256xbf16> to vector<256x256xbf16>
      %swap3A_241 = vector.shape_cast %convert_element_type3A_235 : vector<256x256xbf16> to vector<1x256x256xbf16>
      tpu.vector_store %arg6[%swap3A_236, %swap3A_237, %swap3A_238], %swap3A_241 {strides = array<i32>} : memref<16x256x256xbf16, #tpu.memory_space<vmem>>, vector<1x256x256xbf16>,
      %slice3A = vector.extract_strided_slice %get3A_228 {offsets = [0, 0], sizes = [896, 1], strides = [1, 1]} : vector<896x16xi32> to vector<896x1xi32>
      %eq3A_242 = vector.broadcast %slice3A : vector<896x1xi32> to vector<896x256xi32>
      %eq3A_243 = arith.cmpi eq, %eq3A_242, %iota3A_229 : vector<896x256xi32>
      %convert_element_type3A_244 = arith.extui %eq3A_243 : vector<896x256xi1> to vector<896x256xi32>
      %convert_element_type3A_245 = arith.sitofp %convert_element_type3A_244 : vector<896x256xi32> to vector<896x256xf32>
      %convert_element_type3A_246 = arith.truncf %convert_element_type3A_245 : vector<896x256xf32> to vector<896x256xbf16>
      %get3A_247 = arith.constant 0 : index
      %get3A_248 = arith.constant 0 : index
      %get3A_249 = arith.constant 0 : index
      %get3A_250 = vector.load %arg6[%get3A_247, %get3A_248, %get3A_249] : memref<16x256x256xbf16, #tpu.memory_space<vmem>>, vector<1x256x256xbf16>
      %get3A_251 = vector.shape_cast %get3A_250 : vector<1x256x256xbf16> to vector<256x256xbf16>
      %dot_general3A_252 = arith.constant dense<0.000000e+00> : vector<896x256xf32>
      %dot_general3A_253 = tpu.matmul %convert_element_type3A_246, %get3A_251, %dot_general3A_252 {dimension_numbers = #tpu.dot_dimension_numbers<[1], [0], [0], [1], [0, 0, 1, 1], [], []>, transpose_lhs_hint = false} : vector<896x256xbf16>, vector<256x256xbf16>, vector<896x256xf32> -> vector<896x256xf32>
      %convert_element_type3A_254 = arith.truncf %dot_general3A_253 : vector<896x256xf32> to vector<896x256xbf16>
      %swap3A_255 = arith.constant 0 : index
      %swap3A_256 = arith.constant 0 : index
      %swap3A_257 = vector.load %arg5[%swap3A_255, %swap3A_256] : memref<896x4096xbf16, #tpu.memory_space<vmem>>, vector<896x256xbf16>
      tpu.vector_store %arg5[%swap3A_255, %swap3A_256], %convert_element_type3A_254 {strides = array<i32>} : memref<896x4096xbf16, #tpu.memory_space<vmem>>, vector<896x256xbf16>,
      %get3A_258 = arith.constant 1 : index
      %get3A_259 = arith.constant 0 : index
      %get3A_260 = arith.constant 0 : index
      %get3A_261 = vector.load %arg2[%get3A_258, %get3A_259, %get3A_260] : memref<16x256x256xf32, #tpu.memory_space<vmem>>, vector<1x256x256xf32>
      %get3A_262 = vector.shape_cast %get3A_261 : vector<1x256x256xf32> to vector<256x256xf32>
      %convert_element_type3A_263 = arith.truncf %get3A_262 : vector<256x256xf32> to vector<256x256xbf16>
      %swap3A_264 = arith.constant 1 : index
      %swap3A_265 = arith.constant 0 : index
      %swap3A_266 = arith.constant 0 : index
      %swap3A_267 = vector.load %arg6[%swap3A_264, %swap3A_265, %swap3A_266] : memref<16x256x256xbf16, #tpu.memory_space<vmem>>, vector<1x256x256xbf16>
      %swap3A_268 = vector.shape_cast %swap3A_267 : vector<1x256x256xbf16> to vector<256x256xbf16>
      %swap3A_269 = vector.shape_cast %convert_element_type3A_263 : vector<256x256xbf16> to vector<1x256x256xbf16>
      tpu.vector_store %arg6[%swap3A_264, %swap3A_265, %swap3A_266], %swap3A_269 {strides = array<i32>} : memref<16x256x256xbf16, #tpu.memory_space<vmem>>, vector<1x256x256xbf16>,
      %slice3A_270 = vector.extract_strided_slice %get3A_228 {offsets = [0, 1], sizes = [896, 1], strides = [1, 1]} : vector<896x16xi32> to vector<896x1xi32>
      %eq3A_271 = vector.broadcast %slice3A_270 : vector<896x1xi32> to vector<896x256xi32>
      %eq3A_272 = arith.cmpi eq, %eq3A_271, %iota3A_229 : vector<896x256xi32>
      %convert_element_type3A_273 = arith.extui %eq3A_272 : vector<896x256xi1> to vector<896x256xi32>
      %convert_element_type3A_274 = arith.sitofp %convert_element_type3A_273 : vector<896x256xi32> to vector<896x256xf32>
      %convert_element_type3A_275 = arith.truncf %convert_element_type3A_274 : vector<896x256xf32> to vector<896x256xbf16>
      %get3A_276 = arith.constant 1 : index
      %get3A_277 = arith.constant 0 : index
      %get3A_278 = arith.constant 0 : index
      %get3A_279 = vector.load %arg6[%get3A_276, %get3A_277, %get3A_278] : memref<16x256x256xbf16, #tpu.memory_space<vmem>>, vector<1x256x256xbf16>
      %get3A_280 = vector.shape_cast %get3A_279 : vector<1x256x256xbf16> to vector<256x256xbf16>
      %dot_general3A_281 = arith.constant dense<0.000000e+00> : vector<896x256xf32>
      %dot_general3A_282 = tpu.matmul %convert_element_type3A_275, %get3A_280, %dot_general3A_281 {dimension_numbers = #tpu.dot_dimension_numbers<[1], [0], [0], [1], [0, 0, 1, 1], [], []>, transpose_lhs_hint = false} : vector<896x256xbf16>, vector<256x256xbf16>, vector<896x256xf32> -> vector<896x256xf32>
      %convert_element_type3A_283 = arith.truncf %dot_general3A_282 : vector<896x256xf32> to vector<896x256xbf16>
      %swap3A_284 = arith.constant 0 : index
      %swap3A_285 = arith.constant 256 : index
      %swap3A_286 = vector.load %arg5[%swap3A_284, %swap3A_285] : memref<896x4096xbf16, #tpu.memory_space<vmem>>, vector<896x256xbf16>
      tpu.vector_store %arg5[%swap3A_284, %swap3A_285], %convert_element_type3A_283 {strides = array<i32>} : memref<896x4096xbf16, #tpu.memory_space<vmem>>, vector<896x256xbf16>,
      %get3A_287 = arith.constant 2 : index
      %get3A_288 = arith.constant 0 : index
      %get3A_289 = arith.constant 0 : index
      %get3A_290 = vector.load %arg2[%get3A_287, %get3A_288, %get3A_289] : memref<16x256x256xf32, #tpu.memory_space<vmem>>, vector<1x256x256xf32>
      %get3A_291 = vector.shape_cast %get3A_290 : vector<1x256x256xf32> to vector<256x256xf32>
      %convert_element_type3A_292 = arith.truncf %get3A_291 : vector<256x256xf32> to vector<256x256xbf16>
      %swap3A_293 = arith.constant 2 : index
      %swap3A_294 = arith.constant 0 : index
      %swap3A_295 = arith.constant 0 : index
      %swap3A_296 = vector.load %arg6[%swap3A_293, %swap3A_294, %swap3A_295] : memref<16x256x256xbf16, #tpu.memory_space<vmem>>, vector<1x256x256xbf16>
      %swap3A_297 = vector.shape_cast %swap3A_296 : vector<1x256x256xbf16> to vector<256x256xbf16>
      %swap3A_298 = vector.shape_cast %convert_element_type3A_292 : vector<256x256xbf16> to vector<1x256x256xbf16>
      tpu.vector_store %arg6[%swap3A_293, %swap3A_294, %swap3A_295], %swap3A_298 {strides = array<i32>} : memref<16x256x256xbf16, #tpu.memory_space<vmem>>, vector<1x256x256xbf16>,
      %slice3A_299 = vector.extract_strided_slice %get3A_228 {offsets = [0, 2], sizes = [896, 1], strides = [1, 1]} : vector<896x16xi32> to vector<896x1xi32>
      %eq3A_300 = vector.broadcast %slice3A_299 : vector<896x1xi32> to vector<896x256xi32>
      %eq3A_301 = arith.cmpi eq, %eq3A_300, %iota3A_229 : vector<896x256xi32>
      %convert_element_type3A_302 = arith.extui %eq3A_301 : vector<896x256xi1> to vector<896x256xi32>
      %convert_element_type3A_303 = arith.sitofp %convert_element_type3A_302 : vector<896x256xi32> to vector<896x256xf32>
      %convert_element_type3A_304 = arith.truncf %convert_element_type3A_303 : vector<896x256xf32> to vector<896x256xbf16>
      %get3A_305 = arith.constant 2 : index
      %get3A_306 = arith.constant 0 : index
      %get3A_307 = arith.constant 0 : index
      %get3A_308 = vector.load %arg6[%get3A_305, %get3A_306, %get3A_307] : memref<16x256x256xbf16, #tpu.memory_space<vmem>>, vector<1x256x256xbf16>
      %get3A_309 = vector.shape_cast %get3A_308 : vector<1x256x256xbf16> to vector<256x256xbf16>
      %dot_general3A_310 = arith.constant dense<0.000000e+00> : vector<896x256xf32>
      %dot_general3A_311 = tpu.matmul %convert_element_type3A_304, %get3A_309, %dot_general3A_310 {dimension_numbers = #tpu.dot_dimension_numbers<[1], [0], [0], [1], [0, 0, 1, 1], [], []>, transpose_lhs_hint = false} : vector<896x256xbf16>, vector<256x256xbf16>, vector<896x256xf32> -> vector<896x256xf32>
      %convert_element_type3A_312 = arith.truncf %dot_general3A_311 : vector<896x256xf32> to vector<896x256xbf16>
      %swap3A_313 = arith.constant 0 : index
      %swap3A_314 = arith.constant 512 : index
      %swap3A_315 = vector.load %arg5[%swap3A_313, %swap3A_314] : memref<896x4096xbf16, #tpu.memory_space<vmem>>, vector<896x256xbf16>
      tpu.vector_store %arg5[%swap3A_313, %swap3A_314], %convert_element_type3A_312 {strides = array<i32>} : memref<896x4096xbf16, #tpu.memory_space<vmem>>, vector<896x256xbf16>,
      %get3A_316 = arith.constant 3 : index
      %get3A_317 = arith.constant 0 : index
      %get3A_318 = arith.constant 0 : index
      %get3A_319 = vector.load %arg2[%get3A_316, %get3A_317, %get3A_318] : memref<16x256x256xf32, #tpu.memory_space<vmem>>, vector<1x256x256xf32>
      %get3A_320 = vector.shape_cast %get3A_319 : vector<1x256x256xf32> to vector<256x256xf32>
      %convert_element_type3A_321 = arith.truncf %get3A_320 : vector<256x256xf32> to vector<256x256xbf16>
      %swap3A_322 = arith.constant 3 : index
      %swap3A_323 = arith.constant 0 : index
      %swap3A_324 = arith.constant 0 : index
      %swap3A_325 = vector.load %arg6[%swap3A_322, %swap3A_323, %swap3A_324] : memref<16x256x256xbf16, #tpu.memory_space<vmem>>, vector<1x256x256xbf16>
      %swap3A_326 = vector.shape_cast %swap3A_325 : vector<1x256x256xbf16> to vector<256x256xbf16>
      %swap3A_327 = vector.shape_cast %convert_element_type3A_321 : vector<256x256xbf16> to vector<1x256x256xbf16>
      tpu.vector_store %arg6[%swap3A_322, %swap3A_323, %swap3A_324], %swap3A_327 {strides = array<i32>} : memref<16x256x256xbf16, #tpu.memory_space<vmem>>, vector<1x256x256xbf16>,
      %slice3A_328 = vector.extract_strided_slice %get3A_228 {offsets = [0, 3], sizes = [896, 1], strides = [1, 1]} : vector<896x16xi32> to vector<896x1xi32>
      %eq3A_329 = vector.broadcast %slice3A_328 : vector<896x1xi32> to vector<896x256xi32>
      %eq3A_330 = arith.cmpi eq, %eq3A_329, %iota3A_229 : vector<896x256xi32>
      %convert_element_type3A_331 = arith.extui %eq3A_330 : vector<896x256xi1> to vector<896x256xi32>
      %convert_element_type3A_332 = arith.sitofp %convert_element_type3A_331 : vector<896x256xi32> to vector<896x256xf32>
      %convert_element_type3A_333 = arith.truncf %convert_element_type3A_332 : vector<896x256xf32> to vector<896x256xbf16>
      %get3A_334 = arith.constant 3 : index
      %get3A_335 = arith.constant 0 : index
      %get3A_336 = arith.constant 0 : index
      %get3A_337 = vector.load %arg6[%get3A_334, %get3A_335, %get3A_336] : memref<16x256x256xbf16, #tpu.memory_space<vmem>>, vector<1x256x256xbf16>
      %get3A_338 = vector.shape_cast %get3A_337 : vector<1x256x256xbf16> to vector<256x256xbf16>
      %dot_general3A_339 = arith.constant dense<0.000000e+00> : vector<896x256xf32>
      %dot_general3A_340 = tpu.matmul %convert_element_type3A_333, %get3A_338, %dot_general3A_339 {dimension_numbers = #tpu.dot_dimension_numbers<[1], [0], [0], [1], [0, 0, 1, 1], [], []>, transpose_lhs_hint = false} : vector<896x256xbf16>, vector<256x256xbf16>, vector<896x256xf32> -> vector<896x256xf32>
      %convert_element_type3A_341 = arith.truncf %dot_general3A_340 : vector<896x256xf32> to vector<896x256xbf16>
      %swap3A_342 = arith.constant 0 : index
      %swap3A_343 = arith.constant 768 : index
      %swap3A_344 = vector.load %arg5[%swap3A_342, %swap3A_343] : memref<896x4096xbf16, #tpu.memory_space<vmem>>, vector<896x256xbf16>
      tpu.vector_store %arg5[%swap3A_342, %swap3A_343], %convert_element_type3A_341 {strides = array<i32>} : memref<896x4096xbf16, #tpu.memory_space<vmem>>, vector<896x256xbf16>,
      %get3A_345 = arith.constant 4 : index
      %get3A_346 = arith.constant 0 : index
      %get3A_347 = arith.constant 0 : index
      %get3A_348 = vector.load %arg2[%get3A_345, %get3A_346, %get3A_347] : memref<16x256x256xf32, #tpu.memory_space<vmem>>, vector<1x256x256xf32>
      %get3A_349 = vector.shape_cast %get3A_348 : vector<1x256x256xf32> to vector<256x256xf32>
      %convert_element_type3A_350 = arith.truncf %get3A_349 : vector<256x256xf32> to vector<256x256xbf16>
      %swap3A_351 = arith.constant 4 : index
      %swap3A_352 = arith.constant 0 : index
      %swap3A_353 = arith.constant 0 : index
      %swap3A_354 = vector.load %arg6[%swap3A_351, %swap3A_352, %swap3A_353] : memref<16x256x256xbf16, #tpu.memory_space<vmem>>, vector<1x256x256xbf16>
      %swap3A_355 = vector.shape_cast %swap3A_354 : vector<1x256x256xbf16> to vector<256x256xbf16>
      %swap3A_356 = vector.shape_cast %convert_element_type3A_350 : vector<256x256xbf16> to vector<1x256x256xbf16>
      tpu.vector_store %arg6[%swap3A_351, %swap3A_352, %swap3A_353], %swap3A_356 {strides = array<i32>} : memref<16x256x256xbf16, #tpu.memory_space<vmem>>, vector<1x256x256xbf16>,
      %slice3A_357 = vector.extract_strided_slice %get3A_228 {offsets = [0, 4], sizes = [896, 1], strides = [1, 1]} : vector<896x16xi32> to vector<896x1xi32>
      %eq3A_358 = vector.broadcast %slice3A_357 : vector<896x1xi32> to vector<896x256xi32>
      %eq3A_359 = arith.cmpi eq, %eq3A_358, %iota3A_229 : vector<896x256xi32>
      %convert_element_type3A_360 = arith.extui %eq3A_359 : vector<896x256xi1> to vector<896x256xi32>
      %convert_element_type3A_361 = arith.sitofp %convert_element_type3A_360 : vector<896x256xi32> to vector<896x256xf32>
      %convert_element_type3A_362 = arith.truncf %convert_element_type3A_361 : vector<896x256xf32> to vector<896x256xbf16>
      %get3A_363 = arith.constant 4 : index
      %get3A_364 = arith.constant 0 : index
      %get3A_365 = arith.constant 0 : index
      %get3A_366 = vector.load %arg6[%get3A_363, %get3A_364, %get3A_365] : memref<16x256x256xbf16, #tpu.memory_space<vmem>>, vector<1x256x256xbf16>
      %get3A_367 = vector.shape_cast %get3A_366 : vector<1x256x256xbf16> to vector<256x256xbf16>
      %dot_general3A_368 = arith.constant dense<0.000000e+00> : vector<896x256xf32>
      %dot_general3A_369 = tpu.matmul %convert_element_type3A_362, %get3A_367, %dot_general3A_368 {dimension_numbers = #tpu.dot_dimension_numbers<[1], [0], [0], [1], [0, 0, 1, 1], [], []>, transpose_lhs_hint = false} : vector<896x256xbf16>, vector<256x256xbf16>, vector<896x256xf32> -> vector<896x256xf32>
      %convert_element_type3A_370 = arith.truncf %dot_general3A_369 : vector<896x256xf32> to vector<896x256xbf16>
      %swap3A_371 = arith.constant 0 : index
      %swap3A_372 = arith.constant 1024 : index
      %swap3A_373 = vector.load %arg5[%swap3A_371, %swap3A_372] : memref<896x4096xbf16, #tpu.memory_space<vmem>>, vector<896x256xbf16>
      tpu.vector_store %arg5[%swap3A_371, %swap3A_372], %convert_element_type3A_370 {strides = array<i32>} : memref<896x4096xbf16, #tpu.memory_space<vmem>>, vector<896x256xbf16>,
      %get3A_374 = arith.constant 5 : index
      %get3A_375 = arith.constant 0 : index
      %get3A_376 = arith.constant 0 : index
      %get3A_377 = vector.load %arg2[%get3A_374, %get3A_375, %get3A_376] : memref<16x256x256xf32, #tpu.memory_space<vmem>>, vector<1x256x256xf32>
      %get3A_378 = vector.shape_cast %get3A_377 : vector<1x256x256xf32> to vector<256x256xf32>
      %convert_element_type3A_379 = arith.truncf %get3A_378 : vector<256x256xf32> to vector<256x256xbf16>
      %swap3A_380 = arith.constant 5 : index
      %swap3A_381 = arith.constant 0 : index
      %swap3A_382 = arith.constant 0 : index
      %swap3A_383 = vector.load %arg6[%swap3A_380, %swap3A_381, %swap3A_382] : memref<16x256x256xbf16, #tpu.memory_space<vmem>>, vector<1x256x256xbf16>
      %swap3A_384 = vector.shape_cast %swap3A_383 : vector<1x256x256xbf16> to vector<256x256xbf16>
      %swap3A_385 = vector.shape_cast %convert_element_type3A_379 : vector<256x256xbf16> to vector<1x256x256xbf16>
      tpu.vector_store %arg6[%swap3A_380, %swap3A_381, %swap3A_382], %swap3A_385 {strides = array<i32>} : memref<16x256x256xbf16, #tpu.memory_space<vmem>>, vector<1x256x256xbf16>,
      %slice3A_386 = vector.extract_strided_slice %get3A_228 {offsets = [0, 5], sizes = [896, 1], strides = [1, 1]} : vector<896x16xi32> to vector<896x1xi32>
      %eq3A_387 = vector.broadcast %slice3A_386 : vector<896x1xi32> to vector<896x256xi32>
      %eq3A_388 = arith.cmpi eq, %eq3A_387, %iota3A_229 : vector<896x256xi32>
      %convert_element_type3A_389 = arith.extui %eq3A_388 : vector<896x256xi1> to vector<896x256xi32>
      %convert_element_type3A_390 = arith.sitofp %convert_element_type3A_389 : vector<896x256xi32> to vector<896x256xf32>
      %convert_element_type3A_391 = arith.truncf %convert_element_type3A_390 : vector<896x256xf32> to vector<896x256xbf16>
      %get3A_392 = arith.constant 5 : index
      %get3A_393 = arith.constant 0 : index
      %get3A_394 = arith.constant 0 : index
      %get3A_395 = vector.load %arg6[%get3A_392, %get3A_393, %get3A_394] : memref<16x256x256xbf16, #tpu.memory_space<vmem>>, vector<1x256x256xbf16>
      %get3A_396 = vector.shape_cast %get3A_395 : vector<1x256x256xbf16> to vector<256x256xbf16>
      %dot_general3A_397 = arith.constant dense<0.000000e+00> : vector<896x256xf32>
      %dot_general3A_398 = tpu.matmul %convert_element_type3A_391, %get3A_396, %dot_general3A_397 {dimension_numbers = #tpu.dot_dimension_numbers<[1], [0], [0], [1], [0, 0, 1, 1], [], []>, transpose_lhs_hint = false} : vector<896x256xbf16>, vector<256x256xbf16>, vector<896x256xf32> -> vector<896x256xf32>
      %convert_element_type3A_399 = arith.truncf %dot_general3A_398 : vector<896x256xf32> to vector<896x256xbf16>
      %swap3A_400 = arith.constant 0 : index
      %swap3A_401 = arith.constant 1280 : index
      %swap3A_402 = vector.load %arg5[%swap3A_400, %swap3A_401] : memref<896x4096xbf16, #tpu.memory_space<vmem>>, vector<896x256xbf16>
      tpu.vector_store %arg5[%swap3A_400, %swap3A_401], %convert_element_type3A_399 {strides = array<i32>} : memref<896x4096xbf16, #tpu.memory_space<vmem>>, vector<896x256xbf16>,
      %get3A_403 = arith.constant 6 : index
      %get3A_404 = arith.constant 0 : index
      %get3A_405 = arith.constant 0 : index
      %get3A_406 = vector.load %arg2[%get3A_403, %get3A_404, %get3A_405] : memref<16x256x256xf32, #tpu.memory_space<vmem>>, vector<1x256x256xf32>
      %get3A_407 = vector.shape_cast %get3A_406 : vector<1x256x256xf32> to vector<256x256xf32>
      %convert_element_type3A_408 = arith.truncf %get3A_407 : vector<256x256xf32> to vector<256x256xbf16>
      %swap3A_409 = arith.constant 6 : index
      %swap3A_410 = arith.constant 0 : index
      %swap3A_411 = arith.constant 0 : index
      %swap3A_412 = vector.load %arg6[%swap3A_409, %swap3A_410, %swap3A_411] : memref<16x256x256xbf16, #tpu.memory_space<vmem>>, vector<1x256x256xbf16>
      %swap3A_413 = vector.shape_cast %swap3A_412 : vector<1x256x256xbf16> to vector<256x256xbf16>
      %swap3A_414 = vector.shape_cast %convert_element_type3A_408 : vector<256x256xbf16> to vector<1x256x256xbf16>
      tpu.vector_store %arg6[%swap3A_409, %swap3A_410, %swap3A_411], %swap3A_414 {strides = array<i32>} : memref<16x256x256xbf16, #tpu.memory_space<vmem>>, vector<1x256x256xbf16>,
      %slice3A_415 = vector.extract_strided_slice %get3A_228 {offsets = [0, 6], sizes = [896, 1], strides = [1, 1]} : vector<896x16xi32> to vector<896x1xi32>
      %eq3A_416 = vector.broadcast %slice3A_415 : vector<896x1xi32> to vector<896x256xi32>
      %eq3A_417 = arith.cmpi eq, %eq3A_416, %iota3A_229 : vector<896x256xi32>
      %convert_element_type3A_418 = arith.extui %eq3A_417 : vector<896x256xi1> to vector<896x256xi32>
      %convert_element_type3A_419 = arith.sitofp %convert_element_type3A_418 : vector<896x256xi32> to vector<896x256xf32>
      %convert_element_type3A_420 = arith.truncf %convert_element_type3A_419 : vector<896x256xf32> to vector<896x256xbf16>
      %get3A_421 = arith.constant 6 : index
      %get3A_422 = arith.constant 0 : index
      %get3A_423 = arith.constant 0 : index
      %get3A_424 = vector.load %arg6[%get3A_421, %get3A_422, %get3A_423] : memref<16x256x256xbf16, #tpu.memory_space<vmem>>, vector<1x256x256xbf16>
      %get3A_425 = vector.shape_cast %get3A_424 : vector<1x256x256xbf16> to vector<256x256xbf16>
      %dot_general3A_426 = arith.constant dense<0.000000e+00> : vector<896x256xf32>
      %dot_general3A_427 = tpu.matmul %convert_element_type3A_420, %get3A_425, %dot_general3A_426 {dimension_numbers = #tpu.dot_dimension_numbers<[1], [0], [0], [1], [0, 0, 1, 1], [], []>, transpose_lhs_hint = false} : vector<896x256xbf16>, vector<256x256xbf16>, vector<896x256xf32> -> vector<896x256xf32>
      %convert_element_type3A_428 = arith.truncf %dot_general3A_427 : vector<896x256xf32> to vector<896x256xbf16>
      %swap3A_429 = arith.constant 0 : index
      %swap3A_430 = arith.constant 1536 : index
      %swap3A_431 = vector.load %arg5[%swap3A_429, %swap3A_430] : memref<896x4096xbf16, #tpu.memory_space<vmem>>, vector<896x256xbf16>
      tpu.vector_store %arg5[%swap3A_429, %swap3A_430], %convert_element_type3A_428 {strides = array<i32>} : memref<896x4096xbf16, #tpu.memory_space<vmem>>, vector<896x256xbf16>,
      %get3A_432 = arith.constant 7 : index
      %get3A_433 = arith.constant 0 : index
      %get3A_434 = arith.constant 0 : index
      %get3A_435 = vector.load %arg2[%get3A_432, %get3A_433, %get3A_434] : memref<16x256x256xf32, #tpu.memory_space<vmem>>, vector<1x256x256xf32>
      %get3A_436 = vector.shape_cast %get3A_435 : vector<1x256x256xf32> to vector<256x256xf32>
      %convert_element_type3A_437 = arith.truncf %get3A_436 : vector<256x256xf32> to vector<256x256xbf16>
      %swap3A_438 = arith.constant 7 : index
      %swap3A_439 = arith.constant 0 : index
      %swap3A_440 = arith.constant 0 : index
      %swap3A_441 = vector.load %arg6[%swap3A_438, %swap3A_439, %swap3A_440] : memref<16x256x256xbf16, #tpu.memory_space<vmem>>, vector<1x256x256xbf16>
      %swap3A_442 = vector.shape_cast %swap3A_441 : vector<1x256x256xbf16> to vector<256x256xbf16>
      %swap3A_443 = vector.shape_cast %convert_element_type3A_437 : vector<256x256xbf16> to vector<1x256x256xbf16>
      tpu.vector_store %arg6[%swap3A_438, %swap3A_439, %swap3A_440], %swap3A_443 {strides = array<i32>} : memref<16x256x256xbf16, #tpu.memory_space<vmem>>, vector<1x256x256xbf16>,
      %slice3A_444 = vector.extract_strided_slice %get3A_228 {offsets = [0, 7], sizes = [896, 1], strides = [1, 1]} : vector<896x16xi32> to vector<896x1xi32>
      %eq3A_445 = vector.broadcast %slice3A_444 : vector<896x1xi32> to vector<896x256xi32>
      %eq3A_446 = arith.cmpi eq, %eq3A_445, %iota3A_229 : vector<896x256xi32>
      %convert_element_type3A_447 = arith.extui %eq3A_446 : vector<896x256xi1> to vector<896x256xi32>
      %convert_element_type3A_448 = arith.sitofp %convert_element_type3A_447 : vector<896x256xi32> to vector<896x256xf32>
      %convert_element_type3A_449 = arith.truncf %convert_element_type3A_448 : vector<896x256xf32> to vector<896x256xbf16>
      %get3A_450 = arith.constant 7 : index
      %get3A_451 = arith.constant 0 : index
      %get3A_452 = arith.constant 0 : index
      %get3A_453 = vector.load %arg6[%get3A_450, %get3A_451, %get3A_452] : memref<16x256x256xbf16, #tpu.memory_space<vmem>>, vector<1x256x256xbf16>
      %get3A_454 = vector.shape_cast %get3A_453 : vector<1x256x256xbf16> to vector<256x256xbf16>
      %dot_general3A_455 = arith.constant dense<0.000000e+00> : vector<896x256xf32>
      %dot_general3A_456 = tpu.matmul %convert_element_type3A_449, %get3A_454, %dot_general3A_455 {dimension_numbers = #tpu.dot_dimension_numbers<[1], [0], [0], [1], [0, 0, 1, 1], [], []>, transpose_lhs_hint = false} : vector<896x256xbf16>, vector<256x256xbf16>, vector<896x256xf32> -> vector<896x256xf32>
      %convert_element_type3A_457 = arith.truncf %dot_general3A_456 : vector<896x256xf32> to vector<896x256xbf16>
      %swap3A_458 = arith.constant 0 : index
      %swap3A_459 = arith.constant 1792 : index
      %swap3A_460 = vector.load %arg5[%swap3A_458, %swap3A_459] : memref<896x4096xbf16, #tpu.memory_space<vmem>>, vector<896x256xbf16>
      tpu.vector_store %arg5[%swap3A_458, %swap3A_459], %convert_element_type3A_457 {strides = array<i32>} : memref<896x4096xbf16, #tpu.memory_space<vmem>>, vector<896x256xbf16>,
      %get3A_461 = arith.constant 8 : index
      %get3A_462 = arith.constant 0 : index
      %get3A_463 = arith.constant 0 : index
      %get3A_464 = vector.load %arg2[%get3A_461, %get3A_462, %get3A_463] : memref<16x256x256xf32, #tpu.memory_space<vmem>>, vector<1x256x256xf32>
      %get3A_465 = vector.shape_cast %get3A_464 : vector<1x256x256xf32> to vector<256x256xf32>
      %convert_element_type3A_466 = arith.truncf %get3A_465 : vector<256x256xf32> to vector<256x256xbf16>
      %swap3A_467 = arith.constant 8 : index
      %swap3A_468 = arith.constant 0 : index
      %swap3A_469 = arith.constant 0 : index
      %swap3A_470 = vector.load %arg6[%swap3A_467, %swap3A_468, %swap3A_469] : memref<16x256x256xbf16, #tpu.memory_space<vmem>>, vector<1x256x256xbf16>
      %swap3A_471 = vector.shape_cast %swap3A_470 : vector<1x256x256xbf16> to vector<256x256xbf16>
      %swap3A_472 = vector.shape_cast %convert_element_type3A_466 : vector<256x256xbf16> to vector<1x256x256xbf16>
      tpu.vector_store %arg6[%swap3A_467, %swap3A_468, %swap3A_469], %swap3A_472 {strides = array<i32>} : memref<16x256x256xbf16, #tpu.memory_space<vmem>>, vector<1x256x256xbf16>,
      %slice3A_473 = vector.extract_strided_slice %get3A_228 {offsets = [0, 8], sizes = [896, 1], strides = [1, 1]} : vector<896x16xi32> to vector<896x1xi32>
      %eq3A_474 = vector.broadcast %slice3A_473 : vector<896x1xi32> to vector<896x256xi32>
      %eq3A_475 = arith.cmpi eq, %eq3A_474, %iota3A_229 : vector<896x256xi32>
      %convert_element_type3A_476 = arith.extui %eq3A_475 : vector<896x256xi1> to vector<896x256xi32>
      %convert_element_type3A_477 = arith.sitofp %convert_element_type3A_476 : vector<896x256xi32> to vector<896x256xf32>
      %convert_element_type3A_478 = arith.truncf %convert_element_type3A_477 : vector<896x256xf32> to vector<896x256xbf16>
      %get3A_479 = arith.constant 8 : index
      %get3A_480 = arith.constant 0 : index
      %get3A_481 = arith.constant 0 : index
      %get3A_482 = vector.load %arg6[%get3A_479, %get3A_480, %get3A_481] : memref<16x256x256xbf16, #tpu.memory_space<vmem>>, vector<1x256x256xbf16>
      %get3A_483 = vector.shape_cast %get3A_482 : vector<1x256x256xbf16> to vector<256x256xbf16>
      %dot_general3A_484 = arith.constant dense<0.000000e+00> : vector<896x256xf32>
      %dot_general3A_485 = tpu.matmul %convert_element_type3A_478, %get3A_483, %dot_general3A_484 {dimension_numbers = #tpu.dot_dimension_numbers<[1], [0], [0], [1], [0, 0, 1, 1], [], []>, transpose_lhs_hint = false} : vector<896x256xbf16>, vector<256x256xbf16>, vector<896x256xf32> -> vector<896x256xf32>
      %convert_element_type3A_486 = arith.truncf %dot_general3A_485 : vector<896x256xf32> to vector<896x256xbf16>
      %swap3A_487 = arith.constant 0 : index
      %swap3A_488 = arith.constant 2048 : index
      %swap3A_489 = vector.load %arg5[%swap3A_487, %swap3A_488] : memref<896x4096xbf16, #tpu.memory_space<vmem>>, vector<896x256xbf16>
      tpu.vector_store %arg5[%swap3A_487, %swap3A_488], %convert_element_type3A_486 {strides = array<i32>} : memref<896x4096xbf16, #tpu.memory_space<vmem>>, vector<896x256xbf16>,
      %get3A_490 = arith.constant 9 : index
      %get3A_491 = arith.constant 0 : index
      %get3A_492 = arith.constant 0 : index
      %get3A_493 = vector.load %arg2[%get3A_490, %get3A_491, %get3A_492] : memref<16x256x256xf32, #tpu.memory_space<vmem>>, vector<1x256x256xf32>
      %get3A_494 = vector.shape_cast %get3A_493 : vector<1x256x256xf32> to vector<256x256xf32>
      %convert_element_type3A_495 = arith.truncf %get3A_494 : vector<256x256xf32> to vector<256x256xbf16>
      %swap3A_496 = arith.constant 9 : index
      %swap3A_497 = arith.constant 0 : index
      %swap3A_498 = arith.constant 0 : index
      %swap3A_499 = vector.load %arg6[%swap3A_496, %swap3A_497, %swap3A_498] : memref<16x256x256xbf16, #tpu.memory_space<vmem>>, vector<1x256x256xbf16>
      %swap3A_500 = vector.shape_cast %swap3A_499 : vector<1x256x256xbf16> to vector<256x256xbf16>
      %swap3A_501 = vector.shape_cast %convert_element_type3A_495 : vector<256x256xbf16> to vector<1x256x256xbf16>
      tpu.vector_store %arg6[%swap3A_496, %swap3A_497, %swap3A_498], %swap3A_501 {strides = array<i32>} : memref<16x256x256xbf16, #tpu.memory_space<vmem>>, vector<1x256x256xbf16>,
      %slice3A_502 = vector.extract_strided_slice %get3A_228 {offsets = [0, 9], sizes = [896, 1], strides = [1, 1]} : vector<896x16xi32> to vector<896x1xi32>
      %eq3A_503 = vector.broadcast %slice3A_502 : vector<896x1xi32> to vector<896x256xi32>
      %eq3A_504 = arith.cmpi eq, %eq3A_503, %iota3A_229 : vector<896x256xi32>
      %convert_element_type3A_505 = arith.extui %eq3A_504 : vector<896x256xi1> to vector<896x256xi32>
      %convert_element_type3A_506 = arith.sitofp %convert_element_type3A_505 : vector<896x256xi32> to vector<896x256xf32>
      %convert_element_type3A_507 = arith.truncf %convert_element_type3A_506 : vector<896x256xf32> to vector<896x256xbf16>
      %get3A_508 = arith.constant 9 : index
      %get3A_509 = arith.constant 0 : index
      %get3A_510 = arith.constant 0 : index
      %get3A_511 = vector.load %arg6[%get3A_508, %get3A_509, %get3A_510] : memref<16x256x256xbf16, #tpu.memory_space<vmem>>, vector<1x256x256xbf16>
      %get3A_512 = vector.shape_cast %get3A_511 : vector<1x256x256xbf16> to vector<256x256xbf16>
      %dot_general3A_513 = arith.constant dense<0.000000e+00> : vector<896x256xf32>
      %dot_general3A_514 = tpu.matmul %convert_element_type3A_507, %get3A_512, %dot_general3A_513 {dimension_numbers = #tpu.dot_dimension_numbers<[1], [0], [0], [1], [0, 0, 1, 1], [], []>, transpose_lhs_hint = false} : vector<896x256xbf16>, vector<256x256xbf16>, vector<896x256xf32> -> vector<896x256xf32>
      %convert_element_type3A_515 = arith.truncf %dot_general3A_514 : vector<896x256xf32> to vector<896x256xbf16>
      %swap3A_516 = arith.constant 0 : index
      %swap3A_517 = arith.constant 2304 : index
      %swap3A_518 = vector.load %arg5[%swap3A_516, %swap3A_517] : memref<896x4096xbf16, #tpu.memory_space<vmem>>, vector<896x256xbf16>
      tpu.vector_store %arg5[%swap3A_516, %swap3A_517], %convert_element_type3A_515 {strides = array<i32>} : memref<896x4096xbf16, #tpu.memory_space<vmem>>, vector<896x256xbf16>,
      %get3A_519 = arith.constant 10 : index
      %get3A_520 = arith.constant 0 : index
      %get3A_521 = arith.constant 0 : index
      %get3A_522 = vector.load %arg2[%get3A_519, %get3A_520, %get3A_521] : memref<16x256x256xf32, #tpu.memory_space<vmem>>, vector<1x256x256xf32>
      %get3A_523 = vector.shape_cast %get3A_522 : vector<1x256x256xf32> to vector<256x256xf32>
      %convert_element_type3A_524 = arith.truncf %get3A_523 : vector<256x256xf32> to vector<256x256xbf16>
      %swap3A_525 = arith.constant 10 : index
      %swap3A_526 = arith.constant 0 : index
      %swap3A_527 = arith.constant 0 : index
      %swap3A_528 = vector.load %arg6[%swap3A_525, %swap3A_526, %swap3A_527] : memref<16x256x256xbf16, #tpu.memory_space<vmem>>, vector<1x256x256xbf16>
      %swap3A_529 = vector.shape_cast %swap3A_528 : vector<1x256x256xbf16> to vector<256x256xbf16>
      %swap3A_530 = vector.shape_cast %convert_element_type3A_524 : vector<256x256xbf16> to vector<1x256x256xbf16>
      tpu.vector_store %arg6[%swap3A_525, %swap3A_526, %swap3A_527], %swap3A_530 {strides = array<i32>} : memref<16x256x256xbf16, #tpu.memory_space<vmem>>, vector<1x256x256xbf16>,
      %slice3A_531 = vector.extract_strided_slice %get3A_228 {offsets = [0, 10], sizes = [896, 1], strides = [1, 1]} : vector<896x16xi32> to vector<896x1xi32>
      %eq3A_532 = vector.broadcast %slice3A_531 : vector<896x1xi32> to vector<896x256xi32>
      %eq3A_533 = arith.cmpi eq, %eq3A_532, %iota3A_229 : vector<896x256xi32>
      %convert_element_type3A_534 = arith.extui %eq3A_533 : vector<896x256xi1> to vector<896x256xi32>
      %convert_element_type3A_535 = arith.sitofp %convert_element_type3A_534 : vector<896x256xi32> to vector<896x256xf32>
      %convert_element_type3A_536 = arith.truncf %convert_element_type3A_535 : vector<896x256xf32> to vector<896x256xbf16>
      %get3A_537 = arith.constant 10 : index
      %get3A_538 = arith.constant 0 : index
      %get3A_539 = arith.constant 0 : index
      %get3A_540 = vector.load %arg6[%get3A_537, %get3A_538, %get3A_539] : memref<16x256x256xbf16, #tpu.memory_space<vmem>>, vector<1x256x256xbf16>
      %get3A_541 = vector.shape_cast %get3A_540 : vector<1x256x256xbf16> to vector<256x256xbf16>
      %dot_general3A_542 = arith.constant dense<0.000000e+00> : vector<896x256xf32>
      %dot_general3A_543 = tpu.matmul %convert_element_type3A_536, %get3A_541, %dot_general3A_542 {dimension_numbers = #tpu.dot_dimension_numbers<[1], [0], [0], [1], [0, 0, 1, 1], [], []>, transpose_lhs_hint = false} : vector<896x256xbf16>, vector<256x256xbf16>, vector<896x256xf32> -> vector<896x256xf32>
      %convert_element_type3A_544 = arith.truncf %dot_general3A_543 : vector<896x256xf32> to vector<896x256xbf16>
      %swap3A_545 = arith.constant 0 : index
      %swap3A_546 = arith.constant 2560 : index
      %swap3A_547 = vector.load %arg5[%swap3A_545, %swap3A_546] : memref<896x4096xbf16, #tpu.memory_space<vmem>>, vector<896x256xbf16>
      tpu.vector_store %arg5[%swap3A_545, %swap3A_546], %convert_element_type3A_544 {strides = array<i32>} : memref<896x4096xbf16, #tpu.memory_space<vmem>>, vector<896x256xbf16>,
      %get3A_548 = arith.constant 11 : index
      %get3A_549 = arith.constant 0 : index
      %get3A_550 = arith.constant 0 : index
      %get3A_551 = vector.load %arg2[%get3A_548, %get3A_549, %get3A_550] : memref<16x256x256xf32, #tpu.memory_space<vmem>>, vector<1x256x256xf32>
      %get3A_552 = vector.shape_cast %get3A_551 : vector<1x256x256xf32> to vector<256x256xf32>
      %convert_element_type3A_553 = arith.truncf %get3A_552 : vector<256x256xf32> to vector<256x256xbf16>
      %swap3A_554 = arith.constant 11 : index
      %swap3A_555 = arith.constant 0 : index
      %swap3A_556 = arith.constant 0 : index
      %swap3A_557 = vector.load %arg6[%swap3A_554, %swap3A_555, %swap3A_556] : memref<16x256x256xbf16, #tpu.memory_space<vmem>>, vector<1x256x256xbf16>
      %swap3A_558 = vector.shape_cast %swap3A_557 : vector<1x256x256xbf16> to vector<256x256xbf16>
      %swap3A_559 = vector.shape_cast %convert_element_type3A_553 : vector<256x256xbf16> to vector<1x256x256xbf16>
      tpu.vector_store %arg6[%swap3A_554, %swap3A_555, %swap3A_556], %swap3A_559 {strides = array<i32>} : memref<16x256x256xbf16, #tpu.memory_space<vmem>>, vector<1x256x256xbf16>,
      %slice3A_560 = vector.extract_strided_slice %get3A_228 {offsets = [0, 11], sizes = [896, 1], strides = [1, 1]} : vector<896x16xi32> to vector<896x1xi32>
      %eq3A_561 = vector.broadcast %slice3A_560 : vector<896x1xi32> to vector<896x256xi32>
      %eq3A_562 = arith.cmpi eq, %eq3A_561, %iota3A_229 : vector<896x256xi32>
      %convert_element_type3A_563 = arith.extui %eq3A_562 : vector<896x256xi1> to vector<896x256xi32>
      %convert_element_type3A_564 = arith.sitofp %convert_element_type3A_563 : vector<896x256xi32> to vector<896x256xf32>
      %convert_element_type3A_565 = arith.truncf %convert_element_type3A_564 : vector<896x256xf32> to vector<896x256xbf16>
      %get3A_566 = arith.constant 11 : index
      %get3A_567 = arith.constant 0 : index
      %get3A_568 = arith.constant 0 : index
      %get3A_569 = vector.load %arg6[%get3A_566, %get3A_567, %get3A_568] : memref<16x256x256xbf16, #tpu.memory_space<vmem>>, vector<1x256x256xbf16>
      %get3A_570 = vector.shape_cast %get3A_569 : vector<1x256x256xbf16> to vector<256x256xbf16>
      %dot_general3A_571 = arith.constant dense<0.000000e+00> : vector<896x256xf32>
      %dot_general3A_572 = tpu.matmul %convert_element_type3A_565, %get3A_570, %dot_general3A_571 {dimension_numbers = #tpu.dot_dimension_numbers<[1], [0], [0], [1], [0, 0, 1, 1], [], []>, transpose_lhs_hint = false} : vector<896x256xbf16>, vector<256x256xbf16>, vector<896x256xf32> -> vector<896x256xf32>
      %convert_element_type3A_573 = arith.truncf %dot_general3A_572 : vector<896x256xf32> to vector<896x256xbf16>
      %swap3A_574 = arith.constant 0 : index
      %swap3A_575 = arith.constant 2816 : index
      %swap3A_576 = vector.load %arg5[%swap3A_574, %swap3A_575] : memref<896x4096xbf16, #tpu.memory_space<vmem>>, vector<896x256xbf16>
      tpu.vector_store %arg5[%swap3A_574, %swap3A_575], %convert_element_type3A_573 {strides = array<i32>} : memref<896x4096xbf16, #tpu.memory_space<vmem>>, vector<896x256xbf16>,
      %get3A_577 = arith.constant 12 : index
      %get3A_578 = arith.constant 0 : index
      %get3A_579 = arith.constant 0 : index
      %get3A_580 = vector.load %arg2[%get3A_577, %get3A_578, %get3A_579] : memref<16x256x256xf32, #tpu.memory_space<vmem>>, vector<1x256x256xf32>
      %get3A_581 = vector.shape_cast %get3A_580 : vector<1x256x256xf32> to vector<256x256xf32>
      %convert_element_type3A_582 = arith.truncf %get3A_581 : vector<256x256xf32> to vector<256x256xbf16>
      %swap3A_583 = arith.constant 12 : index
      %swap3A_584 = arith.constant 0 : index
      %swap3A_585 = arith.constant 0 : index
      %swap3A_586 = vector.load %arg6[%swap3A_583, %swap3A_584, %swap3A_585] : memref<16x256x256xbf16, #tpu.memory_space<vmem>>, vector<1x256x256xbf16>
      %swap3A_587 = vector.shape_cast %swap3A_586 : vector<1x256x256xbf16> to vector<256x256xbf16>
      %swap3A_588 = vector.shape_cast %convert_element_type3A_582 : vector<256x256xbf16> to vector<1x256x256xbf16>
      tpu.vector_store %arg6[%swap3A_583, %swap3A_584, %swap3A_585], %swap3A_588 {strides = array<i32>} : memref<16x256x256xbf16, #tpu.memory_space<vmem>>, vector<1x256x256xbf16>,
      %slice3A_589 = vector.extract_strided_slice %get3A_228 {offsets = [0, 12], sizes = [896, 1], strides = [1, 1]} : vector<896x16xi32> to vector<896x1xi32>
      %eq3A_590 = vector.broadcast %slice3A_589 : vector<896x1xi32> to vector<896x256xi32>
      %eq3A_591 = arith.cmpi eq, %eq3A_590, %iota3A_229 : vector<896x256xi32>
      %convert_element_type3A_592 = arith.extui %eq3A_591 : vector<896x256xi1> to vector<896x256xi32>
      %convert_element_type3A_593 = arith.sitofp %convert_element_type3A_592 : vector<896x256xi32> to vector<896x256xf32>
      %convert_element_type3A_594 = arith.truncf %convert_element_type3A_593 : vector<896x256xf32> to vector<896x256xbf16>
      %get3A_595 = arith.constant 12 : index
      %get3A_596 = arith.constant 0 : index
      %get3A_597 = arith.constant 0 : index
      %get3A_598 = vector.load %arg6[%get3A_595, %get3A_596, %get3A_597] : memref<16x256x256xbf16, #tpu.memory_space<vmem>>, vector<1x256x256xbf16>
      %get3A_599 = vector.shape_cast %get3A_598 : vector<1x256x256xbf16> to vector<256x256xbf16>
      %dot_general3A_600 = arith.constant dense<0.000000e+00> : vector<896x256xf32>
      %dot_general3A_601 = tpu.matmul %convert_element_type3A_594, %get3A_599, %dot_general3A_600 {dimension_numbers = #tpu.dot_dimension_numbers<[1], [0], [0], [1], [0, 0, 1, 1], [], []>, transpose_lhs_hint = false} : vector<896x256xbf16>, vector<256x256xbf16>, vector<896x256xf32> -> vector<896x256xf32>
      %convert_element_type3A_602 = arith.truncf %dot_general3A_601 : vector<896x256xf32> to vector<896x256xbf16>
      %swap3A_603 = arith.constant 0 : index
      %swap3A_604 = arith.constant 3072 : index
      %swap3A_605 = vector.load %arg5[%swap3A_603, %swap3A_604] : memref<896x4096xbf16, #tpu.memory_space<vmem>>, vector<896x256xbf16>
      tpu.vector_store %arg5[%swap3A_603, %swap3A_604], %convert_element_type3A_602 {strides = array<i32>} : memref<896x4096xbf16, #tpu.memory_space<vmem>>, vector<896x256xbf16>,
      %get3A_606 = arith.constant 13 : index
      %get3A_607 = arith.constant 0 : index
      %get3A_608 = arith.constant 0 : index
      %get3A_609 = vector.load %arg2[%get3A_606, %get3A_607, %get3A_608] : memref<16x256x256xf32, #tpu.memory_space<vmem>>, vector<1x256x256xf32>
      %get3A_610 = vector.shape_cast %get3A_609 : vector<1x256x256xf32> to vector<256x256xf32>
      %convert_element_type3A_611 = arith.truncf %get3A_610 : vector<256x256xf32> to vector<256x256xbf16>
      %swap3A_612 = arith.constant 13 : index
      %swap3A_613 = arith.constant 0 : index
      %swap3A_614 = arith.constant 0 : index
      %swap3A_615 = vector.load %arg6[%swap3A_612, %swap3A_613, %swap3A_614] : memref<16x256x256xbf16, #tpu.memory_space<vmem>>, vector<1x256x256xbf16>
      %swap3A_616 = vector.shape_cast %swap3A_615 : vector<1x256x256xbf16> to vector<256x256xbf16>
      %swap3A_617 = vector.shape_cast %convert_element_type3A_611 : vector<256x256xbf16> to vector<1x256x256xbf16>
      tpu.vector_store %arg6[%swap3A_612, %swap3A_613, %swap3A_614], %swap3A_617 {strides = array<i32>} : memref<16x256x256xbf16, #tpu.memory_space<vmem>>, vector<1x256x256xbf16>,
      %slice3A_618 = vector.extract_strided_slice %get3A_228 {offsets = [0, 13], sizes = [896, 1], strides = [1, 1]} : vector<896x16xi32> to vector<896x1xi32>
      %eq3A_619 = vector.broadcast %slice3A_618 : vector<896x1xi32> to vector<896x256xi32>
      %eq3A_620 = arith.cmpi eq, %eq3A_619, %iota3A_229 : vector<896x256xi32>
      %convert_element_type3A_621 = arith.extui %eq3A_620 : vector<896x256xi1> to vector<896x256xi32>
      %convert_element_type3A_622 = arith.sitofp %convert_element_type3A_621 : vector<896x256xi32> to vector<896x256xf32>
      %convert_element_type3A_623 = arith.truncf %convert_element_type3A_622 : vector<896x256xf32> to vector<896x256xbf16>
      %get3A_624 = arith.constant 13 : index
      %get3A_625 = arith.constant 0 : index
      %get3A_626 = arith.constant 0 : index
      %get3A_627 = vector.load %arg6[%get3A_624, %get3A_625, %get3A_626] : memref<16x256x256xbf16, #tpu.memory_space<vmem>>, vector<1x256x256xbf16>
      %get3A_628 = vector.shape_cast %get3A_627 : vector<1x256x256xbf16> to vector<256x256xbf16>
      %dot_general3A_629 = arith.constant dense<0.000000e+00> : vector<896x256xf32>
      %dot_general3A_630 = tpu.matmul %convert_element_type3A_623, %get3A_628, %dot_general3A_629 {dimension_numbers = #tpu.dot_dimension_numbers<[1], [0], [0], [1], [0, 0, 1, 1], [], []>, transpose_lhs_hint = false} : vector<896x256xbf16>, vector<256x256xbf16>, vector<896x256xf32> -> vector<896x256xf32>
      %convert_element_type3A_631 = arith.truncf %dot_general3A_630 : vector<896x256xf32> to vector<896x256xbf16>
      %swap3A_632 = arith.constant 0 : index
      %swap3A_633 = arith.constant 3328 : index
      %swap3A_634 = vector.load %arg5[%swap3A_632, %swap3A_633] : memref<896x4096xbf16, #tpu.memory_space<vmem>>, vector<896x256xbf16>
      tpu.vector_store %arg5[%swap3A_632, %swap3A_633], %convert_element_type3A_631 {strides = array<i32>} : memref<896x4096xbf16, #tpu.memory_space<vmem>>, vector<896x256xbf16>,
      %get3A_635 = arith.constant 14 : index
      %get3A_636 = arith.constant 0 : index
      %get3A_637 = arith.constant 0 : index
      %get3A_638 = vector.load %arg2[%get3A_635, %get3A_636, %get3A_637] : memref<16x256x256xf32, #tpu.memory_space<vmem>>, vector<1x256x256xf32>
      %get3A_639 = vector.shape_cast %get3A_638 : vector<1x256x256xf32> to vector<256x256xf32>
      %convert_element_type3A_640 = arith.truncf %get3A_639 : vector<256x256xf32> to vector<256x256xbf16>
      %swap3A_641 = arith.constant 14 : index
      %swap3A_642 = arith.constant 0 : index
      %swap3A_643 = arith.constant 0 : index
      %swap3A_644 = vector.load %arg6[%swap3A_641, %swap3A_642, %swap3A_643] : memref<16x256x256xbf16, #tpu.memory_space<vmem>>, vector<1x256x256xbf16>
      %swap3A_645 = vector.shape_cast %swap3A_644 : vector<1x256x256xbf16> to vector<256x256xbf16>
      %swap3A_646 = vector.shape_cast %convert_element_type3A_640 : vector<256x256xbf16> to vector<1x256x256xbf16>
      tpu.vector_store %arg6[%swap3A_641, %swap3A_642, %swap3A_643], %swap3A_646 {strides = array<i32>} : memref<16x256x256xbf16, #tpu.memory_space<vmem>>, vector<1x256x256xbf16>,
      %slice3A_647 = vector.extract_strided_slice %get3A_228 {offsets = [0, 14], sizes = [896, 1], strides = [1, 1]} : vector<896x16xi32> to vector<896x1xi32>
      %eq3A_648 = vector.broadcast %slice3A_647 : vector<896x1xi32> to vector<896x256xi32>
      %eq3A_649 = arith.cmpi eq, %eq3A_648, %iota3A_229 : vector<896x256xi32>
      %convert_element_type3A_650 = arith.extui %eq3A_649 : vector<896x256xi1> to vector<896x256xi32>
      %convert_element_type3A_651 = arith.sitofp %convert_element_type3A_650 : vector<896x256xi32> to vector<896x256xf32>
      %convert_element_type3A_652 = arith.truncf %convert_element_type3A_651 : vector<896x256xf32> to vector<896x256xbf16>
      %get3A_653 = arith.constant 14 : index
      %get3A_654 = arith.constant 0 : index
      %get3A_655 = arith.constant 0 : index
      %get3A_656 = vector.load %arg6[%get3A_653, %get3A_654, %get3A_655] : memref<16x256x256xbf16, #tpu.memory_space<vmem>>, vector<1x256x256xbf16>
      %get3A_657 = vector.shape_cast %get3A_656 : vector<1x256x256xbf16> to vector<256x256xbf16>
      %dot_general3A_658 = arith.constant dense<0.000000e+00> : vector<896x256xf32>
      %dot_general3A_659 = tpu.matmul %convert_element_type3A_652, %get3A_657, %dot_general3A_658 {dimension_numbers = #tpu.dot_dimension_numbers<[1], [0], [0], [1], [0, 0, 1, 1], [], []>, transpose_lhs_hint = false} : vector<896x256xbf16>, vector<256x256xbf16>, vector<896x256xf32> -> vector<896x256xf32>
      %convert_element_type3A_660 = arith.truncf %dot_general3A_659 : vector<896x256xf32> to vector<896x256xbf16>
      %swap3A_661 = arith.constant 0 : index
      %swap3A_662 = arith.constant 3584 : index
      %swap3A_663 = vector.load %arg5[%swap3A_661, %swap3A_662] : memref<896x4096xbf16, #tpu.memory_space<vmem>>, vector<896x256xbf16>
      tpu.vector_store %arg5[%swap3A_661, %swap3A_662], %convert_element_type3A_660 {strides = array<i32>} : memref<896x4096xbf16, #tpu.memory_space<vmem>>, vector<896x256xbf16>,
      %get3A_664 = arith.constant 15 : index
      %get3A_665 = arith.constant 0 : index
      %get3A_666 = arith.constant 0 : index
      %get3A_667 = vector.load %arg2[%get3A_664, %get3A_665, %get3A_666] : memref<16x256x256xf32, #tpu.memory_space<vmem>>, vector<1x256x256xf32>
      %get3A_668 = vector.shape_cast %get3A_667 : vector<1x256x256xf32> to vector<256x256xf32>
      %convert_element_type3A_669 = arith.truncf %get3A_668 : vector<256x256xf32> to vector<256x256xbf16>
      %swap3A_670 = arith.constant 15 : index
      %swap3A_671 = arith.constant 0 : index
      %swap3A_672 = arith.constant 0 : index
      %swap3A_673 = vector.load %arg6[%swap3A_670, %swap3A_671, %swap3A_672] : memref<16x256x256xbf16, #tpu.memory_space<vmem>>, vector<1x256x256xbf16>
      %swap3A_674 = vector.shape_cast %swap3A_673 : vector<1x256x256xbf16> to vector<256x256xbf16>
      %swap3A_675 = vector.shape_cast %convert_element_type3A_669 : vector<256x256xbf16> to vector<1x256x256xbf16>
      tpu.vector_store %arg6[%swap3A_670, %swap3A_671, %swap3A_672], %swap3A_675 {strides = array<i32>} : memref<16x256x256xbf16, #tpu.memory_space<vmem>>, vector<1x256x256xbf16>,
      %slice3A_676 = vector.extract_strided_slice %get3A_228 {offsets = [0, 15], sizes = [896, 1], strides = [1, 1]} : vector<896x16xi32> to vector<896x1xi32>
      %eq3A_677 = vector.broadcast %slice3A_676 : vector<896x1xi32> to vector<896x256xi32>
      %eq3A_678 = arith.cmpi eq, %eq3A_677, %iota3A_229 : vector<896x256xi32>
      %convert_element_type3A_679 = arith.extui %eq3A_678 : vector<896x256xi1> to vector<896x256xi32>
      %convert_element_type3A_680 = arith.sitofp %convert_element_type3A_679 : vector<896x256xi32> to vector<896x256xf32>
      %convert_element_type3A_681 = arith.truncf %convert_element_type3A_680 : vector<896x256xf32> to vector<896x256xbf16>
      %get3A_682 = arith.constant 15 : index
      %get3A_683 = arith.constant 0 : index
      %get3A_684 = arith.constant 0 : index
      %get3A_685 = vector.load %arg6[%get3A_682, %get3A_683, %get3A_684] : memref<16x256x256xbf16, #tpu.memory_space<vmem>>, vector<1x256x256xbf16>
      %get3A_686 = vector.shape_cast %get3A_685 : vector<1x256x256xbf16> to vector<256x256xbf16>
      %dot_general3A_687 = arith.constant dense<0.000000e+00> : vector<896x256xf32>
      %dot_general3A_688 = tpu.matmul %convert_element_type3A_681, %get3A_686, %dot_general3A_687 {dimension_numbers = #tpu.dot_dimension_numbers<[1], [0], [0], [1], [0, 0, 1, 1], [], []>, transpose_lhs_hint = false} : vector<896x256xbf16>, vector<256x256xbf16>, vector<896x256xf32> -> vector<896x256xf32>
      %convert_element_type3A_689 = arith.truncf %dot_general3A_688 : vector<896x256xf32> to vector<896x256xbf16>
      %swap3A_690 = arith.constant 0 : index
      %swap3A_691 = arith.constant 3840 : index
      %swap3A_692 = vector.load %arg5[%swap3A_690, %swap3A_691] : memref<896x4096xbf16, #tpu.memory_space<vmem>>, vector<896x256xbf16>
      tpu.vector_store %arg5[%swap3A_690, %swap3A_691], %convert_element_type3A_689 {strides = array<i32>} : memref<896x4096xbf16, #tpu.memory_space<vmem>>, vector<896x256xbf16>,
    } else {
    }
    %broadcast_in_dim3A = arith.constant 0.000000e+00 : f32
    %broadcast_in_dim3A_2 = vector.broadcast %broadcast_in_dim3A : f32 to vector<896x512xf32>
    %iota3A = tpu.iota {dimensions = array<i32: 1>} : vector<512x256xi32>
    %get3A = arith.constant 0 : index
    %get3A_3 = arith.constant 0 : index
    %get3A_4 = vector.load %arg3[%get3A, %get3A_3] : memref<512x16xi32, #tpu.memory_space<vmem>>, vector<512x1xi32>
    %eq3A_5 = vector.broadcast %get3A_4 : vector<512x1xi32> to vector<512x256xi32>
    %eq3A_6 = arith.cmpi eq, %eq3A_5, %iota3A : vector<512x256xi32>
    %convert_element_type3A_7 = arith.extui %eq3A_6 : vector<512x256xi1> to vector<512x256xi32>
    %convert_element_type3A_8 = arith.sitofp %convert_element_type3A_7 : vector<512x256xi32> to vector<512x256xf32>
    %convert_element_type3A_9 = arith.truncf %convert_element_type3A_8 : vector<512x256xf32> to vector<512x256xbf16>
    %get3A_10 = arith.constant 0 : index
    %get3A_11 = arith.constant 0 : index
    %get3A_12 = vector.load %arg5[%get3A_10, %get3A_11] : memref<896x4096xbf16, #tpu.memory_space<vmem>>, vector<896x256xbf16>
    %dot_general3A = arith.constant dense<0.000000e+00> : vector<896x512xf32>
    %dot_general3A_13 = tpu.matmul %get3A_12, %convert_element_type3A_9, %dot_general3A {dimension_numbers = #tpu.dot_dimension_numbers<[1], [1], [0], [0], [0, 0, 1, 0], [], []>, transpose_lhs_hint = false} : vector<896x256xbf16>, vector<512x256xbf16>, vector<896x512xf32> -> vector<896x512xf32>
    %add3A = arith.addf %broadcast_in_dim3A_2, %dot_general3A_13 : vector<896x512xf32>
    %get3A_14 = arith.constant 0 : index
    %get3A_15 = arith.constant 1 : index
    %get3A_16 = vector.load %arg3[%get3A_14, %get3A_15] : memref<512x16xi32, #tpu.memory_space<vmem>>, vector<512x1xi32>
    %eq3A_17 = vector.broadcast %get3A_16 : vector<512x1xi32> to vector<512x256xi32>
    %eq3A_18 = arith.cmpi eq, %eq3A_17, %iota3A : vector<512x256xi32>
    %convert_element_type3A_19 = arith.extui %eq3A_18 : vector<512x256xi1> to vector<512x256xi32>
    %convert_element_type3A_20 = arith.sitofp %convert_element_type3A_19 : vector<512x256xi32> to vector<512x256xf32>
    %convert_element_type3A_21 = arith.truncf %convert_element_type3A_20 : vector<512x256xf32> to vector<512x256xbf16>
    %get3A_22 = arith.constant 0 : index
    %get3A_23 = arith.constant 256 : index
    %get3A_24 = vector.load %arg5[%get3A_22, %get3A_23] : memref<896x4096xbf16, #tpu.memory_space<vmem>>, vector<896x256xbf16>
    %dot_general3A_25 = arith.constant dense<0.000000e+00> : vector<896x512xf32>
    %dot_general3A_26 = tpu.matmul %get3A_24, %convert_element_type3A_21, %dot_general3A_25 {dimension_numbers = #tpu.dot_dimension_numbers<[1], [1], [0], [0], [0, 0, 1, 0], [], []>, transpose_lhs_hint = false} : vector<896x256xbf16>, vector<512x256xbf16>, vector<896x512xf32> -> vector<896x512xf32>
    %add3A_27 = arith.addf %add3A, %dot_general3A_26 : vector<896x512xf32>
    %get3A_28 = arith.constant 0 : index
    %get3A_29 = arith.constant 2 : index
    %get3A_30 = vector.load %arg3[%get3A_28, %get3A_29] : memref<512x16xi32, #tpu.memory_space<vmem>>, vector<512x1xi32>
    %eq3A_31 = vector.broadcast %get3A_30 : vector<512x1xi32> to vector<512x256xi32>
    %eq3A_32 = arith.cmpi eq, %eq3A_31, %iota3A : vector<512x256xi32>
    %convert_element_type3A_33 = arith.extui %eq3A_32 : vector<512x256xi1> to vector<512x256xi32>
    %convert_element_type3A_34 = arith.sitofp %convert_element_type3A_33 : vector<512x256xi32> to vector<512x256xf32>
    %convert_element_type3A_35 = arith.truncf %convert_element_type3A_34 : vector<512x256xf32> to vector<512x256xbf16>
    %get3A_36 = arith.constant 0 : index
    %get3A_37 = arith.constant 512 : index
    %get3A_38 = vector.load %arg5[%get3A_36, %get3A_37] : memref<896x4096xbf16, #tpu.memory_space<vmem>>, vector<896x256xbf16>
    %dot_general3A_39 = arith.constant dense<0.000000e+00> : vector<896x512xf32>
    %dot_general3A_40 = tpu.matmul %get3A_38, %convert_element_type3A_35, %dot_general3A_39 {dimension_numbers = #tpu.dot_dimension_numbers<[1], [1], [0], [0], [0, 0, 1, 0], [], []>, transpose_lhs_hint = false} : vector<896x256xbf16>, vector<512x256xbf16>, vector<896x512xf32> -> vector<896x512xf32>
    %add3A_41 = arith.addf %add3A_27, %dot_general3A_40 : vector<896x512xf32>
    %get3A_42 = arith.constant 0 : index
    %get3A_43 = arith.constant 3 : index
    %get3A_44 = vector.load %arg3[%get3A_42, %get3A_43] : memref<512x16xi32, #tpu.memory_space<vmem>>, vector<512x1xi32>
    %eq3A_45 = vector.broadcast %get3A_44 : vector<512x1xi32> to vector<512x256xi32>
    %eq3A_46 = arith.cmpi eq, %eq3A_45, %iota3A : vector<512x256xi32>
    %convert_element_type3A_47 = arith.extui %eq3A_46 : vector<512x256xi1> to vector<512x256xi32>
    %convert_element_type3A_48 = arith.sitofp %convert_element_type3A_47 : vector<512x256xi32> to vector<512x256xf32>
    %convert_element_type3A_49 = arith.truncf %convert_element_type3A_48 : vector<512x256xf32> to vector<512x256xbf16>
    %get3A_50 = arith.constant 0 : index
    %get3A_51 = arith.constant 768 : index
    %get3A_52 = vector.load %arg5[%get3A_50, %get3A_51] : memref<896x4096xbf16, #tpu.memory_space<vmem>>, vector<896x256xbf16>
    %dot_general3A_53 = arith.constant dense<0.000000e+00> : vector<896x512xf32>
    %dot_general3A_54 = tpu.matmul %get3A_52, %convert_element_type3A_49, %dot_general3A_53 {dimension_numbers = #tpu.dot_dimension_numbers<[1], [1], [0], [0], [0, 0, 1, 0], [], []>, transpose_lhs_hint = false} : vector<896x256xbf16>, vector<512x256xbf16>, vector<896x512xf32> -> vector<896x512xf32>
    %add3A_55 = arith.addf %add3A_41, %dot_general3A_54 : vector<896x512xf32>
    %get3A_56 = arith.constant 0 : index
    %get3A_57 = arith.constant 4 : index
    %get3A_58 = vector.load %arg3[%get3A_56, %get3A_57] : memref<512x16xi32, #tpu.memory_space<vmem>>, vector<512x1xi32>
    %eq3A_59 = vector.broadcast %get3A_58 : vector<512x1xi32> to vector<512x256xi32>
    %eq3A_60 = arith.cmpi eq, %eq3A_59, %iota3A : vector<512x256xi32>
    %convert_element_type3A_61 = arith.extui %eq3A_60 : vector<512x256xi1> to vector<512x256xi32>
    %convert_element_type3A_62 = arith.sitofp %convert_element_type3A_61 : vector<512x256xi32> to vector<512x256xf32>
    %convert_element_type3A_63 = arith.truncf %convert_element_type3A_62 : vector<512x256xf32> to vector<512x256xbf16>
    %get3A_64 = arith.constant 0 : index
    %get3A_65 = arith.constant 1024 : index
    %get3A_66 = vector.load %arg5[%get3A_64, %get3A_65] : memref<896x4096xbf16, #tpu.memory_space<vmem>>, vector<896x256xbf16>
    %dot_general3A_67 = arith.constant dense<0.000000e+00> : vector<896x512xf32>
    %dot_general3A_68 = tpu.matmul %get3A_66, %convert_element_type3A_63, %dot_general3A_67 {dimension_numbers = #tpu.dot_dimension_numbers<[1], [1], [0], [0], [0, 0, 1, 0], [], []>, transpose_lhs_hint = false} : vector<896x256xbf16>, vector<512x256xbf16>, vector<896x512xf32> -> vector<896x512xf32>
    %add3A_69 = arith.addf %add3A_55, %dot_general3A_68 : vector<896x512xf32>
    %get3A_70 = arith.constant 0 : index
    %get3A_71 = arith.constant 5 : index
    %get3A_72 = vector.load %arg3[%get3A_70, %get3A_71] : memref<512x16xi32, #tpu.memory_space<vmem>>, vector<512x1xi32>
    %eq3A_73 = vector.broadcast %get3A_72 : vector<512x1xi32> to vector<512x256xi32>
    %eq3A_74 = arith.cmpi eq, %eq3A_73, %iota3A : vector<512x256xi32>
    %convert_element_type3A_75 = arith.extui %eq3A_74 : vector<512x256xi1> to vector<512x256xi32>
    %convert_element_type3A_76 = arith.sitofp %convert_element_type3A_75 : vector<512x256xi32> to vector<512x256xf32>
    %convert_element_type3A_77 = arith.truncf %convert_element_type3A_76 : vector<512x256xf32> to vector<512x256xbf16>
    %get3A_78 = arith.constant 0 : index
    %get3A_79 = arith.constant 1280 : index
    %get3A_80 = vector.load %arg5[%get3A_78, %get3A_79] : memref<896x4096xbf16, #tpu.memory_space<vmem>>, vector<896x256xbf16>
    %dot_general3A_81 = arith.constant dense<0.000000e+00> : vector<896x512xf32>
    %dot_general3A_82 = tpu.matmul %get3A_80, %convert_element_type3A_77, %dot_general3A_81 {dimension_numbers = #tpu.dot_dimension_numbers<[1], [1], [0], [0], [0, 0, 1, 0], [], []>, transpose_lhs_hint = false} : vector<896x256xbf16>, vector<512x256xbf16>, vector<896x512xf32> -> vector<896x512xf32>
    %add3A_83 = arith.addf %add3A_69, %dot_general3A_82 : vector<896x512xf32>
    %get3A_84 = arith.constant 0 : index
    %get3A_85 = arith.constant 6 : index
    %get3A_86 = vector.load %arg3[%get3A_84, %get3A_85] : memref<512x16xi32, #tpu.memory_space<vmem>>, vector<512x1xi32>
    %eq3A_87 = vector.broadcast %get3A_86 : vector<512x1xi32> to vector<512x256xi32>
    %eq3A_88 = arith.cmpi eq, %eq3A_87, %iota3A : vector<512x256xi32>
    %convert_element_type3A_89 = arith.extui %eq3A_88 : vector<512x256xi1> to vector<512x256xi32>
    %convert_element_type3A_90 = arith.sitofp %convert_element_type3A_89 : vector<512x256xi32> to vector<512x256xf32>
    %convert_element_type3A_91 = arith.truncf %convert_element_type3A_90 : vector<512x256xf32> to vector<512x256xbf16>
    %get3A_92 = arith.constant 0 : index
    %get3A_93 = arith.constant 1536 : index
    %get3A_94 = vector.load %arg5[%get3A_92, %get3A_93] : memref<896x4096xbf16, #tpu.memory_space<vmem>>, vector<896x256xbf16>
    %dot_general3A_95 = arith.constant dense<0.000000e+00> : vector<896x512xf32>
    %dot_general3A_96 = tpu.matmul %get3A_94, %convert_element_type3A_91, %dot_general3A_95 {dimension_numbers = #tpu.dot_dimension_numbers<[1], [1], [0], [0], [0, 0, 1, 0], [], []>, transpose_lhs_hint = false} : vector<896x256xbf16>, vector<512x256xbf16>, vector<896x512xf32> -> vector<896x512xf32>
    %add3A_97 = arith.addf %add3A_83, %dot_general3A_96 : vector<896x512xf32>
    %get3A_98 = arith.constant 0 : index
    %get3A_99 = arith.constant 7 : index
    %get3A_100 = vector.load %arg3[%get3A_98, %get3A_99] : memref<512x16xi32, #tpu.memory_space<vmem>>, vector<512x1xi32>
    %eq3A_101 = vector.broadcast %get3A_100 : vector<512x1xi32> to vector<512x256xi32>
    %eq3A_102 = arith.cmpi eq, %eq3A_101, %iota3A : vector<512x256xi32>
    %convert_element_type3A_103 = arith.extui %eq3A_102 : vector<512x256xi1> to vector<512x256xi32>
    %convert_element_type3A_104 = arith.sitofp %convert_element_type3A_103 : vector<512x256xi32> to vector<512x256xf32>
    %convert_element_type3A_105 = arith.truncf %convert_element_type3A_104 : vector<512x256xf32> to vector<512x256xbf16>
    %get3A_106 = arith.constant 0 : index
    %get3A_107 = arith.constant 1792 : index
    %get3A_108 = vector.load %arg5[%get3A_106, %get3A_107] : memref<896x4096xbf16, #tpu.memory_space<vmem>>, vector<896x256xbf16>
    %dot_general3A_109 = arith.constant dense<0.000000e+00> : vector<896x512xf32>
    %dot_general3A_110 = tpu.matmul %get3A_108, %convert_element_type3A_105, %dot_general3A_109 {dimension_numbers = #tpu.dot_dimension_numbers<[1], [1], [0], [0], [0, 0, 1, 0], [], []>, transpose_lhs_hint = false} : vector<896x256xbf16>, vector<512x256xbf16>, vector<896x512xf32> -> vector<896x512xf32>
    %add3A_111 = arith.addf %add3A_97, %dot_general3A_110 : vector<896x512xf32>
    %get3A_112 = arith.constant 0 : index
    %get3A_113 = arith.constant 8 : index
    %get3A_114 = vector.load %arg3[%get3A_112, %get3A_113] : memref<512x16xi32, #tpu.memory_space<vmem>>, vector<512x1xi32>
    %eq3A_115 = vector.broadcast %get3A_114 : vector<512x1xi32> to vector<512x256xi32>
    %eq3A_116 = arith.cmpi eq, %eq3A_115, %iota3A : vector<512x256xi32>
    %convert_element_type3A_117 = arith.extui %eq3A_116 : vector<512x256xi1> to vector<512x256xi32>
    %convert_element_type3A_118 = arith.sitofp %convert_element_type3A_117 : vector<512x256xi32> to vector<512x256xf32>
    %convert_element_type3A_119 = arith.truncf %convert_element_type3A_118 : vector<512x256xf32> to vector<512x256xbf16>
    %get3A_120 = arith.constant 0 : index
    %get3A_121 = arith.constant 2048 : index
    %get3A_122 = vector.load %arg5[%get3A_120, %get3A_121] : memref<896x4096xbf16, #tpu.memory_space<vmem>>, vector<896x256xbf16>
    %dot_general3A_123 = arith.constant dense<0.000000e+00> : vector<896x512xf32>
    %dot_general3A_124 = tpu.matmul %get3A_122, %convert_element_type3A_119, %dot_general3A_123 {dimension_numbers = #tpu.dot_dimension_numbers<[1], [1], [0], [0], [0, 0, 1, 0], [], []>, transpose_lhs_hint = false} : vector<896x256xbf16>, vector<512x256xbf16>, vector<896x512xf32> -> vector<896x512xf32>
    %add3A_125 = arith.addf %add3A_111, %dot_general3A_124 : vector<896x512xf32>
    %get3A_126 = arith.constant 0 : index
    %get3A_127 = arith.constant 9 : index
    %get3A_128 = vector.load %arg3[%get3A_126, %get3A_127] : memref<512x16xi32, #tpu.memory_space<vmem>>, vector<512x1xi32>
    %eq3A_129 = vector.broadcast %get3A_128 : vector<512x1xi32> to vector<512x256xi32>
    %eq3A_130 = arith.cmpi eq, %eq3A_129, %iota3A : vector<512x256xi32>
    %convert_element_type3A_131 = arith.extui %eq3A_130 : vector<512x256xi1> to vector<512x256xi32>
    %convert_element_type3A_132 = arith.sitofp %convert_element_type3A_131 : vector<512x256xi32> to vector<512x256xf32>
    %convert_element_type3A_133 = arith.truncf %convert_element_type3A_132 : vector<512x256xf32> to vector<512x256xbf16>
    %get3A_134 = arith.constant 0 : index
    %get3A_135 = arith.constant 2304 : index
    %get3A_136 = vector.load %arg5[%get3A_134, %get3A_135] : memref<896x4096xbf16, #tpu.memory_space<vmem>>, vector<896x256xbf16>
    %dot_general3A_137 = arith.constant dense<0.000000e+00> : vector<896x512xf32>
    %dot_general3A_138 = tpu.matmul %get3A_136, %convert_element_type3A_133, %dot_general3A_137 {dimension_numbers = #tpu.dot_dimension_numbers<[1], [1], [0], [0], [0, 0, 1, 0], [], []>, transpose_lhs_hint = false} : vector<896x256xbf16>, vector<512x256xbf16>, vector<896x512xf32> -> vector<896x512xf32>
    %add3A_139 = arith.addf %add3A_125, %dot_general3A_138 : vector<896x512xf32>
    %get3A_140 = arith.constant 0 : index
    %get3A_141 = arith.constant 10 : index
    %get3A_142 = vector.load %arg3[%get3A_140, %get3A_141] : memref<512x16xi32, #tpu.memory_space<vmem>>, vector<512x1xi32>
    %eq3A_143 = vector.broadcast %get3A_142 : vector<512x1xi32> to vector<512x256xi32>
    %eq3A_144 = arith.cmpi eq, %eq3A_143, %iota3A : vector<512x256xi32>
    %convert_element_type3A_145 = arith.extui %eq3A_144 : vector<512x256xi1> to vector<512x256xi32>
    %convert_element_type3A_146 = arith.sitofp %convert_element_type3A_145 : vector<512x256xi32> to vector<512x256xf32>
    %convert_element_type3A_147 = arith.truncf %convert_element_type3A_146 : vector<512x256xf32> to vector<512x256xbf16>
    %get3A_148 = arith.constant 0 : index
    %get3A_149 = arith.constant 2560 : index
    %get3A_150 = vector.load %arg5[%get3A_148, %get3A_149] : memref<896x4096xbf16, #tpu.memory_space<vmem>>, vector<896x256xbf16>
    %dot_general3A_151 = arith.constant dense<0.000000e+00> : vector<896x512xf32>
    %dot_general3A_152 = tpu.matmul %get3A_150, %convert_element_type3A_147, %dot_general3A_151 {dimension_numbers = #tpu.dot_dimension_numbers<[1], [1], [0], [0], [0, 0, 1, 0], [], []>, transpose_lhs_hint = false} : vector<896x256xbf16>, vector<512x256xbf16>, vector<896x512xf32> -> vector<896x512xf32>
    %add3A_153 = arith.addf %add3A_139, %dot_general3A_152 : vector<896x512xf32>
    %get3A_154 = arith.constant 0 : index
    %get3A_155 = arith.constant 11 : index
    %get3A_156 = vector.load %arg3[%get3A_154, %get3A_155] : memref<512x16xi32, #tpu.memory_space<vmem>>, vector<512x1xi32>
    %eq3A_157 = vector.broadcast %get3A_156 : vector<512x1xi32> to vector<512x256xi32>
    %eq3A_158 = arith.cmpi eq, %eq3A_157, %iota3A : vector<512x256xi32>
    %convert_element_type3A_159 = arith.extui %eq3A_158 : vector<512x256xi1> to vector<512x256xi32>
    %convert_element_type3A_160 = arith.sitofp %convert_element_type3A_159 : vector<512x256xi32> to vector<512x256xf32>
    %convert_element_type3A_161 = arith.truncf %convert_element_type3A_160 : vector<512x256xf32> to vector<512x256xbf16>
    %get3A_162 = arith.constant 0 : index
    %get3A_163 = arith.constant 2816 : index
    %get3A_164 = vector.load %arg5[%get3A_162, %get3A_163] : memref<896x4096xbf16, #tpu.memory_space<vmem>>, vector<896x256xbf16>
    %dot_general3A_165 = arith.constant dense<0.000000e+00> : vector<896x512xf32>
    %dot_general3A_166 = tpu.matmul %get3A_164, %convert_element_type3A_161, %dot_general3A_165 {dimension_numbers = #tpu.dot_dimension_numbers<[1], [1], [0], [0], [0, 0, 1, 0], [], []>, transpose_lhs_hint = false} : vector<896x256xbf16>, vector<512x256xbf16>, vector<896x512xf32> -> vector<896x512xf32>
    %add3A_167 = arith.addf %add3A_153, %dot_general3A_166 : vector<896x512xf32>
    %get3A_168 = arith.constant 0 : index
    %get3A_169 = arith.constant 12 : index
    %get3A_170 = vector.load %arg3[%get3A_168, %get3A_169] : memref<512x16xi32, #tpu.memory_space<vmem>>, vector<512x1xi32>
    %eq3A_171 = vector.broadcast %get3A_170 : vector<512x1xi32> to vector<512x256xi32>
    %eq3A_172 = arith.cmpi eq, %eq3A_171, %iota3A : vector<512x256xi32>
    %convert_element_type3A_173 = arith.extui %eq3A_172 : vector<512x256xi1> to vector<512x256xi32>
    %convert_element_type3A_174 = arith.sitofp %convert_element_type3A_173 : vector<512x256xi32> to vector<512x256xf32>
    %convert_element_type3A_175 = arith.truncf %convert_element_type3A_174 : vector<512x256xf32> to vector<512x256xbf16>
    %get3A_176 = arith.constant 0 : index
    %get3A_177 = arith.constant 3072 : index
    %get3A_178 = vector.load %arg5[%get3A_176, %get3A_177] : memref<896x4096xbf16, #tpu.memory_space<vmem>>, vector<896x256xbf16>
    %dot_general3A_179 = arith.constant dense<0.000000e+00> : vector<896x512xf32>
    %dot_general3A_180 = tpu.matmul %get3A_178, %convert_element_type3A_175, %dot_general3A_179 {dimension_numbers = #tpu.dot_dimension_numbers<[1], [1], [0], [0], [0, 0, 1, 0], [], []>, transpose_lhs_hint = false} : vector<896x256xbf16>, vector<512x256xbf16>, vector<896x512xf32> -> vector<896x512xf32>
    %add3A_181 = arith.addf %add3A_167, %dot_general3A_180 : vector<896x512xf32>
    %get3A_182 = arith.constant 0 : index
    %get3A_183 = arith.constant 13 : index
    %get3A_184 = vector.load %arg3[%get3A_182, %get3A_183] : memref<512x16xi32, #tpu.memory_space<vmem>>, vector<512x1xi32>
    %eq3A_185 = vector.broadcast %get3A_184 : vector<512x1xi32> to vector<512x256xi32>
    %eq3A_186 = arith.cmpi eq, %eq3A_185, %iota3A : vector<512x256xi32>
    %convert_element_type3A_187 = arith.extui %eq3A_186 : vector<512x256xi1> to vector<512x256xi32>
    %convert_element_type3A_188 = arith.sitofp %convert_element_type3A_187 : vector<512x256xi32> to vector<512x256xf32>
    %convert_element_type3A_189 = arith.truncf %convert_element_type3A_188 : vector<512x256xf32> to vector<512x256xbf16>
    %get3A_190 = arith.constant 0 : index
    %get3A_191 = arith.constant 3328 : index
    %get3A_192 = vector.load %arg5[%get3A_190, %get3A_191] : memref<896x4096xbf16, #tpu.memory_space<vmem>>, vector<896x256xbf16>
    %dot_general3A_193 = arith.constant dense<0.000000e+00> : vector<896x512xf32>
    %dot_general3A_194 = tpu.matmul %get3A_192, %convert_element_type3A_189, %dot_general3A_193 {dimension_numbers = #tpu.dot_dimension_numbers<[1], [1], [0], [0], [0, 0, 1, 0], [], []>, transpose_lhs_hint = false} : vector<896x256xbf16>, vector<512x256xbf16>, vector<896x512xf32> -> vector<896x512xf32>
    %add3A_195 = arith.addf %add3A_181, %dot_general3A_194 : vector<896x512xf32>
    %get3A_196 = arith.constant 0 : index
    %get3A_197 = arith.constant 14 : index
    %get3A_198 = vector.load %arg3[%get3A_196, %get3A_197] : memref<512x16xi32, #tpu.memory_space<vmem>>, vector<512x1xi32>
    %eq3A_199 = vector.broadcast %get3A_198 : vector<512x1xi32> to vector<512x256xi32>
    %eq3A_200 = arith.cmpi eq, %eq3A_199, %iota3A : vector<512x256xi32>
    %convert_element_type3A_201 = arith.extui %eq3A_200 : vector<512x256xi1> to vector<512x256xi32>
    %convert_element_type3A_202 = arith.sitofp %convert_element_type3A_201 : vector<512x256xi32> to vector<512x256xf32>
    %convert_element_type3A_203 = arith.truncf %convert_element_type3A_202 : vector<512x256xf32> to vector<512x256xbf16>
    %get3A_204 = arith.constant 0 : index
    %get3A_205 = arith.constant 3584 : index
    %get3A_206 = vector.load %arg5[%get3A_204, %get3A_205] : memref<896x4096xbf16, #tpu.memory_space<vmem>>, vector<896x256xbf16>
    %dot_general3A_207 = arith.constant dense<0.000000e+00> : vector<896x512xf32>
    %dot_general3A_208 = tpu.matmul %get3A_206, %convert_element_type3A_203, %dot_general3A_207 {dimension_numbers = #tpu.dot_dimension_numbers<[1], [1], [0], [0], [0, 0, 1, 0], [], []>, transpose_lhs_hint = false} : vector<896x256xbf16>, vector<512x256xbf16>, vector<896x512xf32> -> vector<896x512xf32>
    %add3A_209 = arith.addf %add3A_195, %dot_general3A_208 : vector<896x512xf32>
    %get3A_210 = arith.constant 0 : index
    %get3A_211 = arith.constant 15 : index
    %get3A_212 = vector.load %arg3[%get3A_210, %get3A_211] : memref<512x16xi32, #tpu.memory_space<vmem>>, vector<512x1xi32>
    %eq3A_213 = vector.broadcast %get3A_212 : vector<512x1xi32> to vector<512x256xi32>
    %eq3A_214 = arith.cmpi eq, %eq3A_213, %iota3A : vector<512x256xi32>
    %convert_element_type3A_215 = arith.extui %eq3A_214 : vector<512x256xi1> to vector<512x256xi32>
    %convert_element_type3A_216 = arith.sitofp %convert_element_type3A_215 : vector<512x256xi32> to vector<512x256xf32>
    %convert_element_type3A_217 = arith.truncf %convert_element_type3A_216 : vector<512x256xf32> to vector<512x256xbf16>
    %get3A_218 = arith.constant 0 : index
    %get3A_219 = arith.constant 3840 : index
    %get3A_220 = vector.load %arg5[%get3A_218, %get3A_219] : memref<896x4096xbf16, #tpu.memory_space<vmem>>, vector<896x256xbf16>
    %dot_general3A_221 = arith.constant dense<0.000000e+00> : vector<896x512xf32>
    %dot_general3A_222 = tpu.matmul %get3A_220, %convert_element_type3A_217, %dot_general3A_221 {dimension_numbers = #tpu.dot_dimension_numbers<[1], [1], [0], [0], [0, 0, 1, 0], [], []>, transpose_lhs_hint = false} : vector<896x256xbf16>, vector<512x256xbf16>, vector<896x512xf32> -> vector<896x512xf32>
    %add3A_223 = arith.addf %add3A_209, %dot_general3A_222 : vector<896x512xf32>
    %swap3A = arith.constant 0 : index
    %swap3A_224 = arith.constant 0 : index
    %swap3A_225 = vector.load %arg4[%swap3A, %swap3A_224] : memref<1024x512xf32, #tpu.memory_space<vmem>>, vector<896x512xf32>
    tpu.vector_store %arg4[%swap3A, %swap3A_224], %add3A_223 {strides = array<i32>} : memref<1024x512xf32, #tpu.memory_space<vmem>>, vector<896x512xf32>,
    return
  }
  func.func @transform_0(%arg0: i32) -> (i32, i32) {
    %c0_i32 = arith.constant 0 : i32
    %c0_i32_0 = arith.constant 0 : i32
    %c0_i32_1 = arith.constant 0 : i32
    return %c0_i32, %c0_i32_0 : i32, i32
  }
  func.func @transform_1(%arg0: i32) -> (i32, i32, i32) {
    %c0_i32 = arith.constant 0 : i32
    %c0_i32_0 = arith.constant 0 : i32
    %c0_i32_1 = arith.constant 0 : i32
    %c0_i32_2 = arith.constant 0 : i32
    return %c0_i32, %c0_i32_0, %c0_i32_1 : i32, i32, i32
  }
  func.func @transform_2(%arg0: i32) -> (i32, i32) {
    %c0_i32 = arith.constant 0 : i32
    %c0_i32_0 = arith.constant 0 : i32
    return %arg0, %c0_i32 : i32, i32
  }
  func.func @transform_3(%arg0: i32) -> (i32, i32) {
    %c0_i32 = arith.constant 0 : i32
    %c0_i32_0 = arith.constant 0 : i32
    return %c0_i32, %arg0 : i32, i32
  }
}

module attributes {stable_mosaic.version = 14 : i64} {
  func.func @_patch_body(%arg0: i32, %arg1: memref<8x128xf32, #tpu.memory_space<vmem>>, %arg2: memref<128x512xf32, #tpu.memory_space<vmem>>, %arg3: memref<128x512xf32, #tpu.memory_space<vmem>>) attributes {dimension_semantics = [#tpu.dimension_semantics<arbitrary>], iteration_bounds = array<i64: 8>, scalar_prefetch = 0 : i64, scratch_operands = 0 : i64, tpu.core_type = #tpu.core_type<tc>, window_params = [{transform_indices = @transform_0, window_bounds = array<i64: 8, 128>}, {transform_indices = @transform_1, window_bounds = array<i64: 128, 512>}, {transform_indices = @transform_2, window_bounds = array<i64: 128, 512>}]} {
    %get3A = arith.constant 0 : index
    %get3A_0 = arith.constant 0 : index
    %get3A_1 = vector.load %arg2[%get3A, %get3A_0] : memref<128x512xf32, #tpu.memory_space<vmem>>, vector<128x512xf32>
    %swap3A = arith.constant 0 : index
    %swap3A_2 = arith.constant 0 : index
    %swap3A_3 = vector.load %arg3[%swap3A, %swap3A_2] : memref<128x512xf32, #tpu.memory_space<vmem>>, vector<128x512xf32>
    tpu.vector_store %arg3[%swap3A, %swap3A_2], %get3A_1 {strides = array<i32>} : memref<128x512xf32, #tpu.memory_space<vmem>>, vector<128x512xf32>,
    return
  }
  func.func @transform_0(%arg0: i32) -> (i32, i32) {
    %c0_i32 = arith.constant 0 : i32
    %c0_i32_0 = arith.constant 0 : i32
    %c0_i32_1 = arith.constant 0 : i32
    return %c0_i32, %c0_i32_0 : i32, i32
  }
  func.func @transform_1(%arg0: i32) -> (i32, i32) {
    %c0_i32 = arith.constant 0 : i32
    %c0_i32_0 = arith.constant 0 : i32
    return %c0_i32, %arg0 : i32, i32
  }
  func.func @transform_2(%arg0: i32) -> (i32, i32) {
    %c7_i32 = arith.constant 7 : i32
    %c0_i32 = arith.constant 0 : i32
    return %c7_i32, %arg0 : i32, i32
  }
}

</mosaic_0001>

<sc_bundles>
// kernel: kernel.5.cloned.1.call-start
scs
__scs_entry_jumppad:
0x0: {  	(pc) =	sbr.rel $0x88, $3  }
0x1: {  	(tag) =	ssettag $0x0;
	lr =	simm.s32 $0x1  }
0x2: {  	[smem:$0x3F9E] =	sst lr;
	_ =	strace $0xD0000000  }
0x3: {  	_ = 	snop  }
0x4: {  	_ = 	snop  }
0x5: {  	_ = 	snop  }
0x6: {  	_ = 	snop  }
0x7: {  	_ = 	snop  }
__scs_overlays_trampoline_lowered:
0x8: {  	[smem:$0x3FAD] =	sst s0  }
0x9: {  	[smem:$0x3FAE] =	sst s1  }
0xa: {  	[smem:$0x3FAF] =	sst s2  }
0xb: {  	[smem:$0x3FB0] =	sst s3  }
0xc: {  	[smem:$0x3FB1] =	sst s4  }
0xd: {  	[smem:$0x3FB2] =	sst s5  }
0xe: {  	[smem:$0x3FB3] =	sst s6  }
0xf: {  	[smem:$0x3FB4] =	sst s7  }
0x10: {  	[smem:$0x3FB5] =	sst s8  }
0x11: {  	[smem:$0x3FB6] =	sst s9;
	s0 =	simm.s32 @!p0 $0x0  }
0x12: {  	s1 =	sld [smem:$0x3F9C];
	s0 =	simm.s32 @p0 $0x1  }
0x13: {  	[smem:$0x3FB7] =	sst s0;
	s0 =	simm.s32 @!p1 $0x0  }
0x14: {  	s2 =	sld [smem:$0x3F9B];
	s0 =	simm.s32 @p1 $0x1  }
0x15: {  	[smem:$0x3FB8] =	sst s0;
	s0 =	simm.s32 @!p2 $0x0  }
0x16: {  	s3 =	sld [smem:$0x3FDB];
	s0 =	simm.s32 @p2 $0x1  }
0x17: {  	s4 =	simm.s32 $0x1BF5;
	[smem:$0x3FBA] =	sst s0  }
0x18: {  	s0 =	sld [smem:$0x3F9D];
	_ =	swait.ge [sflag:s4], $0x0  }
0x19: {  	s7 =	sld [smem:$0x3F9E]  }
0x1a: {  	s8 =	sadd.s32 $0xFFFFE003, lr  }
0x1b: {  	s9 =	sadd.s32 $0xFFFFFEF7, lr;
	s5 =	simm.s32 $0xFFFFFFFF;
	p2 =	slt.u32 s8, $0xFFFFF086  }
0x1c: {  	p1 =	slt.u32 s9, $0xF7A;
	s5 =	simm.s32 @!p2 $0x0  }
0x1d: {  	s5 =	simm.s32 @p1 $0x1;
	p0 =	seq.s32 s7, s2  }
0x1e: {  	s7 =	smul.u32 @!p0 $0xF7A, s2;
	p2 =	seq.s32 @!p0 s5, $0x0  }
0x1f: {  	s9 =	smul.u32 $0xF7A, s1;
	s8 =	simm.s32 @!p0 $0x1BF5;
	p2 =	por !p2, p0  }
0x20: {  	[sflag:s8] =	ssyncset.s32 @!p0 $0xFFFFF086;
	s6 =	sadd.s32 @!p0 s3, s7;
	s7 =	simm.s32 @!p0 $0x108  }
0x21: {  	s3 =	sadd.s32 s3, s9;
	s6 =	sadd.s32 @!p0 $0x88, s6;
	s7 =	simm.s32 @p2 $0x1082  }
0x22: {  	[simem:s7], [sflag:s8] =	dma.local @!p0 [hbm:s6], $0xF7A  }
0x23: {  	s9 =	sor.u32 $0xD0000000, s2;
	s6 =	simm.s32 $0x108;
	_ =	swait.ge @!p0 [sflag:s8], $0x0  }
0x24: {  	s3 =	sadd.s32 $0x88, s3;
	s6 =	simm.s32 @!p1 $0x1082;
	[sflag:s4] =	ssyncset.s32 $0xFFFFF086  }
0x25: {  	[simem:s6], [sflag:s4] =	dma.local [hbm:s3], $0xF7A  }
0x26: {  	[smem:$0x3F9E] =	sst s1;
	(tag) =	ssettag s2;
	_ =	strace s9  }
0x27: {  	s1 =	sld [smem:$0x3FAE]  }
0x28: {  	s2 =	sld [smem:$0x3FAF]  }
0x29: {  	s4 =	sld [smem:$0x3FB1]  }
0x2a: {  	p0 =	seq.s32 s5, $0x0;
	s5 =	sld [smem:$0x3FB2]  }
0x2b: {  	s6 =	sld [smem:$0x3FB3]  }
0x2c: {  	s7 =	sld [smem:$0x3FB4]  }
0x2d: {  	s3 =	simm.s32 $0x108;
	s8 =	sld [smem:$0x3FB5]  }
0x2e: {  	s3 =	simm.s32 @!p0 $0x1082;
	s9 =	sld [smem:$0x3FB6]  }
0x2f: {  	lr =	sadd.s32 s0, s3;
	s0 =	sld [smem:$0x3FAD]  }
0x30: {  	s3 =	sld [smem:$0x3FB0]  }
0x31: {  	[smem:$0x3FB9] =	sst s10  }
0x32: {  	s10 =	sld [smem:$0x3FB7];
	_ =	sdelay $0x3  }
0x33: {  	p0 =	seq.s32 s10, $0x1;
	s10 =	sld [smem:$0x3FB9];
	_ =	sdelay $0x3  }
0x34: {  	[smem:$0x3FB9] =	sst s10  }
0x35: {  	s10 =	sld [smem:$0x3FB8];
	_ =	sdelay $0x3  }
0x36: {  	p1 =	seq.s32 s10, $0x1;
	s10 =	sld [smem:$0x3FB9];
	_ =	sdelay $0x3  }
0x37: {  	[smem:$0x3FB9] =	sst s10  }
0x38: {  	s10 =	sld [smem:$0x3FBA]  }
0x39: {  	_ = 	snop;
	(pc) =	sbr.ind lr, $3  }
0x3a: {  	_ = 	snop  }
0x3b: {  	_ = 	snop  }
0x3c: {  	p2 =	seq.s32 s10, $0x1;
	s10 =	sld [smem:$0x3FB9]  }
0x3d: {  	_ =	shalt  }
0x3e: {  	_ =	shalt  }
0x3f: {  	_ =	shalt  }
0x40: {  	_ =	shalt  }
0x41: {  	_ =	shalt  }
0x42: {  	_ =	shalt  }
0x43: {  	_ =	shalt  }
0x44: {  	_ =	shalt  }
0x45: {  	_ =	shalt  }
0x46: {  	_ =	shalt  }
0x47: {  	_ =	shalt  }
0x48: {  	_ =	shalt  }
0x49: {  	_ =	shalt  }
0x4a: {  	_ =	shalt  }
0x4b: {  	_ =	shalt  }
0x4c: {  	_ =	shalt  }
0x4d: {  	_ =	shalt  }
0x4e: {  	_ =	shalt  }
0x4f: {  	_ =	shalt  }
0x50: {  	_ =	shalt  }
0x51: {  	_ =	shalt  }
0x52: {  	_ =	shalt  }
0x53: {  	_ =	shalt  }
0x54: {  	_ =	shalt  }
0x55: {  	_ =	shalt  }
0x56: {  	_ =	shalt  }
0x57: {  	_ =	shalt  }
0x58: {  	_ =	shalt  }
0x59: {  	_ =	shalt  }
0x5a: {  	_ =	shalt  }
0x5b: {  	_ =	shalt  }
0x5c: {  	_ =	shalt  }
0x5d: {  	_ =	shalt  }
0x5e: {  	_ =	shalt  }
0x5f: {  	_ =	shalt  }
0x60: {  	_ =	shalt  }
0x61: {  	_ =	shalt  }
0x62: {  	_ =	shalt  }
0x63: {  	_ =	shalt  }
0x64: {  	_ =	shalt  }
0x65: {  	_ =	shalt  }
0x66: {  	_ =	shalt  }
0x67: {  	_ =	shalt  }
0x68: {  	_ =	shalt  }
0x69: {  	_ =	shalt  }
0x6a: {  	_ =	shalt  }
0x6b: {  	_ =	shalt  }
0x6c: {  	_ =	shalt  }
0x6d: {  	_ =	shalt  }
0x6e: {  	_ =	shalt  }
0x6f: {  	_ =	shalt  }
0x70: {  	_ =	shalt  }
0x71: {  	_ =	shalt  }
0x72: {  	_ =	shalt  }
0x73: {  	_ =	shalt  }
0x74: {  	_ =	shalt  }
0x75: {  	_ =	shalt  }
0x76: {  	_ =	shalt  }
0x77: {  	_ =	shalt  }
0x78: {  	_ =	shalt  }
0x79: {  	_ =	shalt  }
0x7a: {  	_ =	shalt  }
0x7b: {  	_ =	shalt  }
0x7c: {  	_ =	shalt  }
0x7d: {  	_ =	shalt  }
0x7e: {  	_ =	shalt  }
0x7f: {  	_ =	shalt  }
0x80: {  	_ =	shalt  }
0x81: {  	_ =	shalt  }
0x82: {  	_ =	shalt  }
0x83: {  	_ =	shalt  }
0x84: {  	_ =	shalt  }
0x85: {  	_ =	shalt  }
0x86: {  	_ =	shalt  }
0x87: {  	_ =	shalt  }
.Lfunc_end0:
.L_simem_size_0:
called_computation_lowered:
.L_overlay_start_0:
0x88: {  	s2 =	sld [smem:$0x3FD9]  }
0x89: {  	s3 =	sld [smem:$0x3FFE];
	_ =	sdelay $0x1  }
0x8a: {  	s1 =	srdreg.scid  }
0x8b: {  	s0 =	sand.u32 $0x1, s1  }
0x8c: {  	s16 =	sshll.u32 s0, $0xA;
	s2 =	sadd.s32 s3, s2  }
0x8d: {  	s2 =	sadd.s32 s2, s16  }
0x8e: {  	[smem:$0x3FC5] =	sst s2  }
0x8f: {  	_ = 	snop  }
0x90: {  	(tm) =	ssettm $0x1  }
0x91: {  	s17 =	sld [smem:$0x3FFB];
	_ =	sdelay $0x3  }
0x92: {  	_ =	strace s17  }
0x93: {  	s2 =	sld [smem:$0x3FFC];
	_ =	sdelay $0x3  }
0x94: {  	_ =	strace s2  }
0x95: {  	s2 =	sld [smem:$0x3FFD];
	_ =	sdelay $0x3  }
0x96: {  	_ =	strace s2  }
0x97: {  	_ =	strace $0x8FFFFFFF  }
0x98: {  	s18 =	sld [smem:$0x3FDB];
	_ =	sdelay $0x1  }
0x99: {  	s19 =	simm.s32 $_scs_section_size  }
0x9a: {  	s4 =	simm.s32 $_size__tile_overlayer_lowered;
	s5 =	simm.s32 $_tile_overlayer_lowered  }
0x9b: {  	s22 =	simm.s32 $0x1BFF;
	s21 =	sshll.u32 s5, $0x1;
	s2 =	sadd.s32 s19, s18  }
0x9c: {  	s6 =	simm.s32 $0x0;
	s20 =	sshll.u32 s4, $0x1;
	s4 =	sadd.s32 s21, s2  }
0x9d: {  	[timem:s6], [sflag:s22] =	dma.local [hbm:s4], s20  }
0x9e: {  	_ =	swait.ge [sflag:s22], s20  }
0x9f: {  	s3 =	ssub.s32 $0x0, s20;
	[sflag:s22] =	ssyncset.done $0x0  }
0xa0: {  	[sflag:s22] =	ssyncadd.s32 s3;
	_ =	sdelay $0x1  }
0xa1: {  	s23 =	simm.s32 $0x1B8B  }
0xa2: {  	_ =	swait.ge [sflag:s23], $0x1  }
0xa3: {  	[sflag:s23] =	ssyncset.done $0x0  }
0xa4: {  	s25 =	simm.s32 $0x1B8E;
	s24 =	sld [smem:$0x3FFE];
	[sflag:s23] =	ssyncadd.s32 $0xFFFFFFFF  }
0xa5: {  	s26 =	simm.s32 $execute0_lowered;
	[smem:$0x3FD2] =	sst s25  }
0xa6: {  	s4 =	sshll.u32 s26, $0x1;
	_ =	strace $0x80000046;
	[dreg:$0x1] =	wrdreg $0xFFFFFFFF  }
0xa7: {  	s28 =	simm.s32 $_size_execute0_lowered;
	s2 =	sadd.s32 s2, s4;
	[dreg:$0x0] =	wrdreg $0x0  }
0xa8: {  	s4 =	sshll.u32 s28, $0x1;
	[dreg:$0x2] =	wrdreg s2  }
0xa9: {  	[dreg:$0x3] =	wrdreg s4  }
0xaa: {  	[dreg:$0x4] =	wrdreg $0xC0  }
0xab: {  	_ =	task [dreg:s6], $0x5FFFF  }
0xac: {  	[dreg:$0x1] =	wrdreg $0xFFFFFFFF  }
0xad: {  	[dreg:$0x0] =	wrdreg $0x60  }
0xae: {  	[dreg:$0x2] =	wrdreg s24  }
0xaf: {  	[dreg:$0x3] =	wrdreg $0x9  }
0xb0: {  	_ =	task.clear_ibuf [dreg:s6], $0x4FFFF;
	_ =	strace $0x90000046  }
0xb1: {  	s29 =	simm.s32 $0x9;
	_ =	strace $0x80000048  }
0xb2: {  	_ =	swait.ge [sflag:s29], $0x1  }
0xb3: {  	[sflag:s29] =	ssyncadd.s32 $0xFFFFFFFF  }
0xb4: {  	_ =	strace $0x90000048  }
0xb5: {  	_ =	sfence  }
0xb6: {  	s30 =	sld [smem:$0x0];
	_ =	sdelay $0x2  }
0xb7: {  	s31 =	sshll.u32 s1, $0xD;
	s1 =	sshrl.u32 s1, $0x2  }
0xb8: {  	s3 =	sand.u32 $0x4000, s31;
	s1 =	sadd.s32 s1, s30  }
0xb9: {  	s0 =	sor.u32 s3, s0;
	s1 =	sshll.u32 s1, $0x11  }
0xba: {  	s0 =	sor.u32 s1, s0  }
0xbb: {  	s0 =	sadd.s32 $0x8F2B, s0  }
0xbc: {  	[sflag:s0] =	ssyncadd.remote.s32 $0x1  }
0xbd: {  	_ =	sfence.sel $0xFFFF  }
0xbe: {  	[dreg:$0x0] =	wrdreg $0xFFFFFFFF;
	(pc) =	sbr.abs _section_cstart, $3  }
0xbf: {  	[dreg:$0x1] =	wrdreg $0xFFFFFFFF  }
0xc0: {  	_ =	task.clear_ibuf [dreg:s6], $0x2FFFF;
	_ =	strace $0x9FFFFFFF  }
0xc1: {  	(tm) =	ssettm $0x7FFFFFFF  }
tec
execute0_lowered:
.L_overlay_start_1:
0x0: {  	(tag) =	ssettag $0x1  }
0x1: {  	s5 =	rddreg [dreg:$0x0]  }
0x2: {  	s0 =	rddreg [dreg:$0x1]  }
0x3: {  	s3 =	srdreg.scid;
	s1 =	stileid.u32;
	s2 =	simm.s32 $0x0  }
0x4: {  	s11 =	simm.s32 $0x40;
	s12 =	simm.s32 $0x10040;
	s13 =	simm.s32 $0x1  }
0x5: {  	s14 =	simm.s32 $0x800;
	s15 =	simm.s32 $0x1000;
	s16 =	simm.s32 $0x14040  }
0x6: {  	s17 =	simm.s32 $0x0;
	s4 =	sand.u32 $0x1, s3;
	s31 =	sshll.u32 s1, $0x1  }
0x7: {  	[smem:$0x7FF] =	sst s2;
	s3 =	sadd.s32 $0x2E00, s5;
	s6 =	sor.u32 s4, s31  }
0x8: {  	_ =	strace $0x80000047;
	s8 =	ssub.s32 $0x2, s4;
	s4 =	sadd.s32 $0xE00, s5  }
0x9: {  	s7 =	sshll.u32 s6, $0x3;
	s6 =	sshll.u32 s6, $0xB;
	s9 =	sshrl.u32 s8, $0x1  }
0xa: {  	s7 =	sadd.s32 s7, s5;
	s10 =	sadd.s32 s6, s5;
	s8 =	ssub.s32 s8, s9  }
0xb: {  	s9 =	simm.s32 $0x2;
	s5 =	sadd.s32 $0xC00, s7;
	s6 =	sadd.s32 $0x22E00, s10  }
0xc: {  	s7 =	sadd.s32 $0x22F00, s10;
	s8 =	smax.u32 s8, $0x1;
	s10 =	simm.s32 $0x10000  }
.LBB2_1:
0xd: {  	[tilespmem:s2], [sflag:$0x2] =	stream.linear.gather [hbm4b:s4+s2], $0x10000, $0x38;
	[tilespmem:$0x16040] =	vst v63  }
0xe: {  	_ =	swait.ge [sflag:s9], $0x10000  }
0xf: {  	[sflag:s9] =	ssyncset.done $0x0  }
0x10: {  	[sflag:s9] =	ssyncadd.s32 $0xFFFF0000  }
0x11: {  	[tilespmem:s10], [sflag:$0x2] =	stream.linear.gather [hbm4b:s5+s2], $0x40, $0x38;
	[tilespmem:$0x16040] =	vst v63  }
0x12: {  	_ =	swait.ge [sflag:s9], $0x40  }
0x13: {  	[sflag:s9] =	ssyncset.done $0x0  }
0x14: {  	[sflag:s9] =	ssyncadd.s32 $0xFFFFFFC0  }
0x15: {  	[tilespmem:s12], [sflag:$0x1] =	stream.indirect.gather [hbm4b:s3+s11], $0x100, s10, s11, $0xb8;
	[tilespmem:$0x16040] =	vst v63  }
0x16: {  	_ =	swait.ge [sflag:s13], $0x4000  }
0x17: {  	[sflag:s13] =	ssyncset.done $0x0  }
0x18: {  	s18 =	simm.s32 $0x0;
	[sflag:s13] =	ssyncadd.s32 $0xFFFFC000  }
0x19: {  	v0 =	vld [tilespmem:s18+$0xF000]  }
0x1a: {  	v13 =	vld [tilespmem:s18+$0x7000]  }
0x1b: {  	v8 =	vld [tilespmem:s18+$0x9000]  }
0x1c: {  	v10 =	vld [tilespmem:s18+$0xD000]  }
0x1d: {  	v7 =	vld [tilespmem:s18+$0xC000]  }
0x1e: {  	v14 =	vld [tilespmem:s18+$0x2000]  }
0x1f: {  	v15 =	vld [tilespmem:s18+$0xB000]  }
0x20: {  	v16 =	vld [tilespmem:s18+$0x1000]  }
0x21: {  	v17 =	vld [tilespmem:s18+$0x0]  }
0x22: {  	v18 =	vld [tilespmem:s18+$0x8000]  }
0x23: {  	v19 =	vld [tilespmem:s18+$0xA000]  }
0x24: {  	v20 =	vld [tilespmem:s18+$0x3000]  }
0x25: {  	v21 =	vld [tilespmem:s18+$0x4000];
	v1 =	vadd.s32 $0x2B00, v15  }
0x26: {  	v22 =	vld [tilespmem:s18+$0x6000];
	v2 =	vadd.s32 $0xB00, v15  }
0x27: {  	v3 =	vld [tilespmem:s18+$0xE000];
	v5 =	vadd.s32 $0x3B00, v15  }
0x28: {  	v23 =	vld [tilespmem:s18+$0x5000];
	v6 =	vadd.s32 $0x1900, v8;
	v9 =	vadd.s32 $0x3900, v8  }
0x29: {  	v28 =	vadd.s32 $0x3000, v17;
	v59 =	vadd.s32 $0x2000, v17;
	v33 =	vadd.s32 $0x1000, v17;
	v17 =	vld.idx.msk [tilespmem:v17+s12+$0x0], $0xffff  }
0x2a: {  	v12 =	vadd.s32 $0x2A00, v19;
	v1 =	vld.idx.msk [tilespmem:v1+s12+$0x0], $0xffff  }
0x2b: {  	v24 =	vadd.s32 $0x2900, v8;
	v4 =	vld.idx.msk [tilespmem:v2+s12+$0x0], $0xffff  }
0x2c: {  	v25 =	vadd.s32 $0x1800, v18;
	v2 =	vld.idx.msk [tilespmem:v5+s12+$0x0], $0xffff  }
0x2d: {  	v26 =	vadd.s32 $0x800, v18;
	v11 =	vld.idx.msk [tilespmem:v6+s12+$0x0], $0xffff  }
0x2e: {  	v27 =	vadd.s32 $0xA00, v19;
	v6 =	vld.idx.msk [tilespmem:v9+s12+$0x0], $0xffff  }
0x2f: {  	v5 =	vld.idx.msk [tilespmem:v12+s12+$0x0], $0xffff  }
0x30: {  	v29 =	vadd.s32 $0x3A00, v19;
	v9 =	vld.idx.msk [tilespmem:v24+s12+$0x0], $0xffff  }
0x31: {  	v56 =	vadd.s32 $0x900, v8;
	v25 =	vld.idx.msk [tilespmem:v25+s12+$0x0], $0xffff  }
0x32: {  	v30 =	vadd.s32 $0x1700, v13;
	v26 =	vld.idx.msk [tilespmem:v26+s12+$0x0], $0xffff  }
0x33: {  	v31 =	vadd.s32 $0x2100, v16;
	v12 =	vld.idx.msk [tilespmem:v27+s12+$0x0], $0xffff  }
0x34: {  	v19 =	vadd.s32 $0x1A00, v19;
	v57 =	vld.idx.msk [tilespmem:v28+s12+$0x0], $0xffff  }
0x35: {  	v58 =	vadd.s32 $0x100, v16;
	v8 =	vld.idx.msk [tilespmem:v29+s12+$0x0], $0xffff  }
0x36: {  	v24 =	vld.idx.msk [tilespmem:v56+s12+$0x0], $0xffff  }
0x37: {  	v32 =	vadd.s32 $0x1100, v16;
	v30 =	vld.idx.msk [tilespmem:v30+s12+$0x0], $0xffff  }
0x38: {  	v31 =	vld.idx.msk [tilespmem:v31+s12+$0x0], $0xffff  }
0x39: {  	v16 =	vadd.s32 $0x3100, v16;
	v34 =	vld.idx.msk [tilespmem:v19+s12+$0x0], $0xffff  }
0x3a: {  	v60 =	vadd.s32 $0x3700, v13;
	v19 =	vld.idx.msk [tilespmem:v58+s12+$0x0], $0xffff  }
0x3b: {  	v35 =	vadd.s32 $0x3200, v14;
	v29 =	vld.idx.msk [tilespmem:v59+s12+$0x0], $0xffff  }
0x3c: {  	v36 =	vadd.s32 $0x2700, v13;
	v32 =	vld.idx.msk [tilespmem:v32+s12+$0x0], $0xffff  }
0x3d: {  	v37 =	vadd.s32 $0x200, v14;
	v33 =	vld.idx.msk [tilespmem:v33+s12+$0x0], $0xffff  }
0x3e: {  	v38 =	vadd.s32 $0x2200, v14;
	v16 =	vld.idx.msk [tilespmem:v16+s12+$0x0], $0xffff  }
0x3f: {  	v14 =	vadd.s32 $0x1200, v14;
	v28 =	vld.idx.msk [tilespmem:v60+s12+$0x0], $0xffff  }
0x40: {  	v39 =	vadd.s32 $0x300, v20;
	v35 =	vld.idx.msk [tilespmem:v35+s12+$0x0], $0xffff  }
0x41: {  	v40 =	vadd.s32 $0x1300, v20;
	v36 =	vld.idx.msk [tilespmem:v36+s12+$0x0], $0xffff  }
0x42: {  	v41 =	vadd.s32 $0x2300, v20;
	v37 =	vld.idx.msk [tilespmem:v37+s12+$0x0], $0xffff  }
0x43: {  	v20 =	vadd.s32 $0x3300, v20;
	v38 =	vld.idx.msk [tilespmem:v38+s12+$0x0], $0xffff  }
0x44: {  	v42 =	vadd.s32 $0x400, v21;
	v14 =	vld.idx.msk [tilespmem:v14+s12+$0x0], $0xffff  }
0x45: {  	v43 =	vadd.s32 $0x1400, v21;
	v39 =	vld.idx.msk [tilespmem:v39+s12+$0x0], $0xffff  }
0x46: {  	v44 =	vadd.s32 $0x2400, v21;
	v40 =	vld.idx.msk [tilespmem:v40+s12+$0x0], $0xffff  }
0x47: {  	v21 =	vadd.s32 $0x3400, v21;
	v41 =	vld.idx.msk [tilespmem:v41+s12+$0x0], $0xffff  }
0x48: {  	v45 =	vadd.s32 $0x500, v23;
	v20 =	vld.idx.msk [tilespmem:v20+s12+$0x0], $0xffff  }
0x49: {  	v46 =	vadd.s32 $0x1500, v23;
	v42 =	vld.idx.msk [tilespmem:v42+s12+$0x0], $0xffff  }
0x4a: {  	v47 =	vadd.s32 $0x2500, v23;
	v43 =	vld.idx.msk [tilespmem:v43+s12+$0x0], $0xffff  }
0x4b: {  	v48 =	vadd.s32 $0x600, v22;
	v44 =	vld.idx.msk [tilespmem:v44+s12+$0x0], $0xffff  }
0x4c: {  	v49 =	vadd.s32 $0x1600, v22;
	v21 =	vld.idx.msk [tilespmem:v21+s12+$0x0], $0xffff  }
0x4d: {  	v50 =	vadd.s32 $0x2600, v22;
	v45 =	vld.idx.msk [tilespmem:v45+s12+$0x0], $0xffff  }
0x4e: {  	v22 =	vadd.s32 $0x3600, v22;
	v46 =	vld.idx.msk [tilespmem:v46+s12+$0x0], $0xffff  }
0x4f: {  	v13 =	vadd.s32 $0x700, v13;
	v61 =	vld.idx.msk [tilespmem:v47+s12+$0x0], $0xffff;
	v32 =	vadd.f32 v32, v33  }
0x50: {  	v23 =	vadd.s32 $0x3500, v23;
	v62 =	vadd.s32 $0x3800, v18;
	v63 =	vld.idx.msk [tilespmem:v48+s12+$0x0], $0xffff;
	v17 =	vadd.f32 v19, v17  }
0x51: {  	v18 =	vadd.s32 $0x2800, v18;
	v47 =	vld.idx.msk [tilespmem:v49+s12+$0x0], $0xffff;
	v29 =	vadd.f32 v31, v29;
	v14 =	vadd.f32 v14, v32  }
0x52: {  	v15 =	vadd.s32 $0x1B00, v15;
	v48 =	vld.idx.msk [tilespmem:v50+s12+$0x0], $0xffff;
	v16 =	vadd.f32 v16, v57;
	v17 =	vadd.f32 v37, v17  }
0x53: {  	v22 =	vld.idx.msk [tilespmem:v22+s12+$0x0], $0xffff;
	v49 =	vadd.s32 $0x2C00, v7;
	v29 =	vadd.f32 v38, v29;
	v14 =	vadd.f32 v40, v14  }
0x54: {  	v13 =	vld.idx.msk [tilespmem:v13+s12+$0x0], $0xffff;
	v50 =	vadd.s32 $0x1C00, v7;
	v16 =	vadd.f32 v35, v16;
	v17 =	vadd.f32 v39, v17  }
0x55: {  	v51 =	vadd.s32 $0x2D00, v10;
	v19 =	vld.idx.msk [tilespmem:v23+s12+$0x0], $0xffff;
	v29 =	vadd.f32 v41, v29;
	v14 =	vadd.f32 v43, v14  }
0x56: {  	v52 =	vadd.s32 $0x1D00, v10;
	v18 =	vld.idx.msk [tilespmem:v18+s12+$0x0], $0xffff;
	v16 =	vadd.f32 v20, v16;
	v17 =	vadd.f32 v42, v17  }
0x57: {  	v53 =	vadd.s32 $0xD00, v10;
	v54 =	vld.idx.msk [tilespmem:v15+s12+$0x0], $0xffff;
	v29 =	vadd.f32 v44, v29;
	v14 =	vadd.f32 v46, v14  }
0x58: {  	v10 =	vadd.s32 $0x3D00, v10;
	v55 =	vld.idx.msk [tilespmem:v49+s12+$0x0], $0xffff;
	v16 =	vadd.f32 v21, v16;
	v17 =	vadd.f32 v45, v17  }
0x59: {  	v56 =	vadd.s32 $0xC00, v7;
	v57 =	vld.idx.msk [tilespmem:v50+s12+$0x0], $0xffff;
	v15 =	vadd.f32 v61, v29;
	v14 =	vadd.f32 v47, v14  }
0x5a: {  	v7 =	vadd.s32 $0x3C00, v7;
	v20 =	vld.idx.msk [tilespmem:v62+s12+$0x0], $0xffff;
	v16 =	vadd.f32 v19, v16;
	v17 =	vadd.f32 v63, v17  }
0x5b: {  	v19 =	vld.idx.msk [tilespmem:v51+s12+$0x0], $0xffff;
	v15 =	vadd.f32 v48, v15;
	v14 =	vadd.f32 v30, v14  }
0x5c: {  	v58 =	vadd.s32 $0x1E00, v3;
	v22 =	vadd.f32 v22, v16;
	v16 =	vld.idx.msk [tilespmem:v53+s12+$0x0], $0xffff;
	v13 =	vadd.f32 v13, v17  }
0x5d: {  	v60 =	vadd.s32 $0x2E00, v3;
	v17 =	vld.idx.msk [tilespmem:v52+s12+$0x0], $0xffff;
	v59 =	vadd.f32 v36, v15;
	v14 =	vadd.f32 v25, v14  }
0x5e: {  	v61 =	vadd.s32 $0xE00, v3;
	v22 =	vadd.f32 v28, v22;
	v15 =	vld.idx.msk [tilespmem:v10+s12+$0x0], $0xffff;
	v13 =	vadd.f32 v26, v13  }
0x5f: {  	v62 =	vadd.s32 $0x2F00, v0;
	v10 =	vld.idx.msk [tilespmem:v7+s12+$0x0], $0xffff;
	v18 =	vadd.f32 v18, v59;
	v11 =	vadd.f32 v11, v14  }
0x60: {  	v63 =	vadd.s32 $0x3F00, v0;
	v20 =	vadd.f32 v20, v22;
	v14 =	vld.idx.msk [tilespmem:v56+s12+$0x0], $0xffff;
	v13 =	vadd.f32 v24, v13  }
0x61: {  	v7 =	vadd.f32 v9, v18;
	v9 =	vld.idx.msk [tilespmem:v58+s12+$0x0], $0xffff;
	v18 =	vadd.s32 $0x1F00, v0;
	v11 =	vadd.f32 v34, v11  }
0x62: {  	v20 =	vadd.f32 v6, v20;
	v6 =	vld.idx.msk [tilespmem:v60+s12+$0x0], $0xffff;
	v12 =	vadd.f32 v12, v13;
	v13 =	vadd.s32 $0x3E00, v3  }
0x63: {  	v0 =	vadd.s32 $0xF00, v0;
	v3 =	vadd.f32 v5, v7;
	v7 =	vld.idx.msk [tilespmem:v61+s12+$0x0], $0xffff;
	v11 =	vadd.f32 v54, v11  }
0x64: {  	v8 =	vadd.f32 v8, v20;
	v5 =	vld.idx.msk [tilespmem:v62+s12+$0x0], $0xffff;
	v4 =	vadd.f32 v4, v12  }
0x65: {  	v12 =	vadd.f32 v1, v3;
	v1 =	vld.idx.msk [tilespmem:v63+s12+$0x0], $0xffff;
	v20 =	vadd.f32 v57, v11  }
0x66: {  	v11 =	vadd.f32 v2, v8;
	v3 =	vadd.f32 v14, v4;
	v2 =	vld.idx.msk [tilespmem:v18+s12+$0x0], $0xffff  }
0x67: {  	s19 =	simm.s32 $0x40;
	v12 =	vadd.f32 v55, v12;
	v4 =	vld.idx.msk [tilespmem:v13+s12+$0x0], $0xffff;
	v8 =	vadd.f32 v17, v20  }
.LBB2_2:
0x68: {  	s20 =	sshra.s32 s19, $0x2;
	p0 =	sne.s32 s19, $0x1FC0;
	s19 =	sadd.s32 $0x40, s19;
	v10 =	vadd.f32 v10, v11;
	v11 =	vld.idx.msk [tilespmem:v0+s12+$0x0], $0xffff  }
0x69: {  	v0 =	vld [tilespmem:s20+$0xF000];
	v12 =	vadd.f32 v19, v12  }
0x6a: {  	v8 =	vadd.f32 v9, v8;
	v19 =	vld [tilespmem:s20+$0x7000];
	v10 =	vadd.f32 v15, v10  }
0x6b: {  	v9 =	vadd.f32 v16, v3;
	v13 =	vld [tilespmem:s20+$0x9000]  }
0x6c: {  	v12 =	vadd.f32 v6, v12;
	v2 =	vadd.f32 v2, v8;
	v3 =	vld [tilespmem:s20+$0xD000]  }
0x6d: {  	v7 =	vadd.f32 v7, v9;
	v4 =	vadd.f32 v4, v10;
	v6 =	vld [tilespmem:s20+$0xC000]  }
0x6e: {  	v5 =	vadd.f32 v5, v12;
	v14 =	vld [tilespmem:s20+$0x2000];
	[tilespmem:s18+$0x14840] =	vst v2  }
0x6f: {  	v2 =	vadd.f32 v11, v7;
	v1 =	vadd.f32 v1, v4;
	v9 =	vld [tilespmem:s20+$0xB000]  }
0x70: {  	v18 =	vld [tilespmem:s20+$0x1000];
	[tilespmem:s18+$0x15040] =	vst v5  }
0x71: {  	v20 =	vld [tilespmem:s20+$0x0];
	[tilespmem:s18+$0x15840] =	vst v1  }
0x72: {  	v21 =	vld [tilespmem:s20+$0x8000];
	[tilespmem:s18+$0x14040] =	vst v2;
	s18 =	smov.u32 s20  }
0x73: {  	v1 =	vld [tilespmem:s18+$0xA000]  }
0x74: {  	v7 =	vld [tilespmem:s18+$0x3000];
	v4 =	vadd.s32 $0xB00, v9;
	v5 =	vadd.s32 $0x2B00, v9;
	v8 =	vadd.s32 $0x3B00, v9  }
0x75: {  	v23 =	vadd.s32 $0x2700, v19;
	v24 =	vadd.s32 $0x3700, v19;
	v22 =	vadd.s32 $0x3100, v18;
	v15 =	vld [tilespmem:s18+$0x4000]  }
0x76: {  	v17 =	vadd.s32 $0x900, v13;
	v11 =	vadd.s32 $0x2900, v13;
	v16 =	vadd.s32 $0x3900, v13;
	v25 =	vld [tilespmem:s18+$0x6000]  }
0x77: {  	v26 =	vadd.s32 $0x1700, v19;
	v10 =	vadd.s32 $0x1900, v13;
	v12 =	vadd.s32 $0x2800, v21;
	v2 =	vld [tilespmem:s18+$0xE000]  }
0x78: {  	v27 =	vld [tilespmem:s18+$0x5000];
	v28 =	vadd.s32 $0x1A00, v1;
	v13 =	vadd.s32 $0x2A00, v1;
	v29 =	vadd.s32 $0x3A00, v1  }
0x79: {  	v31 =	vadd.s32 $0x1800, v21;
	v32 =	vadd.s32 $0xA00, v1;
	v30 =	vadd.s32 $0x300, v7;
	v1 =	vld.idx.msk [tilespmem:v5+s12+$0x0], $0xffff  }
0x7a: {  	v34 =	vadd.s32 $0x800, v21;
	v33 =	vadd.s32 $0x1300, v7;
	v5 =	vld.idx.msk [tilespmem:v4+s12+$0x0], $0xffff  }
0x7b: {  	v35 =	vadd.s32 $0x2300, v7;
	v4 =	vld.idx.msk [tilespmem:v8+s12+$0x0], $0xffff  }
0x7c: {  	v36 =	vadd.s32 $0x1200, v14;
	v37 =	vadd.s32 $0x3300, v7;
	v10 =	vld.idx.msk [tilespmem:v10+s12+$0x0], $0xffff  }
0x7d: {  	v38 =	vadd.s32 $0x2200, v14;
	v39 =	vadd.s32 $0x400, v15;
	v8 =	vld.idx.msk [tilespmem:v16+s12+$0x0], $0xffff  }
0x7e: {  	v40 =	vadd.s32 $0x3000, v20;
	v41 =	vadd.s32 $0x1400, v15;
	v7 =	vld.idx.msk [tilespmem:v13+s12+$0x0], $0xffff  }
0x7f: {  	v42 =	vadd.s32 $0x2400, v15;
	v11 =	vld.idx.msk [tilespmem:v11+s12+$0x0], $0xffff  }
0x80: {  	v43 =	vadd.s32 $0x3200, v14;
	v44 =	vadd.s32 $0x3400, v15;
	v16 =	vld.idx.msk [tilespmem:v31+s12+$0x0], $0xffff  }
0x81: {  	v45 =	vadd.s32 $0x500, v27;
	v31 =	vadd.s32 $0x200, v14;
	v15 =	vld.idx.msk [tilespmem:v34+s12+$0x0], $0xffff  }
0x82: {  	v46 =	vadd.s32 $0x1500, v27;
	v34 =	vadd.s32 $0x2100, v18;
	v13 =	vld.idx.msk [tilespmem:v32+s12+$0x0], $0xffff  }
0x83: {  	v32 =	vld.idx.msk [tilespmem:v40+s12+$0x0], $0xffff;
	v40 =	vadd.s32 $0x2500, v27  }
0x84: {  	v47 =	vadd.s32 $0x100, v18;
	v27 =	vadd.s32 $0x3500, v27;
	v14 =	vld.idx.msk [tilespmem:v29+s12+$0x0], $0xffff  }
0x85: {  	v29 =	vadd.s32 $0x600, v25;
	v17 =	vld.idx.msk [tilespmem:v17+s12+$0x0], $0xffff  }
0x86: {  	v48 =	vadd.s32 $0x2000, v20;
	v49 =	vadd.s32 $0x1600, v25;
	v26 =	vld.idx.msk [tilespmem:v26+s12+$0x0], $0xffff  }
0x87: {  	v50 =	vadd.s32 $0x1100, v18;
	v51 =	vadd.s32 $0x2600, v25;
	v34 =	vld.idx.msk [tilespmem:v34+s12+$0x0], $0xffff  }
0x88: {  	v52 =	vadd.s32 $0x1000, v20;
	v25 =	vadd.s32 $0x3600, v25;
	v18 =	vld.idx.msk [tilespmem:v28+s12+$0x0], $0xffff  }
0x89: {  	v19 =	vadd.s32 $0x700, v19;
	v28 =	vld.idx.msk [tilespmem:v47+s12+$0x0], $0xffff  }
0x8a: {  	v20 =	vld.idx.msk [tilespmem:v20+s12+$0x0], $0xffff  }
0x8b: {  	v47 =	vld.idx.msk [tilespmem:v48+s12+$0x0], $0xffff  }
0x8c: {  	v21 =	vadd.s32 $0x3800, v21;
	v48 =	vld.idx.msk [tilespmem:v50+s12+$0x0], $0xffff  }
0x8d: {  	v50 =	vld.idx.msk [tilespmem:v52+s12+$0x0], $0xffff  }
0x8e: {  	v22 =	vld.idx.msk [tilespmem:v22+s12+$0x0], $0xffff  }
0x8f: {  	v24 =	vld.idx.msk [tilespmem:v24+s12+$0x0], $0xffff  }
0x90: {  	v20 =	vadd.f32 v28, v20;
	v28 =	vld.idx.msk [tilespmem:v43+s12+$0x0], $0xffff  }
0x91: {  	v34 =	vadd.f32 v34, v47;
	v23 =	vld.idx.msk [tilespmem:v23+s12+$0x0], $0xffff  }
0x92: {  	v31 =	vld.idx.msk [tilespmem:v31+s12+$0x0], $0xffff  }
0x93: {  	v43 =	vadd.f32 v48, v50;
	v38 =	vld.idx.msk [tilespmem:v38+s12+$0x0], $0xffff  }
0x94: {  	v22 =	vadd.f32 v22, v32;
	v32 =	vld.idx.msk [tilespmem:v36+s12+$0x0], $0xffff  }
0x95: {  	v30 =	vld.idx.msk [tilespmem:v30+s12+$0x0], $0xffff  }
0x96: {  	v22 =	vadd.f32 v28, v22;
	v28 =	vld.idx.msk [tilespmem:v33+s12+$0x0], $0xffff  }
0x97: {  	v33 =	vld.idx.msk [tilespmem:v35+s12+$0x0], $0xffff  }
0x98: {  	v35 =	vld.idx.msk [tilespmem:v37+s12+$0x0], $0xffff  }
0x99: {  	v36 =	vld.idx.msk [tilespmem:v39+s12+$0x0], $0xffff  }
0x9a: {  	v32 =	vadd.f32 v32, v43;
	v39 =	vadd.s32 $0xC00, v6;
	v37 =	vld.idx.msk [tilespmem:v41+s12+$0x0], $0xffff  }
0x9b: {  	v41 =	vld.idx.msk [tilespmem:v42+s12+$0x0], $0xffff;
	v42 =	vadd.s32 $0x3D00, v3  }
0x9c: {  	v43 =	vadd.s32 $0xD00, v3;
	v28 =	vadd.f32 v28, v32;
	v32 =	vld.idx.msk [tilespmem:v44+s12+$0x0], $0xffff  }
0x9d: {  	v44 =	vld.idx.msk [tilespmem:v45+s12+$0x0], $0xffff  }
0x9e: {  	v22 =	vadd.f32 v35, v22;
	v35 =	vld.idx.msk [tilespmem:v46+s12+$0x0], $0xffff  }
0x9f: {  	v40 =	vld.idx.msk [tilespmem:v40+s12+$0x0], $0xffff  }
0xa0: {  	v20 =	vadd.f32 v31, v20;
	v31 =	vadd.f32 v38, v34;
	v27 =	vld.idx.msk [tilespmem:v27+s12+$0x0], $0xffff  }
0xa1: {  	v34 =	vadd.s32 $0x3C00, v6;
	v28 =	vadd.f32 v37, v28;
	v29 =	vld.idx.msk [tilespmem:v29+s12+$0x0], $0xffff  }
0xa2: {  	v20 =	vadd.f32 v30, v20;
	v30 =	vadd.f32 v33, v31;
	v31 =	vld.idx.msk [tilespmem:v49+s12+$0x0], $0xffff  }
0xa3: {  	v9 =	vadd.s32 $0x1B00, v9;
	v33 =	vld.idx.msk [tilespmem:v51+s12+$0x0], $0xffff  }
0xa4: {  	v20 =	vadd.f32 v36, v20;
	v36 =	vadd.s32 $0x2C00, v6;
	v30 =	vadd.f32 v41, v30;
	v25 =	vld.idx.msk [tilespmem:v25+s12+$0x0], $0xffff  }
0xa5: {  	v6 =	vadd.s32 $0x1C00, v6;
	v22 =	vadd.f32 v32, v22;
	v28 =	vadd.f32 v35, v28;
	v32 =	vld.idx.msk [tilespmem:v19+s12+$0x0], $0xffff  }
0xa6: {  	v19 =	vadd.f32 v44, v20;
	v20 =	vadd.f32 v40, v30;
	v30 =	vadd.s32 $0x2D00, v3;
	v21 =	vld.idx.msk [tilespmem:v21+s12+$0x0], $0xffff  }
0xa7: {  	v22 =	vadd.f32 v27, v22;
	v3 =	vadd.s32 $0x1D00, v3;
	v12 =	vld.idx.msk [tilespmem:v12+s12+$0x0], $0xffff  }
0xa8: {  	v27 =	vadd.f32 v29, v19;
	v29 =	vld.idx.msk [tilespmem:v9+s12+$0x0], $0xffff  }
0xa9: {  	v9 =	vadd.f32 v31, v28;
	v28 =	vld.idx.msk [tilespmem:v36+s12+$0x0], $0xffff  }
0xaa: {  	v20 =	vadd.f32 v33, v20;
	v31 =	vld.idx.msk [tilespmem:v6+s12+$0x0], $0xffff  }
0xab: {  	v6 =	vadd.f32 v25, v22;
	v9 =	vadd.f32 v26, v9;
	v19 =	vld.idx.msk [tilespmem:v30+s12+$0x0], $0xffff  }
0xac: {  	v22 =	vadd.f32 v32, v27;
	v20 =	vadd.f32 v23, v20;
	v23 =	vld.idx.msk [tilespmem:v3+s12+$0x0], $0xffff;
	v3 =	vadd.s32 $0x1E00, v2  }
0xad: {  	v6 =	vadd.f32 v24, v6;
	v9 =	vadd.f32 v16, v9;
	v24 =	vadd.s32 $0x2E00, v2;
	v16 =	vld.idx.msk [tilespmem:v43+s12+$0x0], $0xffff  }
0xae: {  	v22 =	vadd.f32 v15, v22;
	v12 =	vadd.f32 v12, v20;
	v20 =	vadd.s32 $0xE00, v2;
	v15 =	vld.idx.msk [tilespmem:v42+s12+$0x0], $0xffff  }
0xaf: {  	v25 =	vadd.s32 $0x2F00, v0;
	v6 =	vadd.f32 v21, v6;
	v9 =	vadd.f32 v10, v9;
	v21 =	vld.idx.msk [tilespmem:v39+s12+$0x0], $0xffff  }
0xb0: {  	v17 =	vadd.f32 v17, v22;
	v11 =	vadd.f32 v11, v12;
	v12 =	vadd.s32 $0x3F00, v0;
	v10 =	vld.idx.msk [tilespmem:v34+s12+$0x0], $0xffff  }
0xb1: {  	v22 =	vadd.s32 $0x1F00, v0;
	v8 =	vadd.f32 v8, v6;
	v18 =	vadd.f32 v18, v9;
	v9 =	vld.idx.msk [tilespmem:v3+s12+$0x0], $0xffff  }
0xb2: {  	v11 =	vadd.f32 v7, v11;
	v3 =	vadd.f32 v13, v17;
	v13 =	vadd.s32 $0x3E00, v2;
	v6 =	vld.idx.msk [tilespmem:v24+s12+$0x0], $0xffff  }
.Ltmp0:
0xb3: {  	v0 =	vadd.s32 $0xF00, v0;
	v2 =	vadd.f32 v14, v8;
	v8 =	vadd.f32 v29, v18;
	v7 =	vld.idx.msk [tilespmem:v20+s12+$0x0], $0xffff;
	(pc) =	sbr.rel @p0 .LBB2_2-.Ltmp0, $4  }
0xb4: {  	v3 =	vadd.f32 v5, v3;
	v5 =	vld.idx.msk [tilespmem:v25+s12+$0x0], $0xffff  }
0xb5: {  	v14 =	vadd.f32 v1, v11;
	v8 =	vadd.f32 v31, v8;
	v1 =	vld.idx.msk [tilespmem:v12+s12+$0x0], $0xffff  }
0xb6: {  	v11 =	vadd.f32 v4, v2;
	v3 =	vadd.f32 v21, v3;
	v2 =	vld.idx.msk [tilespmem:v22+s12+$0x0], $0xffff  }
0xb7: {  	v12 =	vadd.f32 v28, v14;
	v8 =	vadd.f32 v23, v8;
	v4 =	vld.idx.msk [tilespmem:v13+s12+$0x0], $0xffff  }
0xb8: {  	_ =	sdelay $0x3  }
0xb9: {  	v10 =	vadd.f32 v10, v11;
	v0 =	vld.idx.msk [tilespmem:v0+s12+$0x0], $0xffff;
	v11 =	vadd.f32 v19, v12  }
0xba: {  	v3 =	vadd.f32 v16, v3;
	v8 =	vadd.f32 v9, v8  }
0xbb: {  	v10 =	vadd.f32 v15, v10;
	v6 =	vadd.f32 v6, v11  }
0xbc: {  	v3 =	vadd.f32 v7, v3;
	v2 =	vadd.f32 v2, v8  }
0xbd: {  	v4 =	vadd.f32 v4, v10;
	v5 =	vadd.f32 v5, v6  }
0xbe: {  	[tilespmem:s18+$0x14840] =	vst v2;
	v0 =	vadd.f32 v0, v3  }
0xbf: {  	v1 =	vadd.f32 v1, v4;
	[tilespmem:s18+$0x15040] =	vst v5  }
0xc0: {  	[tilespmem:s18+$0x14040] =	vst v0  }
0xc1: {  	[tilespmem:s18+$0x15840] =	vst v1  }
0xc2: {  	[hbm4b:s6+s14] =	stream.strided.scatter [tilespmem:s16], [sflag:$0x2], $0x2000, s15, s14, $0x38;
	[tilespmem:$0x16040] =	vst v63  }
0xc3: {  	_ =	swait.ge [sflag:s9], $0x2000  }
0xc4: {  	[sflag:s9] =	ssyncset.done $0x0  }
0xc5: {  	s18 =	simm.s32 $0x0;
	[sflag:s9] =	ssyncadd.s32 $0xFFFFE000  }
0xc6: {  	v0 =	vld [tilespmem:s18+$0xF800]  }
0xc7: {  	v13 =	vld [tilespmem:s18+$0x7800]  }
0xc8: {  	v8 =	vld [tilespmem:s18+$0x9800]  }
0xc9: {  	v10 =	vld [tilespmem:s18+$0xD800]  }
0xca: {  	v7 =	vld [tilespmem:s18+$0xC800]  }
0xcb: {  	v14 =	vld [tilespmem:s18+$0x2800]  }
0xcc: {  	v15 =	vld [tilespmem:s18+$0xB800]  }
0xcd: {  	v16 =	vld [tilespmem:s18+$0x1800]  }
0xce: {  	v17 =	vld [tilespmem:s18+$0x800]  }
0xcf: {  	v18 =	vld [tilespmem:s18+$0x8800]  }
0xd0: {  	v19 =	vld [tilespmem:s18+$0xA800]  }
0xd1: {  	v20 =	vld [tilespmem:s18+$0x3800]  }
0xd2: {  	v21 =	vld [tilespmem:s18+$0x4800];
	v1 =	vadd.s32 $0x2B00, v15  }
0xd3: {  	v22 =	vld [tilespmem:s18+$0x6800];
	v2 =	vadd.s32 $0xB00, v15  }
0xd4: {  	v3 =	vld [tilespmem:s18+$0xE800];
	v5 =	vadd.s32 $0x3B00, v15  }
0xd5: {  	v23 =	vld [tilespmem:s18+$0x5800];
	v6 =	vadd.s32 $0x1900, v8;
	v9 =	vadd.s32 $0x3900, v8  }
0xd6: {  	v28 =	vadd.s32 $0x3000, v17;
	v59 =	vadd.s32 $0x2000, v17;
	v33 =	vadd.s32 $0x1000, v17;
	v17 =	vld.idx.msk [tilespmem:v17+s12+$0x0], $0xffff  }
0xd7: {  	v12 =	vadd.s32 $0x2A00, v19;
	v1 =	vld.idx.msk [tilespmem:v1+s12+$0x0], $0xffff  }
0xd8: {  	v24 =	vadd.s32 $0x2900, v8;
	v4 =	vld.idx.msk [tilespmem:v2+s12+$0x0], $0xffff  }
0xd9: {  	v25 =	vadd.s32 $0x1800, v18;
	v2 =	vld.idx.msk [tilespmem:v5+s12+$0x0], $0xffff  }
0xda: {  	v26 =	vadd.s32 $0x800, v18;
	v11 =	vld.idx.msk [tilespmem:v6+s12+$0x0], $0xffff  }
0xdb: {  	v27 =	vadd.s32 $0xA00, v19;
	v6 =	vld.idx.msk [tilespmem:v9+s12+$0x0], $0xffff  }
0xdc: {  	v5 =	vld.idx.msk [tilespmem:v12+s12+$0x0], $0xffff  }
0xdd: {  	v29 =	vadd.s32 $0x3A00, v19;
	v9 =	vld.idx.msk [tilespmem:v24+s12+$0x0], $0xffff  }
0xde: {  	v56 =	vadd.s32 $0x900, v8;
	v25 =	vld.idx.msk [tilespmem:v25+s12+$0x0], $0xffff  }
0xdf: {  	v30 =	vadd.s32 $0x1700, v13;
	v26 =	vld.idx.msk [tilespmem:v26+s12+$0x0], $0xffff  }
0xe0: {  	v31 =	vadd.s32 $0x2100, v16;
	v12 =	vld.idx.msk [tilespmem:v27+s12+$0x0], $0xffff  }
0xe1: {  	v19 =	vadd.s32 $0x1A00, v19;
	v57 =	vld.idx.msk [tilespmem:v28+s12+$0x0], $0xffff  }
0xe2: {  	v58 =	vadd.s32 $0x100, v16;
	v8 =	vld.idx.msk [tilespmem:v29+s12+$0x0], $0xffff  }
0xe3: {  	v24 =	vld.idx.msk [tilespmem:v56+s12+$0x0], $0xffff  }
0xe4: {  	v32 =	vadd.s32 $0x1100, v16;
	v30 =	vld.idx.msk [tilespmem:v30+s12+$0x0], $0xffff  }
0xe5: {  	v31 =	vld.idx.msk [tilespmem:v31+s12+$0x0], $0xffff  }
0xe6: {  	v16 =	vadd.s32 $0x3100, v16;
	v34 =	vld.idx.msk [tilespmem:v19+s12+$0x0], $0xffff  }
0xe7: {  	v60 =	vadd.s32 $0x3700, v13;
	v19 =	vld.idx.msk [tilespmem:v58+s12+$0x0], $0xffff  }
0xe8: {  	v35 =	vadd.s32 $0x3200, v14;
	v29 =	vld.idx.msk [tilespmem:v59+s12+$0x0], $0xffff  }
0xe9: {  	v36 =	vadd.s32 $0x2700, v13;
	v32 =	vld.idx.msk [tilespmem:v32+s12+$0x0], $0xffff  }
0xea: {  	v37 =	vadd.s32 $0x200, v14;
	v33 =	vld.idx.msk [tilespmem:v33+s12+$0x0], $0xffff  }
0xeb: {  	v38 =	vadd.s32 $0x2200, v14;
	v16 =	vld.idx.msk [tilespmem:v16+s12+$0x0], $0xffff  }
0xec: {  	v14 =	vadd.s32 $0x1200, v14;
	v28 =	vld.idx.msk [tilespmem:v60+s12+$0x0], $0xffff  }
0xed: {  	v39 =	vadd.s32 $0x300, v20;
	v35 =	vld.idx.msk [tilespmem:v35+s12+$0x0], $0xffff  }
0xee: {  	v40 =	vadd.s32 $0x1300, v20;
	v36 =	vld.idx.msk [tilespmem:v36+s12+$0x0], $0xffff  }
0xef: {  	v41 =	vadd.s32 $0x2300, v20;
	v37 =	vld.idx.msk [tilespmem:v37+s12+$0x0], $0xffff  }
0xf0: {  	v20 =	vadd.s32 $0x3300, v20;
	v38 =	vld.idx.msk [tilespmem:v38+s12+$0x0], $0xffff  }
0xf1: {  	v42 =	vadd.s32 $0x400, v21;
	v14 =	vld.idx.msk [tilespmem:v14+s12+$0x0], $0xffff  }
0xf2: {  	v43 =	vadd.s32 $0x1400, v21;
	v39 =	vld.idx.msk [tilespmem:v39+s12+$0x0], $0xffff  }
0xf3: {  	v44 =	vadd.s32 $0x2400, v21;
	v40 =	vld.idx.msk [tilespmem:v40+s12+$0x0], $0xffff  }
0xf4: {  	v21 =	vadd.s32 $0x3400, v21;
	v41 =	vld.idx.msk [tilespmem:v41+s12+$0x0], $0xffff  }
0xf5: {  	v45 =	vadd.s32 $0x500, v23;
	v20 =	vld.idx.msk [tilespmem:v20+s12+$0x0], $0xffff  }
0xf6: {  	v46 =	vadd.s32 $0x1500, v23;
	v42 =	vld.idx.msk [tilespmem:v42+s12+$0x0], $0xffff  }
0xf7: {  	v47 =	vadd.s32 $0x2500, v23;
	v43 =	vld.idx.msk [tilespmem:v43+s12+$0x0], $0xffff  }
0xf8: {  	v48 =	vadd.s32 $0x600, v22;
	v44 =	vld.idx.msk [tilespmem:v44+s12+$0x0], $0xffff  }
0xf9: {  	v49 =	vadd.s32 $0x1600, v22;
	v21 =	vld.idx.msk [tilespmem:v21+s12+$0x0], $0xffff  }
0xfa: {  	v50 =	vadd.s32 $0x2600, v22;
	v45 =	vld.idx.msk [tilespmem:v45+s12+$0x0], $0xffff  }
0xfb: {  	v22 =	vadd.s32 $0x3600, v22;
	v46 =	vld.idx.msk [tilespmem:v46+s12+$0x0], $0xffff  }
0xfc: {  	v13 =	vadd.s32 $0x700, v13;
	v61 =	vld.idx.msk [tilespmem:v47+s12+$0x0], $0xffff;
	v32 =	vadd.f32 v32, v33  }
0xfd: {  	v23 =	vadd.s32 $0x3500, v23;
	v62 =	vadd.s32 $0x3800, v18;
	v63 =	vld.idx.msk [tilespmem:v48+s12+$0x0], $0xffff;
	v17 =	vadd.f32 v19, v17  }
0xfe: {  	v18 =	vadd.s32 $0x2800, v18;
	v47 =	vld.idx.msk [tilespmem:v49+s12+$0x0], $0xffff;
	v29 =	vadd.f32 v31, v29;
	v14 =	vadd.f32 v14, v32  }
0xff: {  	v15 =	vadd.s32 $0x1B00, v15;
	v48 =	vld.idx.msk [tilespmem:v50+s12+$0x0], $0xffff;
	v16 =	vadd.f32 v16, v57;
	v17 =	vadd.f32 v37, v17  }
0x100: {  	v22 =	vld.idx.msk [tilespmem:v22+s12+$0x0], $0xffff;
	v49 =	vadd.s32 $0x2C00, v7;
	v29 =	vadd.f32 v38, v29;
	v14 =	vadd.f32 v40, v14  }
0x101: {  	v13 =	vld.idx.msk [tilespmem:v13+s12+$0x0], $0xffff;
	v50 =	vadd.s32 $0x1C00, v7;
	v16 =	vadd.f32 v35, v16;
	v17 =	vadd.f32 v39, v17  }
0x102: {  	v51 =	vadd.s32 $0x2D00, v10;
	v19 =	vld.idx.msk [tilespmem:v23+s12+$0x0], $0xffff;
	v29 =	vadd.f32 v41, v29;
	v14 =	vadd.f32 v43, v14  }
0x103: {  	v52 =	vadd.s32 $0x1D00, v10;
	v18 =	vld.idx.msk [tilespmem:v18+s12+$0x0], $0xffff;
	v16 =	vadd.f32 v20, v16;
	v17 =	vadd.f32 v42, v17  }
0x104: {  	v53 =	vadd.s32 $0xD00, v10;
	v54 =	vld.idx.msk [tilespmem:v15+s12+$0x0], $0xffff;
	v29 =	vadd.f32 v44, v29;
	v14 =	vadd.f32 v46, v14  }
0x105: {  	v10 =	vadd.s32 $0x3D00, v10;
	v55 =	vld.idx.msk [tilespmem:v49+s12+$0x0], $0xffff;
	v16 =	vadd.f32 v21, v16;
	v17 =	vadd.f32 v45, v17  }
0x106: {  	v56 =	vadd.s32 $0xC00, v7;
	v57 =	vld.idx.msk [tilespmem:v50+s12+$0x0], $0xffff;
	v15 =	vadd.f32 v61, v29;
	v14 =	vadd.f32 v47, v14  }
0x107: {  	v7 =	vadd.s32 $0x3C00, v7;
	v20 =	vld.idx.msk [tilespmem:v62+s12+$0x0], $0xffff;
	v16 =	vadd.f32 v19, v16;
	v17 =	vadd.f32 v63, v17  }
0x108: {  	v19 =	vld.idx.msk [tilespmem:v51+s12+$0x0], $0xffff;
	v15 =	vadd.f32 v48, v15;
	v14 =	vadd.f32 v30, v14  }
0x109: {  	v58 =	vadd.s32 $0x1E00, v3;
	v22 =	vadd.f32 v22, v16;
	v16 =	vld.idx.msk [tilespmem:v53+s12+$0x0], $0xffff;
	v13 =	vadd.f32 v13, v17  }
0x10a: {  	v60 =	vadd.s32 $0x2E00, v3;
	v17 =	vld.idx.msk [tilespmem:v52+s12+$0x0], $0xffff;
	v59 =	vadd.f32 v36, v15;
	v14 =	vadd.f32 v25, v14  }
0x10b: {  	v61 =	vadd.s32 $0xE00, v3;
	v22 =	vadd.f32 v28, v22;
	v15 =	vld.idx.msk [tilespmem:v10+s12+$0x0], $0xffff;
	v13 =	vadd.f32 v26, v13  }
0x10c: {  	v62 =	vadd.s32 $0x2F00, v0;
	v10 =	vld.idx.msk [tilespmem:v7+s12+$0x0], $0xffff;
	v18 =	vadd.f32 v18, v59;
	v11 =	vadd.f32 v11, v14  }
0x10d: {  	v63 =	vadd.s32 $0x3F00, v0;
	v20 =	vadd.f32 v20, v22;
	v14 =	vld.idx.msk [tilespmem:v56+s12+$0x0], $0xffff;
	v13 =	vadd.f32 v24, v13  }
0x10e: {  	v7 =	vadd.f32 v9, v18;
	v9 =	vld.idx.msk [tilespmem:v58+s12+$0x0], $0xffff;
	v18 =	vadd.s32 $0x1F00, v0;
	v11 =	vadd.f32 v34, v11  }
0x10f: {  	v20 =	vadd.f32 v6, v20;
	v6 =	vld.idx.msk [tilespmem:v60+s12+$0x0], $0xffff;
	v12 =	vadd.f32 v12, v13;
	v13 =	vadd.s32 $0x3E00, v3  }
0x110: {  	v0 =	vadd.s32 $0xF00, v0;
	v3 =	vadd.f32 v5, v7;
	v7 =	vld.idx.msk [tilespmem:v61+s12+$0x0], $0xffff;
	v11 =	vadd.f32 v54, v11  }
0x111: {  	v8 =	vadd.f32 v8, v20;
	v5 =	vld.idx.msk [tilespmem:v62+s12+$0x0], $0xffff;
	v4 =	vadd.f32 v4, v12  }
0x112: {  	v12 =	vadd.f32 v1, v3;
	v1 =	vld.idx.msk [tilespmem:v63+s12+$0x0], $0xffff;
	v20 =	vadd.f32 v57, v11  }
0x113: {  	v11 =	vadd.f32 v2, v8;
	v3 =	vadd.f32 v14, v4;
	v2 =	vld.idx.msk [tilespmem:v18+s12+$0x0], $0xffff  }
0x114: {  	s19 =	simm.s32 $0x40;
	v12 =	vadd.f32 v55, v12;
	v4 =	vld.idx.msk [tilespmem:v13+s12+$0x0], $0xffff;
	v8 =	vadd.f32 v17, v20  }
.LBB2_4:
0x115: {  	s20 =	sshra.s32 s19, $0x2;
	p0 =	sne.s32 s19, $0x1FC0;
	s19 =	sadd.s32 $0x40, s19;
	v10 =	vadd.f32 v10, v11;
	v11 =	vld.idx.msk [tilespmem:v0+s12+$0x0], $0xffff  }
0x116: {  	v0 =	vld [tilespmem:s20+$0xF800];
	v12 =	vadd.f32 v19, v12  }
0x117: {  	v8 =	vadd.f32 v9, v8;
	v19 =	vld [tilespmem:s20+$0x7800];
	v10 =	vadd.f32 v15, v10  }
0x118: {  	v9 =	vadd.f32 v16, v3;
	v13 =	vld [tilespmem:s20+$0x9800]  }
0x119: {  	v12 =	vadd.f32 v6, v12;
	v2 =	vadd.f32 v2, v8;
	v3 =	vld [tilespmem:s20+$0xD800]  }
0x11a: {  	v7 =	vadd.f32 v7, v9;
	v4 =	vadd.f32 v4, v10;
	v6 =	vld [tilespmem:s20+$0xC800]  }
0x11b: {  	v5 =	vadd.f32 v5, v12;
	v14 =	vld [tilespmem:s20+$0x2800];
	[tilespmem:s18+$0x14840] =	vst v2  }
0x11c: {  	v2 =	vadd.f32 v11, v7;
	v1 =	vadd.f32 v1, v4;
	v9 =	vld [tilespmem:s20+$0xB800]  }
0x11d: {  	v18 =	vld [tilespmem:s20+$0x1800];
	[tilespmem:s18+$0x15040] =	vst v5  }
0x11e: {  	v20 =	vld [tilespmem:s20+$0x800];
	[tilespmem:s18+$0x15840] =	vst v1  }
0x11f: {  	v21 =	vld [tilespmem:s20+$0x8800];
	[tilespmem:s18+$0x14040] =	vst v2;
	s18 =	smov.u32 s20  }
0x120: {  	v1 =	vld [tilespmem:s18+$0xA800]  }
0x121: {  	v7 =	vld [tilespmem:s18+$0x3800];
	v4 =	vadd.s32 $0xB00, v9;
	v5 =	vadd.s32 $0x2B00, v9;
	v8 =	vadd.s32 $0x3B00, v9  }
0x122: {  	v23 =	vadd.s32 $0x2700, v19;
	v24 =	vadd.s32 $0x3700, v19;
	v22 =	vadd.s32 $0x3100, v18;
	v15 =	vld [tilespmem:s18+$0x4800]  }
0x123: {  	v17 =	vadd.s32 $0x900, v13;
	v11 =	vadd.s32 $0x2900, v13;
	v16 =	vadd.s32 $0x3900, v13;
	v25 =	vld [tilespmem:s18+$0x6800]  }
0x124: {  	v26 =	vadd.s32 $0x1700, v19;
	v10 =	vadd.s32 $0x1900, v13;
	v12 =	vadd.s32 $0x2800, v21;
	v2 =	vld [tilespmem:s18+$0xE800]  }
0x125: {  	v27 =	vld [tilespmem:s18+$0x5800];
	v28 =	vadd.s32 $0x1A00, v1;
	v13 =	vadd.s32 $0x2A00, v1;
	v29 =	vadd.s32 $0x3A00, v1  }
0x126: {  	v31 =	vadd.s32 $0x1800, v21;
	v32 =	vadd.s32 $0xA00, v1;
	v30 =	vadd.s32 $0x300, v7;
	v1 =	vld.idx.msk [tilespmem:v5+s12+$0x0], $0xffff  }
0x127: {  	v34 =	vadd.s32 $0x800, v21;
	v33 =	vadd.s32 $0x1300, v7;
	v5 =	vld.idx.msk [tilespmem:v4+s12+$0x0], $0xffff  }
0x128: {  	v35 =	vadd.s32 $0x2300, v7;
	v4 =	vld.idx.msk [tilespmem:v8+s12+$0x0], $0xffff  }
0x129: {  	v36 =	vadd.s32 $0x1200, v14;
	v37 =	vadd.s32 $0x3300, v7;
	v10 =	vld.idx.msk [tilespmem:v10+s12+$0x0], $0xffff  }
0x12a: {  	v38 =	vadd.s32 $0x2200, v14;
	v39 =	vadd.s32 $0x400, v15;
	v8 =	vld.idx.msk [tilespmem:v16+s12+$0x0], $0xffff  }
0x12b: {  	v40 =	vadd.s32 $0x3000, v20;
	v41 =	vadd.s32 $0x1400, v15;
	v7 =	vld.idx.msk [tilespmem:v13+s12+$0x0], $0xffff  }
0x12c: {  	v42 =	vadd.s32 $0x2400, v15;
	v11 =	vld.idx.msk [tilespmem:v11+s12+$0x0], $0xffff  }
0x12d: {  	v43 =	vadd.s32 $0x3200, v14;
	v44 =	vadd.s32 $0x3400, v15;
	v16 =	vld.idx.msk [tilespmem:v31+s12+$0x0], $0xffff  }
0x12e: {  	v45 =	vadd.s32 $0x500, v27;
	v31 =	vadd.s32 $0x200, v14;
	v15 =	vld.idx.msk [tilespmem:v34+s12+$0x0], $0xffff  }
0x12f: {  	v46 =	vadd.s32 $0x1500, v27;
	v34 =	vadd.s32 $0x2100, v18;
	v13 =	vld.idx.msk [tilespmem:v32+s12+$0x0], $0xffff  }
0x130: {  	v32 =	vld.idx.msk [tilespmem:v40+s12+$0x0], $0xffff;
	v40 =	vadd.s32 $0x2500, v27  }
0x131: {  	v47 =	vadd.s32 $0x100, v18;
	v27 =	vadd.s32 $0x3500, v27;
	v14 =	vld.idx.msk [tilespmem:v29+s12+$0x0], $0xffff  }
0x132: {  	v29 =	vadd.s32 $0x600, v25;
	v17 =	vld.idx.msk [tilespmem:v17+s12+$0x0], $0xffff  }
0x133: {  	v48 =	vadd.s32 $0x2000, v20;
	v49 =	vadd.s32 $0x1600, v25;
	v26 =	vld.idx.msk [tilespmem:v26+s12+$0x0], $0xffff  }
0x134: {  	v50 =	vadd.s32 $0x1100, v18;
	v51 =	vadd.s32 $0x2600, v25;
	v34 =	vld.idx.msk [tilespmem:v34+s12+$0x0], $0xffff  }
0x135: {  	v52 =	vadd.s32 $0x1000, v20;
	v25 =	vadd.s32 $0x3600, v25;
	v18 =	vld.idx.msk [tilespmem:v28+s12+$0x0], $0xffff  }
0x136: {  	v19 =	vadd.s32 $0x700, v19;
	v28 =	vld.idx.msk [tilespmem:v47+s12+$0x0], $0xffff  }
0x137: {  	v20 =	vld.idx.msk [tilespmem:v20+s12+$0x0], $0xffff  }
0x138: {  	v47 =	vld.idx.msk [tilespmem:v48+s12+$0x0], $0xffff  }
0x139: {  	v21 =	vadd.s32 $0x3800, v21;
	v48 =	vld.idx.msk [tilespmem:v50+s12+$0x0], $0xffff  }
0x13a: {  	v50 =	vld.idx.msk [tilespmem:v52+s12+$0x0], $0xffff  }
0x13b: {  	v22 =	vld.idx.msk [tilespmem:v22+s12+$0x0], $0xffff  }
0x13c: {  	v24 =	vld.idx.msk [tilespmem:v24+s12+$0x0], $0xffff  }
0x13d: {  	v20 =	vadd.f32 v28, v20;
	v28 =	vld.idx.msk [tilespmem:v43+s12+$0x0], $0xffff  }
0x13e: {  	v34 =	vadd.f32 v34, v47;
	v23 =	vld.idx.msk [tilespmem:v23+s12+$0x0], $0xffff  }
0x13f: {  	v31 =	vld.idx.msk [tilespmem:v31+s12+$0x0], $0xffff  }
0x140: {  	v43 =	vadd.f32 v48, v50;
	v38 =	vld.idx.msk [tilespmem:v38+s12+$0x0], $0xffff  }
0x141: {  	v22 =	vadd.f32 v22, v32;
	v32 =	vld.idx.msk [tilespmem:v36+s12+$0x0], $0xffff  }
0x142: {  	v30 =	vld.idx.msk [tilespmem:v30+s12+$0x0], $0xffff  }
0x143: {  	v22 =	vadd.f32 v28, v22;
	v28 =	vld.idx.msk [tilespmem:v33+s12+$0x0], $0xffff  }
0x144: {  	v33 =	vld.idx.msk [tilespmem:v35+s12+$0x0], $0xffff  }
0x145: {  	v35 =	vld.idx.msk [tilespmem:v37+s12+$0x0], $0xffff  }
0x146: {  	v36 =	vld.idx.msk [tilespmem:v39+s12+$0x0], $0xffff  }
0x147: {  	v32 =	vadd.f32 v32, v43;
	v39 =	vadd.s32 $0xC00, v6;
	v37 =	vld.idx.msk [tilespmem:v41+s12+$0x0], $0xffff  }
0x148: {  	v41 =	vld.idx.msk [tilespmem:v42+s12+$0x0], $0xffff;
	v42 =	vadd.s32 $0x3D00, v3  }
0x149: {  	v43 =	vadd.s32 $0xD00, v3;
	v28 =	vadd.f32 v28, v32;
	v32 =	vld.idx.msk [tilespmem:v44+s12+$0x0], $0xffff  }
0x14a: {  	v44 =	vld.idx.msk [tilespmem:v45+s12+$0x0], $0xffff  }
0x14b: {  	v22 =	vadd.f32 v35, v22;
	v35 =	vld.idx.msk [tilespmem:v46+s12+$0x0], $0xffff  }
0x14c: {  	v40 =	vld.idx.msk [tilespmem:v40+s12+$0x0], $0xffff  }
0x14d: {  	v20 =	vadd.f32 v31, v20;
	v31 =	vadd.f32 v38, v34;
	v27 =	vld.idx.msk [tilespmem:v27+s12+$0x0], $0xffff  }
0x14e: {  	v34 =	vadd.s32 $0x3C00, v6;
	v28 =	vadd.f32 v37, v28;
	v29 =	vld.idx.msk [tilespmem:v29+s12+$0x0], $0xffff  }
0x14f: {  	v20 =	vadd.f32 v30, v20;
	v30 =	vadd.f32 v33, v31;
	v31 =	vld.idx.msk [tilespmem:v49+s12+$0x0], $0xffff  }
0x150: {  	v9 =	vadd.s32 $0x1B00, v9;
	v33 =	vld.idx.msk [tilespmem:v51+s12+$0x0], $0xffff  }
0x151: {  	v20 =	vadd.f32 v36, v20;
	v36 =	vadd.s32 $0x2C00, v6;
	v30 =	vadd.f32 v41, v30;
	v25 =	vld.idx.msk [tilespmem:v25+s12+$0x0], $0xffff  }
0x152: {  	v6 =	vadd.s32 $0x1C00, v6;
	v22 =	vadd.f32 v32, v22;
	v28 =	vadd.f32 v35, v28;
	v32 =	vld.idx.msk [tilespmem:v19+s12+$0x0], $0xffff  }
0x153: {  	v19 =	vadd.f32 v44, v20;
	v20 =	vadd.f32 v40, v30;
	v30 =	vadd.s32 $0x2D00, v3;
	v21 =	vld.idx.msk [tilespmem:v21+s12+$0x0], $0xffff  }
0x154: {  	v22 =	vadd.f32 v27, v22;
	v3 =	vadd.s32 $0x1D00, v3;
	v12 =	vld.idx.msk [tilespmem:v12+s12+$0x0], $0xffff  }
0x155: {  	v27 =	vadd.f32 v29, v19;
	v29 =	vld.idx.msk [tilespmem:v9+s12+$0x0], $0xffff  }
0x156: {  	v9 =	vadd.f32 v31, v28;
	v28 =	vld.idx.msk [tilespmem:v36+s12+$0x0], $0xffff  }
0x157: {  	v20 =	vadd.f32 v33, v20;
	v31 =	vld.idx.msk [tilespmem:v6+s12+$0x0], $0xffff  }
0x158: {  	v6 =	vadd.f32 v25, v22;
	v9 =	vadd.f32 v26, v9;
	v19 =	vld.idx.msk [tilespmem:v30+s12+$0x0], $0xffff  }
0x159: {  	v22 =	vadd.f32 v32, v27;
	v20 =	vadd.f32 v23, v20;
	v23 =	vld.idx.msk [tilespmem:v3+s12+$0x0], $0xffff;
	v3 =	vadd.s32 $0x1E00, v2  }
0x15a: {  	v6 =	vadd.f32 v24, v6;
	v9 =	vadd.f32 v16, v9;
	v24 =	vadd.s32 $0x2E00, v2;
	v16 =	vld.idx.msk [tilespmem:v43+s12+$0x0], $0xffff  }
0x15b: {  	v22 =	vadd.f32 v15, v22;
	v12 =	vadd.f32 v12, v20;
	v20 =	vadd.s32 $0xE00, v2;
	v15 =	vld.idx.msk [tilespmem:v42+s12+$0x0], $0xffff  }
0x15c: {  	v25 =	vadd.s32 $0x2F00, v0;
	v6 =	vadd.f32 v21, v6;
	v9 =	vadd.f32 v10, v9;
	v21 =	vld.idx.msk [tilespmem:v39+s12+$0x0], $0xffff  }
0x15d: {  	v17 =	vadd.f32 v17, v22;
	v11 =	vadd.f32 v11, v12;
	v12 =	vadd.s32 $0x3F00, v0;
	v10 =	vld.idx.msk [tilespmem:v34+s12+$0x0], $0xffff  }
0x15e: {  	v22 =	vadd.s32 $0x1F00, v0;
	v8 =	vadd.f32 v8, v6;
	v18 =	vadd.f32 v18, v9;
	v9 =	vld.idx.msk [tilespmem:v3+s12+$0x0], $0xffff  }
0x15f: {  	v11 =	vadd.f32 v7, v11;
	v3 =	vadd.f32 v13, v17;
	v13 =	vadd.s32 $0x3E00, v2;
	v6 =	vld.idx.msk [tilespmem:v24+s12+$0x0], $0xffff  }
.Ltmp1:
0x160: {  	v0 =	vadd.s32 $0xF00, v0;
	v2 =	vadd.f32 v14, v8;
	v8 =	vadd.f32 v29, v18;
	v7 =	vld.idx.msk [tilespmem:v20+s12+$0x0], $0xffff;
	(pc) =	sbr.rel @p0 .LBB2_4-.Ltmp1, $4  }
0x161: {  	v3 =	vadd.f32 v5, v3;
	v5 =	vld.idx.msk [tilespmem:v25+s12+$0x0], $0xffff  }
0x162: {  	v14 =	vadd.f32 v1, v11;
	v8 =	vadd.f32 v31, v8;
	v1 =	vld.idx.msk [tilespmem:v12+s12+$0x0], $0xffff  }
0x163: {  	v11 =	vadd.f32 v4, v2;
	v3 =	vadd.f32 v21, v3;
	v2 =	vld.idx.msk [tilespmem:v22+s12+$0x0], $0xffff  }
0x164: {  	v12 =	vadd.f32 v28, v14;
	v8 =	vadd.f32 v23, v8;
	v4 =	vld.idx.msk [tilespmem:v13+s12+$0x0], $0xffff  }
0x165: {  	_ =	sdelay $0x3  }
0x166: {  	v10 =	vadd.f32 v10, v11;
	v0 =	vld.idx.msk [tilespmem:v0+s12+$0x0], $0xffff;
	v63 =	vadd.f32 v19, v12  }
0x167: {  	v3 =	vadd.f32 v16, v3;
	v8 =	vadd.f32 v9, v8  }
0x168: {  	v10 =	vadd.f32 v15, v10;
	v6 =	vadd.f32 v6, v63  }
0x169: {  	v3 =	vadd.f32 v7, v3;
	v2 =	vadd.f32 v2, v8  }
0x16a: {  	v4 =	vadd.f32 v4, v10;
	v5 =	vadd.f32 v5, v6  }
0x16b: {  	[tilespmem:s18+$0x14840] =	vst v2;
	v0 =	vadd.f32 v0, v3  }
0x16c: {  	s17 =	sadd.s32 $0x1, s17;
	v1 =	vadd.f32 v1, v4;
	[tilespmem:s18+$0x15040] =	vst v5  }
0x16d: {  	p0 =	sne.s32 s17, s8;
	[tilespmem:s18+$0x14040] =	vst v0  }
.Ltmp2:
0x16e: {  	[tilespmem:s18+$0x15840] =	vst v1;
	(pc) =	sbr.rel @p0 .LBB2_1-.Ltmp2, $4  }
0x16f: {  	[hbm4b:s7+s14] =	stream.strided.scatter [tilespmem:s16], [sflag:$0x2], $0x2000, s15, s14, $0x38;
	[tilespmem:$0x16040] =	vst v63  }
0x170: {  	_ =	swait.ge [sflag:s9], $0x2000  }
0x171: {  	[sflag:s9] =	ssyncset.done $0x0  }
0x172: {  	[sflag:s9] =	ssyncadd.s32 $0xFFFFE000  }
0x173: {  	_ =	sfence.sel $0x180000  }
0x174: {  	[bflag:$0x0] =	sbarrier.arrive $0xFFFF  }
0x175: {  	p0 =	sne.s32 s1, $0x0;
	_ =	strace $0x90000047  }
0x176: {  	s0 =	sadd.s32 @!p0 $0x100000, s0;
	[bflag:$0x2] =	sbarrier.arrive $0xFFFF  }
0x177: {  	[sflag:s0] =	ssyncadd.tile.s32 @!p0 $0x1;
	_ =	shalt  }
.Lfunc_end2:
_tile_overlayer_lowered:
.L_overlay_start_2:
0x178: {  	(tag) =	ssettag $0x2  }
0x179: {  	s0 =	rddreg [dreg:$0x0];
	s2 =	stileid.u32  }
0x17a: {  	s1 =	rddreg [dreg:$0x1];
	p0 =	sne.s32 s2, $0x0  }
0x17b: {  	s3 =	rddreg [dreg:$0x2];
	[bflag:$0x3] =	sbarrier.arrive $0xFFFF;
	s2 =	simm.s32 @!p0 $0x1C02  }
0x17c: {  	[timem:s3], [sflag:s2] =	dma.local @!p0 [hbm:s0], s1  }
0x17d: {  	s0 =	simm.s32 @!p0 $0x2  }
0x17e: {  	_ =	swait.ge @!p0 [sflag:s0], s1  }
0x17f: {  	s1 =	ssub.s32 @!p0 $0x0, s1;
	[sflag:s0] =	ssyncset.done @!p0 $0x0  }
0x180: {  	[sflag:s0] =	ssyncadd.s32 @!p0 s1  }
0x181: {  	[bflag:$0x3] =	sbarrier.arrive $0xFFFF  }
0x182: {  	_ =	shalt  }

</sc_bundles>
